<compile_context>
chip_gen: v7x
topology: tpu7x:2x2x1
jax: 0.10.2.dev20260603
libtpu: 0.0.44.dev20260713+nightly
codegen_flags: <defaults>
</compile_context>

<pallas_src>
import functools

import jax
import jax.numpy as jnp
from jax import lax
from jax.experimental import pallas as pl
from jax.experimental.pallas import tpu as pltpu
from jax.experimental.pallas import tpu_sc as plsc

B, S, V = 32, 32, 100000
N = B * S
L = 16
NC, NS = 2, 16
NW = NC * NS
PER_TILE = N // NW
CHUNKS = PER_TILE // L


def _sc_body(pred_hbm, tgt_hbm, rew_hbm, out_hbm,
             tgt_v, rew_v, buf_v, accv_v, sem):
    c = lax.axis_index("c")
    s = lax.axis_index("s")
    wid = c * NS + s
    bpt = PER_TILE // S
    base = pl.multiple_of(wid * PER_TILE, 8)

    band_t = pltpu.async_copy(tgt_hbm.at[pl.ds(base, PER_TILE)], tgt_v, sem)
    band_r = pltpu.async_copy(rew_hbm.at[pl.ds(base, PER_TILE)], rew_v, sem)
    band_t.wait()
    band_r.wait()

    iot = lax.iota(jnp.int32, L)
    copies = []
    cols = []
    lanes = []
    t_halves = []
    for j in range(CHUNKS):
        t_vec = tgt_v[pl.ds(j * L, L)]
        t_halves.append(t_vec)
        bi = wid * bpt + (j * L) // S
        for i in range(L):
            k = j * L + i
            si = (j * L) % S + i
            t = t_vec[i]
            v0 = pl.multiple_of(lax.bitwise_and(t, ~127), 128)
            cols.append(lax.bitwise_and(t, 127 & ~15))
            lanes.append(lax.bitwise_and(t, 15))
            copies.append(pltpu.async_copy(
                pred_hbm.at[bi, pl.ds(si & ~7, 8), pl.ds(v0, 128)],
                buf_v.at[k], sem))
    acc = jnp.zeros((L,), jnp.float32)
    for j in range(CHUNKS):
        for i in range(L):
            copies[j * L + i].wait()
        rew_cv = rew_v[pl.ds(j * L, L)]
        for i in range(L):
            k = j * L + i
            row16 = buf_v[k, k & 7, pl.ds(cols[k], L)]
            acc = acc + jnp.where(iot == lanes[k], rew_cv[i],
                                  jnp.float32(0.0)) * row16
    accv_v[...] = acc
    pltpu.sync_copy(accv_v, out_hbm.at[pl.ds(wid * L, L)])


@jax.jit
def _pg_loss_sc(pred, tgt2d, rew2d):
    mesh = plsc.VectorSubcoreMesh(core_axis_name="c", subcore_axis_name="s", num_cores=NC)
    f = functools.partial(
        pl.kernel,
        mesh=mesh,
        out_type=jax.ShapeDtypeStruct((NW * L,), jnp.float32),
        scratch_types=[
            pltpu.VMEM((PER_TILE,), jnp.int32),
            pltpu.VMEM((PER_TILE,), jnp.float32),
            pltpu.VMEM((PER_TILE, 8, 128), jnp.float32),
            pltpu.VMEM((L,), jnp.float32),
            pltpu.SemaphoreType.DMA,
        ],
    )(_sc_body)
    return f(pred, tgt2d, rew2d)


def _tc_reduce_body(part_ref, out_ref):
    out_ref[0, 0] = jnp.sum(part_ref[...]) * (-1.0 / N)


@jax.jit
def _tc_reduce(partials):
    return pl.pallas_call(
        _tc_reduce_body,
        out_shape=jax.ShapeDtypeStruct((1, 1), jnp.float32),
        in_specs=[pl.BlockSpec(memory_space=pltpu.VMEM)],
        out_specs=pl.BlockSpec(memory_space=pltpu.SMEM),
    )(partials)


def kernel(pred, target, reward):
    tgt1d = target.reshape(N).astype(jnp.int32)
    rew1d = reward.reshape(N).astype(jnp.float32)
    partials = _pg_loss_sc(pred, tgt1d, rew1d)
    return _tc_reduce(partials)[0, 0]

# --- scband reference (transcript-rebuilt; emitter-appended) ---
"""Pipeline reference for scband-pgloss-62414464746018 (READ-ONLY COPY).

The authoritative reference and input builder live on the scoring server;
editing this copy changes nothing except your own understanding.
"""

import jax, jax.numpy as jnp
import numpy as np

B, S, V = 32, 32, 100000

def setup_inputs(seed: int = 0) -> dict:
    key = jax.random.key(seed)
    k1, k2, k3 = jax.random.split(key, 3)
    pred = jax.random.normal(k1, (B, S, V), dtype=jnp.float32)
    target = jax.random.randint(k2, (B, S), 0, V, dtype=jnp.int64)
    reward = jax.random.uniform(k3, (B, S), dtype=jnp.float32)
    return {"pred": pred, "target": target, "reward": reward}

def reference(pred, target, reward):
    # one_hot.scatter_(2, target.expand_as(pred), 1) followed by masked_select
    # is equivalent to gathering pred at the target index along the vocab dim.
    selected = jnp.take_along_axis(pred, target[..., None], axis=2)[..., 0]
    loss = selected * reward
    loss = -jnp.sum(loss) / (pred.shape[0] * pred.shape[1])
    return loss

if __name__ == "__main__":
    import jax
    _d = setup_inputs()
    print(jax.jit(kernel)(*tuple(_d.values())))

</pallas_src>

<mosaic_0001>
#map = affine_map<(d0, d1) -> (0, 0, 0)>
#map1 = affine_map<(d0, d1) -> (0)>
module attributes {stable_mosaic.version = 14 : i64} {
  func.func @_sc_body(%arg0: i32, %arg1: i32, %arg2: memref<32x32x100000xf32, #tpu.memory_space<hbm>>, %arg3: memref<1024xi32, #tpu.memory_space<hbm>>, %arg4: memref<1024xf32, #tpu.memory_space<hbm>>, %arg5: memref<512xf32, #tpu.memory_space<hbm>>, %arg6: memref<32xi32, #tpu.memory_space<vmem>>, %arg7: memref<32xf32, #tpu.memory_space<vmem>>, %arg8: memref<32x8x128xf32, #tpu.memory_space<vmem>>, %arg9: memref<16xf32, #tpu.memory_space<vmem>>, %arg10: memref<!tpu.dma_semaphore, #tpu.memory_space<semaphore_mem>>) attributes {dimension_semantics = [#tpu.dimension_semantics<core_parallel>, #tpu.dimension_semantics<subcore_parallel>], iteration_bounds = array<i64: 2, 16>, scalar_prefetch = 0 : i64, scratch_operands = 5 : i64, tpu.core_type = #tpu.core_type<sc_vector_subcore>, window_params = [{transform_indices = #map}, {transform_indices = #map1}, {transform_indices = #map1}, {transform_indices = #map1}]} {
    %mul3A = arith.constant 16 : i32
    %mul3A_0 = arith.muli %arg0, %mul3A : i32
    %add3A = arith.addi %mul3A_0, %arg1 : i32
    %mul3A_1 = arith.constant 32 : i32
    %mul3A_2 = arith.muli %add3A, %mul3A_1 : i32
    %multiple_of3A = tpu.assume_multiple %mul3A_2, 8 : i32
    %dma_start3A = tpu.memref_slice %arg3[%multiple_of3A] : memref<1024xi32, #tpu.memory_space<hbm>> -> memref<32xi32, #tpu.memory_space<hbm>>
    %dma_start3A_3 = tpu.memref_slice %arg3[%multiple_of3A] : memref<1024xi32, #tpu.memory_space<hbm>> -> memref<32xi32, #tpu.memory_space<hbm>>
    tpu.enqueue_dma source(%dma_start3A_3 : memref<32xi32, #tpu.memory_space<hbm>>) target(%arg6 : memref<32xi32, #tpu.memory_space<vmem>>) target_semaphore(%arg10 : memref<!tpu.dma_semaphore, #tpu.memory_space<semaphore_mem>>)
    %dma_start3A_4 = tpu.memref_slice %arg4[%multiple_of3A] : memref<1024xf32, #tpu.memory_space<hbm>> -> memref<32xf32, #tpu.memory_space<hbm>>
    %dma_start3A_5 = tpu.memref_slice %arg4[%multiple_of3A] : memref<1024xf32, #tpu.memory_space<hbm>> -> memref<32xf32, #tpu.memory_space<hbm>>
    tpu.enqueue_dma source(%dma_start3A_5 : memref<32xf32, #tpu.memory_space<hbm>>) target(%arg7 : memref<32xf32, #tpu.memory_space<vmem>>) target_semaphore(%arg10 : memref<!tpu.dma_semaphore, #tpu.memory_space<semaphore_mem>>)
    %dma_wait3A = tpu.memref_slice %arg3[%multiple_of3A] : memref<1024xi32, #tpu.memory_space<hbm>> -> memref<32xi32, #tpu.memory_space<hbm>>
    %dma_wait3A_6 = tpu.memref_slice %arg3[%multiple_of3A] : memref<1024xi32, #tpu.memory_space<hbm>> -> memref<32xi32, #tpu.memory_space<hbm>>
    tpu.wait_dma2 semaphore(%arg10 : memref<!tpu.dma_semaphore, #tpu.memory_space<semaphore_mem>>) src(%dma_wait3A_6 : memref<32xi32, #tpu.memory_space<hbm>>) dst(%arg6 : memref<32xi32, #tpu.memory_space<vmem>>)
    %dma_wait3A_7 = tpu.memref_slice %arg4[%multiple_of3A] : memref<1024xf32, #tpu.memory_space<hbm>> -> memref<32xf32, #tpu.memory_space<hbm>>
    %dma_wait3A_8 = tpu.memref_slice %arg4[%multiple_of3A] : memref<1024xf32, #tpu.memory_space<hbm>> -> memref<32xf32, #tpu.memory_space<hbm>>
    tpu.wait_dma2 semaphore(%arg10 : memref<!tpu.dma_semaphore, #tpu.memory_space<semaphore_mem>>) src(%dma_wait3A_8 : memref<32xf32, #tpu.memory_space<hbm>>) dst(%arg7 : memref<32xf32, #tpu.memory_space<vmem>>)
    %iota3A = tpu.iota {dimensions = array<i32: 0>} : vector<16xi32>
    %get3A = arith.constant 0 : index
    %get3A_9 = tpu.vector_load %arg6[%get3A] {strides = array<i32>} : memref<32xi32, #tpu.memory_space<vmem>>, vector<16xi32>,
    %get3A_10 = vector.shape_cast %get3A_9 : vector<16xi32> to vector<16xi32>
    %mul3A_11 = arith.constant 1 : i32
    %mul3A_12 = arith.muli %add3A, %mul3A_11 : i32
    %add3A_13 = arith.constant 0 : i32
    %add3A_14 = arith.addi %mul3A_12, %add3A_13 : i32
    %slice3A = vector.extract_strided_slice %get3A_10 {offsets = [0], sizes = [1], strides = [1]} : vector<16xi32> to vector<1xi32>
    %squeeze3A = vector.extract %slice3A[0] : i32 from vector<1xi32>
    %and3A = arith.constant -128 : i32
    %and3A_15 = arith.andi %squeeze3A, %and3A : i32
    %multiple_of3A_16 = tpu.assume_multiple %and3A_15, 128 : i32
    %and3A_17 = arith.constant 112 : i32
    %and3A_18 = arith.andi %squeeze3A, %and3A_17 : i32
    %and3A_19 = arith.constant 15 : i32
    %and3A_20 = arith.andi %squeeze3A, %and3A_19 : i32
    %dma_start3A_21 = arith.constant 0 : i32
    %dma_start3A_22 = arith.constant 0 : i32
    %dma_start3A_23 = arith.constant 0 : i32
    %dma_start3A_24 = tpu.memref_slice %arg8[%dma_start3A_21, %dma_start3A_22, %dma_start3A_23] : memref<32x8x128xf32, #tpu.memory_space<vmem>> -> memref<1x8x128xf32, #tpu.memory_space<vmem>>
    %dma_start3A_25 = tpu.memref_squeeze %dma_start3A_24 : memref<1x8x128xf32, #tpu.memory_space<vmem>> -> memref<8x128xf32, #tpu.memory_space<vmem>>
    %dma_start3A_26 = arith.constant 0 : i32
    %dma_start3A_27 = tpu.memref_slice %arg2[%add3A_14, %dma_start3A_26, %multiple_of3A_16] : memref<32x32x100000xf32, #tpu.memory_space<hbm>> -> memref<1x8x128xf32, #tpu.memory_space<hbm>>
    %dma_start3A_28 = tpu.memref_squeeze %dma_start3A_27 : memref<1x8x128xf32, #tpu.memory_space<hbm>> -> memref<8x128xf32, #tpu.memory_space<hbm>>
    %dma_start3A_29 = arith.constant 0 : i32
    %dma_start3A_30 = arith.constant 0 : i32
    %dma_start3A_31 = tpu.memref_slice %arg8[%dma_start3A_21, %dma_start3A_29, %dma_start3A_30] : memref<32x8x128xf32, #tpu.memory_space<vmem>> -> memref<1x8x128xf32, #tpu.memory_space<vmem>>
    %dma_start3A_32 = tpu.memref_squeeze %dma_start3A_31 : memref<1x8x128xf32, #tpu.memory_space<vmem>> -> memref<8x128xf32, #tpu.memory_space<vmem>>
    %dma_start3A_33 = arith.constant 0 : i32
    %dma_start3A_34 = tpu.memref_slice %arg2[%add3A_14, %dma_start3A_33, %multiple_of3A_16] : memref<32x32x100000xf32, #tpu.memory_space<hbm>> -> memref<1x8x128xf32, #tpu.memory_space<hbm>>
    %dma_start3A_35 = tpu.memref_squeeze %dma_start3A_34 : memref<1x8x128xf32, #tpu.memory_space<hbm>> -> memref<8x128xf32, #tpu.memory_space<hbm>>
    tpu.enqueue_dma source(%dma_start3A_35 : memref<8x128xf32, #tpu.memory_space<hbm>>) target(%dma_start3A_32 : memref<8x128xf32, #tpu.memory_space<vmem>>) target_semaphore(%arg10 : memref<!tpu.dma_semaphore, #tpu.memory_space<semaphore_mem>>)
    %slice3A_36 = vector.extract_strided_slice %get3A_10 {offsets = [1], sizes = [1], strides = [1]} : vector<16xi32> to vector<1xi32>
    %squeeze3A_37 = vector.extract %slice3A_36[0] : i32 from vector<1xi32>
    %and3A_38 = arith.constant -128 : i32
    %and3A_39 = arith.andi %squeeze3A_37, %and3A_38 : i32
    %multiple_of3A_40 = tpu.assume_multiple %and3A_39, 128 : i32
    %and3A_41 = arith.constant 112 : i32
    %and3A_42 = arith.andi %squeeze3A_37, %and3A_41 : i32
    %and3A_43 = arith.constant 15 : i32
    %and3A_44 = arith.andi %squeeze3A_37, %and3A_43 : i32
    %dma_start3A_45 = arith.constant 1 : i32
    %dma_start3A_46 = arith.constant 0 : i32
    %dma_start3A_47 = arith.constant 0 : i32
    %dma_start3A_48 = tpu.memref_slice %arg8[%dma_start3A_45, %dma_start3A_46, %dma_start3A_47] : memref<32x8x128xf32, #tpu.memory_space<vmem>> -> memref<1x8x128xf32, #tpu.memory_space<vmem>>
    %dma_start3A_49 = tpu.memref_squeeze %dma_start3A_48 : memref<1x8x128xf32, #tpu.memory_space<vmem>> -> memref<8x128xf32, #tpu.memory_space<vmem>>
    %dma_start3A_50 = arith.constant 0 : i32
    %dma_start3A_51 = tpu.memref_slice %arg2[%add3A_14, %dma_start3A_50, %multiple_of3A_40] : memref<32x32x100000xf32, #tpu.memory_space<hbm>> -> memref<1x8x128xf32, #tpu.memory_space<hbm>>
    %dma_start3A_52 = tpu.memref_squeeze %dma_start3A_51 : memref<1x8x128xf32, #tpu.memory_space<hbm>> -> memref<8x128xf32, #tpu.memory_space<hbm>>
    %dma_start3A_53 = arith.constant 0 : i32
    %dma_start3A_54 = arith.constant 0 : i32
    %dma_start3A_55 = tpu.memref_slice %arg8[%dma_start3A_45, %dma_start3A_53, %dma_start3A_54] : memref<32x8x128xf32, #tpu.memory_space<vmem>> -> memref<1x8x128xf32, #tpu.memory_space<vmem>>
    %dma_start3A_56 = tpu.memref_squeeze %dma_start3A_55 : memref<1x8x128xf32, #tpu.memory_space<vmem>> -> memref<8x128xf32, #tpu.memory_space<vmem>>
    %dma_start3A_57 = arith.constant 0 : i32
    %dma_start3A_58 = tpu.memref_slice %arg2[%add3A_14, %dma_start3A_57, %multiple_of3A_40] : memref<32x32x100000xf32, #tpu.memory_space<hbm>> -> memref<1x8x128xf32, #tpu.memory_space<hbm>>
    %dma_start3A_59 = tpu.memref_squeeze %dma_start3A_58 : memref<1x8x128xf32, #tpu.memory_space<hbm>> -> memref<8x128xf32, #tpu.memory_space<hbm>>
    tpu.enqueue_dma source(%dma_start3A_59 : memref<8x128xf32, #tpu.memory_space<hbm>>) target(%dma_start3A_56 : memref<8x128xf32, #tpu.memory_space<vmem>>) target_semaphore(%arg10 : memref<!tpu.dma_semaphore, #tpu.memory_space<semaphore_mem>>)
    %slice3A_60 = vector.extract_strided_slice %get3A_10 {offsets = [2], sizes = [1], strides = [1]} : vector<16xi32> to vector<1xi32>
    %squeeze3A_61 = vector.extract %slice3A_60[0] : i32 from vector<1xi32>
    %and3A_62 = arith.constant -128 : i32
    %and3A_63 = arith.andi %squeeze3A_61, %and3A_62 : i32
    %multiple_of3A_64 = tpu.assume_multiple %and3A_63, 128 : i32
    %and3A_65 = arith.constant 112 : i32
    %and3A_66 = arith.andi %squeeze3A_61, %and3A_65 : i32
    %and3A_67 = arith.constant 15 : i32
    %and3A_68 = arith.andi %squeeze3A_61, %and3A_67 : i32
    %dma_start3A_69 = arith.constant 2 : i32
    %dma_start3A_70 = arith.constant 0 : i32
    %dma_start3A_71 = arith.constant 0 : i32
    %dma_start3A_72 = tpu.memref_slice %arg8[%dma_start3A_69, %dma_start3A_70, %dma_start3A_71] : memref<32x8x128xf32, #tpu.memory_space<vmem>> -> memref<1x8x128xf32, #tpu.memory_space<vmem>>
    %dma_start3A_73 = tpu.memref_squeeze %dma_start3A_72 : memref<1x8x128xf32, #tpu.memory_space<vmem>> -> memref<8x128xf32, #tpu.memory_space<vmem>>
    %dma_start3A_74 = arith.constant 0 : i32
    %dma_start3A_75 = tpu.memref_slice %arg2[%add3A_14, %dma_start3A_74, %multiple_of3A_64] : memref<32x32x100000xf32, #tpu.memory_space<hbm>> -> memref<1x8x128xf32, #tpu.memory_space<hbm>>
    %dma_start3A_76 = tpu.memref_squeeze %dma_start3A_75 : memref<1x8x128xf32, #tpu.memory_space<hbm>> -> memref<8x128xf32, #tpu.memory_space<hbm>>
    %dma_start3A_77 = arith.constant 0 : i32
    %dma_start3A_78 = arith.constant 0 : i32
    %dma_start3A_79 = tpu.memref_slice %arg8[%dma_start3A_69, %dma_start3A_77, %dma_start3A_78] : memref<32x8x128xf32, #tpu.memory_space<vmem>> -> memref<1x8x128xf32, #tpu.memory_space<vmem>>
    %dma_start3A_80 = tpu.memref_squeeze %dma_start3A_79 : memref<1x8x128xf32, #tpu.memory_space<vmem>> -> memref<8x128xf32, #tpu.memory_space<vmem>>
    %dma_start3A_81 = arith.constant 0 : i32
    %dma_start3A_82 = tpu.memref_slice %arg2[%add3A_14, %dma_start3A_81, %multiple_of3A_64] : memref<32x32x100000xf32, #tpu.memory_space<hbm>> -> memref<1x8x128xf32, #tpu.memory_space<hbm>>
    %dma_start3A_83 = tpu.memref_squeeze %dma_start3A_82 : memref<1x8x128xf32, #tpu.memory_space<hbm>> -> memref<8x128xf32, #tpu.memory_space<hbm>>
    tpu.enqueue_dma source(%dma_start3A_83 : memref<8x128xf32, #tpu.memory_space<hbm>>) target(%dma_start3A_80 : memref<8x128xf32, #tpu.memory_space<vmem>>) target_semaphore(%arg10 : memref<!tpu.dma_semaphore, #tpu.memory_space<semaphore_mem>>)
    %slice3A_84 = vector.extract_strided_slice %get3A_10 {offsets = [3], sizes = [1], strides = [1]} : vector<16xi32> to vector<1xi32>
    %squeeze3A_85 = vector.extract %slice3A_84[0] : i32 from vector<1xi32>
    %and3A_86 = arith.constant -128 : i32
    %and3A_87 = arith.andi %squeeze3A_85, %and3A_86 : i32
    %multiple_of3A_88 = tpu.assume_multiple %and3A_87, 128 : i32
    %and3A_89 = arith.constant 112 : i32
    %and3A_90 = arith.andi %squeeze3A_85, %and3A_89 : i32
    %and3A_91 = arith.constant 15 : i32
    %and3A_92 = arith.andi %squeeze3A_85, %and3A_91 : i32
    %dma_start3A_93 = arith.constant 3 : i32
    %dma_start3A_94 = arith.constant 0 : i32
    %dma_start3A_95 = arith.constant 0 : i32
    %dma_start3A_96 = tpu.memref_slice %arg8[%dma_start3A_93, %dma_start3A_94, %dma_start3A_95] : memref<32x8x128xf32, #tpu.memory_space<vmem>> -> memref<1x8x128xf32, #tpu.memory_space<vmem>>
    %dma_start3A_97 = tpu.memref_squeeze %dma_start3A_96 : memref<1x8x128xf32, #tpu.memory_space<vmem>> -> memref<8x128xf32, #tpu.memory_space<vmem>>
    %dma_start3A_98 = arith.constant 0 : i32
    %dma_start3A_99 = tpu.memref_slice %arg2[%add3A_14, %dma_start3A_98, %multiple_of3A_88] : memref<32x32x100000xf32, #tpu.memory_space<hbm>> -> memref<1x8x128xf32, #tpu.memory_space<hbm>>
    %dma_start3A_100 = tpu.memref_squeeze %dma_start3A_99 : memref<1x8x128xf32, #tpu.memory_space<hbm>> -> memref<8x128xf32, #tpu.memory_space<hbm>>
    %dma_start3A_101 = arith.constant 0 : i32
    %dma_start3A_102 = arith.constant 0 : i32
    %dma_start3A_103 = tpu.memref_slice %arg8[%dma_start3A_93, %dma_start3A_101, %dma_start3A_102] : memref<32x8x128xf32, #tpu.memory_space<vmem>> -> memref<1x8x128xf32, #tpu.memory_space<vmem>>
    %dma_start3A_104 = tpu.memref_squeeze %dma_start3A_103 : memref<1x8x128xf32, #tpu.memory_space<vmem>> -> memref<8x128xf32, #tpu.memory_space<vmem>>
    %dma_start3A_105 = arith.constant 0 : i32
    %dma_start3A_106 = tpu.memref_slice %arg2[%add3A_14, %dma_start3A_105, %multiple_of3A_88] : memref<32x32x100000xf32, #tpu.memory_space<hbm>> -> memref<1x8x128xf32, #tpu.memory_space<hbm>>
    %dma_start3A_107 = tpu.memref_squeeze %dma_start3A_106 : memref<1x8x128xf32, #tpu.memory_space<hbm>> -> memref<8x128xf32, #tpu.memory_space<hbm>>
    tpu.enqueue_dma source(%dma_start3A_107 : memref<8x128xf32, #tpu.memory_space<hbm>>) target(%dma_start3A_104 : memref<8x128xf32, #tpu.memory_space<vmem>>) target_semaphore(%arg10 : memref<!tpu.dma_semaphore, #tpu.memory_space<semaphore_mem>>)
    %slice3A_108 = vector.extract_strided_slice %get3A_10 {offsets = [4], sizes = [1], strides = [1]} : vector<16xi32> to vector<1xi32>
    %squeeze3A_109 = vector.extract %slice3A_108[0] : i32 from vector<1xi32>
    %and3A_110 = arith.constant -128 : i32
    %and3A_111 = arith.andi %squeeze3A_109, %and3A_110 : i32
    %multiple_of3A_112 = tpu.assume_multiple %and3A_111, 128 : i32
    %and3A_113 = arith.constant 112 : i32
    %and3A_114 = arith.andi %squeeze3A_109, %and3A_113 : i32
    %and3A_115 = arith.constant 15 : i32
    %and3A_116 = arith.andi %squeeze3A_109, %and3A_115 : i32
    %dma_start3A_117 = arith.constant 4 : i32
    %dma_start3A_118 = arith.constant 0 : i32
    %dma_start3A_119 = arith.constant 0 : i32
    %dma_start3A_120 = tpu.memref_slice %arg8[%dma_start3A_117, %dma_start3A_118, %dma_start3A_119] : memref<32x8x128xf32, #tpu.memory_space<vmem>> -> memref<1x8x128xf32, #tpu.memory_space<vmem>>
    %dma_start3A_121 = tpu.memref_squeeze %dma_start3A_120 : memref<1x8x128xf32, #tpu.memory_space<vmem>> -> memref<8x128xf32, #tpu.memory_space<vmem>>
    %dma_start3A_122 = arith.constant 0 : i32
    %dma_start3A_123 = tpu.memref_slice %arg2[%add3A_14, %dma_start3A_122, %multiple_of3A_112] : memref<32x32x100000xf32, #tpu.memory_space<hbm>> -> memref<1x8x128xf32, #tpu.memory_space<hbm>>
    %dma_start3A_124 = tpu.memref_squeeze %dma_start3A_123 : memref<1x8x128xf32, #tpu.memory_space<hbm>> -> memref<8x128xf32, #tpu.memory_space<hbm>>
    %dma_start3A_125 = arith.constant 0 : i32
    %dma_start3A_126 = arith.constant 0 : i32
    %dma_start3A_127 = tpu.memref_slice %arg8[%dma_start3A_117, %dma_start3A_125, %dma_start3A_126] : memref<32x8x128xf32, #tpu.memory_space<vmem>> -> memref<1x8x128xf32, #tpu.memory_space<vmem>>
    %dma_start3A_128 = tpu.memref_squeeze %dma_start3A_127 : memref<1x8x128xf32, #tpu.memory_space<vmem>> -> memref<8x128xf32, #tpu.memory_space<vmem>>
    %dma_start3A_129 = arith.constant 0 : i32
    %dma_start3A_130 = tpu.memref_slice %arg2[%add3A_14, %dma_start3A_129, %multiple_of3A_112] : memref<32x32x100000xf32, #tpu.memory_space<hbm>> -> memref<1x8x128xf32, #tpu.memory_space<hbm>>
    %dma_start3A_131 = tpu.memref_squeeze %dma_start3A_130 : memref<1x8x128xf32, #tpu.memory_space<hbm>> -> memref<8x128xf32, #tpu.memory_space<hbm>>
    tpu.enqueue_dma source(%dma_start3A_131 : memref<8x128xf32, #tpu.memory_space<hbm>>) target(%dma_start3A_128 : memref<8x128xf32, #tpu.memory_space<vmem>>) target_semaphore(%arg10 : memref<!tpu.dma_semaphore, #tpu.memory_space<semaphore_mem>>)
    %slice3A_132 = vector.extract_strided_slice %get3A_10 {offsets = [5], sizes = [1], strides = [1]} : vector<16xi32> to vector<1xi32>
    %squeeze3A_133 = vector.extract %slice3A_132[0] : i32 from vector<1xi32>
    %and3A_134 = arith.constant -128 : i32
    %and3A_135 = arith.andi %squeeze3A_133, %and3A_134 : i32
    %multiple_of3A_136 = tpu.assume_multiple %and3A_135, 128 : i32
    %and3A_137 = arith.constant 112 : i32
    %and3A_138 = arith.andi %squeeze3A_133, %and3A_137 : i32
    %and3A_139 = arith.constant 15 : i32
    %and3A_140 = arith.andi %squeeze3A_133, %and3A_139 : i32
    %dma_start3A_141 = arith.constant 5 : i32
    %dma_start3A_142 = arith.constant 0 : i32
    %dma_start3A_143 = arith.constant 0 : i32
    %dma_start3A_144 = tpu.memref_slice %arg8[%dma_start3A_141, %dma_start3A_142, %dma_start3A_143] : memref<32x8x128xf32, #tpu.memory_space<vmem>> -> memref<1x8x128xf32, #tpu.memory_space<vmem>>
    %dma_start3A_145 = tpu.memref_squeeze %dma_start3A_144 : memref<1x8x128xf32, #tpu.memory_space<vmem>> -> memref<8x128xf32, #tpu.memory_space<vmem>>
    %dma_start3A_146 = arith.constant 0 : i32
    %dma_start3A_147 = tpu.memref_slice %arg2[%add3A_14, %dma_start3A_146, %multiple_of3A_136] : memref<32x32x100000xf32, #tpu.memory_space<hbm>> -> memref<1x8x128xf32, #tpu.memory_space<hbm>>
    %dma_start3A_148 = tpu.memref_squeeze %dma_start3A_147 : memref<1x8x128xf32, #tpu.memory_space<hbm>> -> memref<8x128xf32, #tpu.memory_space<hbm>>
    %dma_start3A_149 = arith.constant 0 : i32
    %dma_start3A_150 = arith.constant 0 : i32
    %dma_start3A_151 = tpu.memref_slice %arg8[%dma_start3A_141, %dma_start3A_149, %dma_start3A_150] : memref<32x8x128xf32, #tpu.memory_space<vmem>> -> memref<1x8x128xf32, #tpu.memory_space<vmem>>
    %dma_start3A_152 = tpu.memref_squeeze %dma_start3A_151 : memref<1x8x128xf32, #tpu.memory_space<vmem>> -> memref<8x128xf32, #tpu.memory_space<vmem>>
    %dma_start3A_153 = arith.constant 0 : i32
    %dma_start3A_154 = tpu.memref_slice %arg2[%add3A_14, %dma_start3A_153, %multiple_of3A_136] : memref<32x32x100000xf32, #tpu.memory_space<hbm>> -> memref<1x8x128xf32, #tpu.memory_space<hbm>>
    %dma_start3A_155 = tpu.memref_squeeze %dma_start3A_154 : memref<1x8x128xf32, #tpu.memory_space<hbm>> -> memref<8x128xf32, #tpu.memory_space<hbm>>
    tpu.enqueue_dma source(%dma_start3A_155 : memref<8x128xf32, #tpu.memory_space<hbm>>) target(%dma_start3A_152 : memref<8x128xf32, #tpu.memory_space<vmem>>) target_semaphore(%arg10 : memref<!tpu.dma_semaphore, #tpu.memory_space<semaphore_mem>>)
    %slice3A_156 = vector.extract_strided_slice %get3A_10 {offsets = [6], sizes = [1], strides = [1]} : vector<16xi32> to vector<1xi32>
    %squeeze3A_157 = vector.extract %slice3A_156[0] : i32 from vector<1xi32>
    %and3A_158 = arith.constant -128 : i32
    %and3A_159 = arith.andi %squeeze3A_157, %and3A_158 : i32
    %multiple_of3A_160 = tpu.assume_multiple %and3A_159, 128 : i32
    %and3A_161 = arith.constant 112 : i32
    %and3A_162 = arith.andi %squeeze3A_157, %and3A_161 : i32
    %and3A_163 = arith.constant 15 : i32
    %and3A_164 = arith.andi %squeeze3A_157, %and3A_163 : i32
    %dma_start3A_165 = arith.constant 6 : i32
    %dma_start3A_166 = arith.constant 0 : i32
    %dma_start3A_167 = arith.constant 0 : i32
    %dma_start3A_168 = tpu.memref_slice %arg8[%dma_start3A_165, %dma_start3A_166, %dma_start3A_167] : memref<32x8x128xf32, #tpu.memory_space<vmem>> -> memref<1x8x128xf32, #tpu.memory_space<vmem>>
    %dma_start3A_169 = tpu.memref_squeeze %dma_start3A_168 : memref<1x8x128xf32, #tpu.memory_space<vmem>> -> memref<8x128xf32, #tpu.memory_space<vmem>>
    %dma_start3A_170 = arith.constant 0 : i32
    %dma_start3A_171 = tpu.memref_slice %arg2[%add3A_14, %dma_start3A_170, %multiple_of3A_160] : memref<32x32x100000xf32, #tpu.memory_space<hbm>> -> memref<1x8x128xf32, #tpu.memory_space<hbm>>
    %dma_start3A_172 = tpu.memref_squeeze %dma_start3A_171 : memref<1x8x128xf32, #tpu.memory_space<hbm>> -> memref<8x128xf32, #tpu.memory_space<hbm>>
    %dma_start3A_173 = arith.constant 0 : i32
    %dma_start3A_174 = arith.constant 0 : i32
    %dma_start3A_175 = tpu.memref_slice %arg8[%dma_start3A_165, %dma_start3A_173, %dma_start3A_174] : memref<32x8x128xf32, #tpu.memory_space<vmem>> -> memref<1x8x128xf32, #tpu.memory_space<vmem>>
    %dma_start3A_176 = tpu.memref_squeeze %dma_start3A_175 : memref<1x8x128xf32, #tpu.memory_space<vmem>> -> memref<8x128xf32, #tpu.memory_space<vmem>>
    %dma_start3A_177 = arith.constant 0 : i32
    %dma_start3A_178 = tpu.memref_slice %arg2[%add3A_14, %dma_start3A_177, %multiple_of3A_160] : memref<32x32x100000xf32, #tpu.memory_space<hbm>> -> memref<1x8x128xf32, #tpu.memory_space<hbm>>
    %dma_start3A_179 = tpu.memref_squeeze %dma_start3A_178 : memref<1x8x128xf32, #tpu.memory_space<hbm>> -> memref<8x128xf32, #tpu.memory_space<hbm>>
    tpu.enqueue_dma source(%dma_start3A_179 : memref<8x128xf32, #tpu.memory_space<hbm>>) target(%dma_start3A_176 : memref<8x128xf32, #tpu.memory_space<vmem>>) target_semaphore(%arg10 : memref<!tpu.dma_semaphore, #tpu.memory_space<semaphore_mem>>)
    %slice3A_180 = vector.extract_strided_slice %get3A_10 {offsets = [7], sizes = [1], strides = [1]} : vector<16xi32> to vector<1xi32>
    %squeeze3A_181 = vector.extract %slice3A_180[0] : i32 from vector<1xi32>
    %and3A_182 = arith.constant -128 : i32
    %and3A_183 = arith.andi %squeeze3A_181, %and3A_182 : i32
    %multiple_of3A_184 = tpu.assume_multiple %and3A_183, 128 : i32
    %and3A_185 = arith.constant 112 : i32
    %and3A_186 = arith.andi %squeeze3A_181, %and3A_185 : i32
    %and3A_187 = arith.constant 15 : i32
    %and3A_188 = arith.andi %squeeze3A_181, %and3A_187 : i32
    %dma_start3A_189 = arith.constant 7 : i32
    %dma_start3A_190 = arith.constant 0 : i32
    %dma_start3A_191 = arith.constant 0 : i32
    %dma_start3A_192 = tpu.memref_slice %arg8[%dma_start3A_189, %dma_start3A_190, %dma_start3A_191] : memref<32x8x128xf32, #tpu.memory_space<vmem>> -> memref<1x8x128xf32, #tpu.memory_space<vmem>>
    %dma_start3A_193 = tpu.memref_squeeze %dma_start3A_192 : memref<1x8x128xf32, #tpu.memory_space<vmem>> -> memref<8x128xf32, #tpu.memory_space<vmem>>
    %dma_start3A_194 = arith.constant 0 : i32
    %dma_start3A_195 = tpu.memref_slice %arg2[%add3A_14, %dma_start3A_194, %multiple_of3A_184] : memref<32x32x100000xf32, #tpu.memory_space<hbm>> -> memref<1x8x128xf32, #tpu.memory_space<hbm>>
    %dma_start3A_196 = tpu.memref_squeeze %dma_start3A_195 : memref<1x8x128xf32, #tpu.memory_space<hbm>> -> memref<8x128xf32, #tpu.memory_space<hbm>>
    %dma_start3A_197 = arith.constant 0 : i32
    %dma_start3A_198 = arith.constant 0 : i32
    %dma_start3A_199 = tpu.memref_slice %arg8[%dma_start3A_189, %dma_start3A_197, %dma_start3A_198] : memref<32x8x128xf32, #tpu.memory_space<vmem>> -> memref<1x8x128xf32, #tpu.memory_space<vmem>>
    %dma_start3A_200 = tpu.memref_squeeze %dma_start3A_199 : memref<1x8x128xf32, #tpu.memory_space<vmem>> -> memref<8x128xf32, #tpu.memory_space<vmem>>
    %dma_start3A_201 = arith.constant 0 : i32
    %dma_start3A_202 = tpu.memref_slice %arg2[%add3A_14, %dma_start3A_201, %multiple_of3A_184] : memref<32x32x100000xf32, #tpu.memory_space<hbm>> -> memref<1x8x128xf32, #tpu.memory_space<hbm>>
    %dma_start3A_203 = tpu.memref_squeeze %dma_start3A_202 : memref<1x8x128xf32, #tpu.memory_space<hbm>> -> memref<8x128xf32, #tpu.memory_space<hbm>>
    tpu.enqueue_dma source(%dma_start3A_203 : memref<8x128xf32, #tpu.memory_space<hbm>>) target(%dma_start3A_200 : memref<8x128xf32, #tpu.memory_space<vmem>>) target_semaphore(%arg10 : memref<!tpu.dma_semaphore, #tpu.memory_space<semaphore_mem>>)
    %slice3A_204 = vector.extract_strided_slice %get3A_10 {offsets = [8], sizes = [1], strides = [1]} : vector<16xi32> to vector<1xi32>
    %squeeze3A_205 = vector.extract %slice3A_204[0] : i32 from vector<1xi32>
    %and3A_206 = arith.constant -128 : i32
    %and3A_207 = arith.andi %squeeze3A_205, %and3A_206 : i32
    %multiple_of3A_208 = tpu.assume_multiple %and3A_207, 128 : i32
    %and3A_209 = arith.constant 112 : i32
    %and3A_210 = arith.andi %squeeze3A_205, %and3A_209 : i32
    %and3A_211 = arith.constant 15 : i32
    %and3A_212 = arith.andi %squeeze3A_205, %and3A_211 : i32
    %dma_start3A_213 = arith.constant 8 : i32
    %dma_start3A_214 = arith.constant 0 : i32
    %dma_start3A_215 = arith.constant 0 : i32
    %dma_start3A_216 = tpu.memref_slice %arg8[%dma_start3A_213, %dma_start3A_214, %dma_start3A_215] : memref<32x8x128xf32, #tpu.memory_space<vmem>> -> memref<1x8x128xf32, #tpu.memory_space<vmem>>
    %dma_start3A_217 = tpu.memref_squeeze %dma_start3A_216 : memref<1x8x128xf32, #tpu.memory_space<vmem>> -> memref<8x128xf32, #tpu.memory_space<vmem>>
    %dma_start3A_218 = arith.constant 8 : i32
    %dma_start3A_219 = tpu.memref_slice %arg2[%add3A_14, %dma_start3A_218, %multiple_of3A_208] : memref<32x32x100000xf32, #tpu.memory_space<hbm>> -> memref<1x8x128xf32, #tpu.memory_space<hbm>>
    %dma_start3A_220 = tpu.memref_squeeze %dma_start3A_219 : memref<1x8x128xf32, #tpu.memory_space<hbm>> -> memref<8x128xf32, #tpu.memory_space<hbm>>
    %dma_start3A_221 = arith.constant 0 : i32
    %dma_start3A_222 = arith.constant 0 : i32
    %dma_start3A_223 = tpu.memref_slice %arg8[%dma_start3A_213, %dma_start3A_221, %dma_start3A_222] : memref<32x8x128xf32, #tpu.memory_space<vmem>> -> memref<1x8x128xf32, #tpu.memory_space<vmem>>
    %dma_start3A_224 = tpu.memref_squeeze %dma_start3A_223 : memref<1x8x128xf32, #tpu.memory_space<vmem>> -> memref<8x128xf32, #tpu.memory_space<vmem>>
    %dma_start3A_225 = arith.constant 8 : i32
    %dma_start3A_226 = tpu.memref_slice %arg2[%add3A_14, %dma_start3A_225, %multiple_of3A_208] : memref<32x32x100000xf32, #tpu.memory_space<hbm>> -> memref<1x8x128xf32, #tpu.memory_space<hbm>>
    %dma_start3A_227 = tpu.memref_squeeze %dma_start3A_226 : memref<1x8x128xf32, #tpu.memory_space<hbm>> -> memref<8x128xf32, #tpu.memory_space<hbm>>
    tpu.enqueue_dma source(%dma_start3A_227 : memref<8x128xf32, #tpu.memory_space<hbm>>) target(%dma_start3A_224 : memref<8x128xf32, #tpu.memory_space<vmem>>) target_semaphore(%arg10 : memref<!tpu.dma_semaphore, #tpu.memory_space<semaphore_mem>>)
    %slice3A_228 = vector.extract_strided_slice %get3A_10 {offsets = [9], sizes = [1], strides = [1]} : vector<16xi32> to vector<1xi32>
    %squeeze3A_229 = vector.extract %slice3A_228[0] : i32 from vector<1xi32>
    %and3A_230 = arith.constant -128 : i32
    %and3A_231 = arith.andi %squeeze3A_229, %and3A_230 : i32
    %multiple_of3A_232 = tpu.assume_multiple %and3A_231, 128 : i32
    %and3A_233 = arith.constant 112 : i32
    %and3A_234 = arith.andi %squeeze3A_229, %and3A_233 : i32
    %and3A_235 = arith.constant 15 : i32
    %and3A_236 = arith.andi %squeeze3A_229, %and3A_235 : i32
    %dma_start3A_237 = arith.constant 9 : i32
    %dma_start3A_238 = arith.constant 0 : i32
    %dma_start3A_239 = arith.constant 0 : i32
    %dma_start3A_240 = tpu.memref_slice %arg8[%dma_start3A_237, %dma_start3A_238, %dma_start3A_239] : memref<32x8x128xf32, #tpu.memory_space<vmem>> -> memref<1x8x128xf32, #tpu.memory_space<vmem>>
    %dma_start3A_241 = tpu.memref_squeeze %dma_start3A_240 : memref<1x8x128xf32, #tpu.memory_space<vmem>> -> memref<8x128xf32, #tpu.memory_space<vmem>>
    %dma_start3A_242 = arith.constant 8 : i32
    %dma_start3A_243 = tpu.memref_slice %arg2[%add3A_14, %dma_start3A_242, %multiple_of3A_232] : memref<32x32x100000xf32, #tpu.memory_space<hbm>> -> memref<1x8x128xf32, #tpu.memory_space<hbm>>
    %dma_start3A_244 = tpu.memref_squeeze %dma_start3A_243 : memref<1x8x128xf32, #tpu.memory_space<hbm>> -> memref<8x128xf32, #tpu.memory_space<hbm>>
    %dma_start3A_245 = arith.constant 0 : i32
    %dma_start3A_246 = arith.constant 0 : i32
    %dma_start3A_247 = tpu.memref_slice %arg8[%dma_start3A_237, %dma_start3A_245, %dma_start3A_246] : memref<32x8x128xf32, #tpu.memory_space<vmem>> -> memref<1x8x128xf32, #tpu.memory_space<vmem>>
    %dma_start3A_248 = tpu.memref_squeeze %dma_start3A_247 : memref<1x8x128xf32, #tpu.memory_space<vmem>> -> memref<8x128xf32, #tpu.memory_space<vmem>>
    %dma_start3A_249 = arith.constant 8 : i32
    %dma_start3A_250 = tpu.memref_slice %arg2[%add3A_14, %dma_start3A_249, %multiple_of3A_232] : memref<32x32x100000xf32, #tpu.memory_space<hbm>> -> memref<1x8x128xf32, #tpu.memory_space<hbm>>
    %dma_start3A_251 = tpu.memref_squeeze %dma_start3A_250 : memref<1x8x128xf32, #tpu.memory_space<hbm>> -> memref<8x128xf32, #tpu.memory_space<hbm>>
    tpu.enqueue_dma source(%dma_start3A_251 : memref<8x128xf32, #tpu.memory_space<hbm>>) target(%dma_start3A_248 : memref<8x128xf32, #tpu.memory_space<vmem>>) target_semaphore(%arg10 : memref<!tpu.dma_semaphore, #tpu.memory_space<semaphore_mem>>)
    %slice3A_252 = vector.extract_strided_slice %get3A_10 {offsets = [10], sizes = [1], strides = [1]} : vector<16xi32> to vector<1xi32>
    %squeeze3A_253 = vector.extract %slice3A_252[0] : i32 from vector<1xi32>
    %and3A_254 = arith.constant -128 : i32
    %and3A_255 = arith.andi %squeeze3A_253, %and3A_254 : i32
    %multiple_of3A_256 = tpu.assume_multiple %and3A_255, 128 : i32
    %and3A_257 = arith.constant 112 : i32
    %and3A_258 = arith.andi %squeeze3A_253, %and3A_257 : i32
    %and3A_259 = arith.constant 15 : i32
    %and3A_260 = arith.andi %squeeze3A_253, %and3A_259 : i32
    %dma_start3A_261 = arith.constant 10 : i32
    %dma_start3A_262 = arith.constant 0 : i32
    %dma_start3A_263 = arith.constant 0 : i32
    %dma_start3A_264 = tpu.memref_slice %arg8[%dma_start3A_261, %dma_start3A_262, %dma_start3A_263] : memref<32x8x128xf32, #tpu.memory_space<vmem>> -> memref<1x8x128xf32, #tpu.memory_space<vmem>>
    %dma_start3A_265 = tpu.memref_squeeze %dma_start3A_264 : memref<1x8x128xf32, #tpu.memory_space<vmem>> -> memref<8x128xf32, #tpu.memory_space<vmem>>
    %dma_start3A_266 = arith.constant 8 : i32
    %dma_start3A_267 = tpu.memref_slice %arg2[%add3A_14, %dma_start3A_266, %multiple_of3A_256] : memref<32x32x100000xf32, #tpu.memory_space<hbm>> -> memref<1x8x128xf32, #tpu.memory_space<hbm>>
    %dma_start3A_268 = tpu.memref_squeeze %dma_start3A_267 : memref<1x8x128xf32, #tpu.memory_space<hbm>> -> memref<8x128xf32, #tpu.memory_space<hbm>>
    %dma_start3A_269 = arith.constant 0 : i32
    %dma_start3A_270 = arith.constant 0 : i32
    %dma_start3A_271 = tpu.memref_slice %arg8[%dma_start3A_261, %dma_start3A_269, %dma_start3A_270] : memref<32x8x128xf32, #tpu.memory_space<vmem>> -> memref<1x8x128xf32, #tpu.memory_space<vmem>>
    %dma_start3A_272 = tpu.memref_squeeze %dma_start3A_271 : memref<1x8x128xf32, #tpu.memory_space<vmem>> -> memref<8x128xf32, #tpu.memory_space<vmem>>
    %dma_start3A_273 = arith.constant 8 : i32
    %dma_start3A_274 = tpu.memref_slice %arg2[%add3A_14, %dma_start3A_273, %multiple_of3A_256] : memref<32x32x100000xf32, #tpu.memory_space<hbm>> -> memref<1x8x128xf32, #tpu.memory_space<hbm>>
    %dma_start3A_275 = tpu.memref_squeeze %dma_start3A_274 : memref<1x8x128xf32, #tpu.memory_space<hbm>> -> memref<8x128xf32, #tpu.memory_space<hbm>>
    tpu.enqueue_dma source(%dma_start3A_275 : memref<8x128xf32, #tpu.memory_space<hbm>>) target(%dma_start3A_272 : memref<8x128xf32, #tpu.memory_space<vmem>>) target_semaphore(%arg10 : memref<!tpu.dma_semaphore, #tpu.memory_space<semaphore_mem>>)
    %slice3A_276 = vector.extract_strided_slice %get3A_10 {offsets = [11], sizes = [1], strides = [1]} : vector<16xi32> to vector<1xi32>
    %squeeze3A_277 = vector.extract %slice3A_276[0] : i32 from vector<1xi32>
    %and3A_278 = arith.constant -128 : i32
    %and3A_279 = arith.andi %squeeze3A_277, %and3A_278 : i32
    %multiple_of3A_280 = tpu.assume_multiple %and3A_279, 128 : i32
    %and3A_281 = arith.constant 112 : i32
    %and3A_282 = arith.andi %squeeze3A_277, %and3A_281 : i32
    %and3A_283 = arith.constant 15 : i32
    %and3A_284 = arith.andi %squeeze3A_277, %and3A_283 : i32
    %dma_start3A_285 = arith.constant 11 : i32
    %dma_start3A_286 = arith.constant 0 : i32
    %dma_start3A_287 = arith.constant 0 : i32
    %dma_start3A_288 = tpu.memref_slice %arg8[%dma_start3A_285, %dma_start3A_286, %dma_start3A_287] : memref<32x8x128xf32, #tpu.memory_space<vmem>> -> memref<1x8x128xf32, #tpu.memory_space<vmem>>
    %dma_start3A_289 = tpu.memref_squeeze %dma_start3A_288 : memref<1x8x128xf32, #tpu.memory_space<vmem>> -> memref<8x128xf32, #tpu.memory_space<vmem>>
    %dma_start3A_290 = arith.constant 8 : i32
    %dma_start3A_291 = tpu.memref_slice %arg2[%add3A_14, %dma_start3A_290, %multiple_of3A_280] : memref<32x32x100000xf32, #tpu.memory_space<hbm>> -> memref<1x8x128xf32, #tpu.memory_space<hbm>>
    %dma_start3A_292 = tpu.memref_squeeze %dma_start3A_291 : memref<1x8x128xf32, #tpu.memory_space<hbm>> -> memref<8x128xf32, #tpu.memory_space<hbm>>
    %dma_start3A_293 = arith.constant 0 : i32
    %dma_start3A_294 = arith.constant 0 : i32
    %dma_start3A_295 = tpu.memref_slice %arg8[%dma_start3A_285, %dma_start3A_293, %dma_start3A_294] : memref<32x8x128xf32, #tpu.memory_space<vmem>> -> memref<1x8x128xf32, #tpu.memory_space<vmem>>
    %dma_start3A_296 = tpu.memref_squeeze %dma_start3A_295 : memref<1x8x128xf32, #tpu.memory_space<vmem>> -> memref<8x128xf32, #tpu.memory_space<vmem>>
    %dma_start3A_297 = arith.constant 8 : i32
    %dma_start3A_298 = tpu.memref_slice %arg2[%add3A_14, %dma_start3A_297, %multiple_of3A_280] : memref<32x32x100000xf32, #tpu.memory_space<hbm>> -> memref<1x8x128xf32, #tpu.memory_space<hbm>>
    %dma_start3A_299 = tpu.memref_squeeze %dma_start3A_298 : memref<1x8x128xf32, #tpu.memory_space<hbm>> -> memref<8x128xf32, #tpu.memory_space<hbm>>
    tpu.enqueue_dma source(%dma_start3A_299 : memref<8x128xf32, #tpu.memory_space<hbm>>) target(%dma_start3A_296 : memref<8x128xf32, #tpu.memory_space<vmem>>) target_semaphore(%arg10 : memref<!tpu.dma_semaphore, #tpu.memory_space<semaphore_mem>>)
    %slice3A_300 = vector.extract_strided_slice %get3A_10 {offsets = [12], sizes = [1], strides = [1]} : vector<16xi32> to vector<1xi32>
    %squeeze3A_301 = vector.extract %slice3A_300[0] : i32 from vector<1xi32>
    %and3A_302 = arith.constant -128 : i32
    %and3A_303 = arith.andi %squeeze3A_301, %and3A_302 : i32
    %multiple_of3A_304 = tpu.assume_multiple %and3A_303, 128 : i32
    %and3A_305 = arith.constant 112 : i32
    %and3A_306 = arith.andi %squeeze3A_301, %and3A_305 : i32
    %and3A_307 = arith.constant 15 : i32
    %and3A_308 = arith.andi %squeeze3A_301, %and3A_307 : i32
    %dma_start3A_309 = arith.constant 12 : i32
    %dma_start3A_310 = arith.constant 0 : i32
    %dma_start3A_311 = arith.constant 0 : i32
    %dma_start3A_312 = tpu.memref_slice %arg8[%dma_start3A_309, %dma_start3A_310, %dma_start3A_311] : memref<32x8x128xf32, #tpu.memory_space<vmem>> -> memref<1x8x128xf32, #tpu.memory_space<vmem>>
    %dma_start3A_313 = tpu.memref_squeeze %dma_start3A_312 : memref<1x8x128xf32, #tpu.memory_space<vmem>> -> memref<8x128xf32, #tpu.memory_space<vmem>>
    %dma_start3A_314 = arith.constant 8 : i32
    %dma_start3A_315 = tpu.memref_slice %arg2[%add3A_14, %dma_start3A_314, %multiple_of3A_304] : memref<32x32x100000xf32, #tpu.memory_space<hbm>> -> memref<1x8x128xf32, #tpu.memory_space<hbm>>
    %dma_start3A_316 = tpu.memref_squeeze %dma_start3A_315 : memref<1x8x128xf32, #tpu.memory_space<hbm>> -> memref<8x128xf32, #tpu.memory_space<hbm>>
    %dma_start3A_317 = arith.constant 0 : i32
    %dma_start3A_318 = arith.constant 0 : i32
    %dma_start3A_319 = tpu.memref_slice %arg8[%dma_start3A_309, %dma_start3A_317, %dma_start3A_318] : memref<32x8x128xf32, #tpu.memory_space<vmem>> -> memref<1x8x128xf32, #tpu.memory_space<vmem>>
    %dma_start3A_320 = tpu.memref_squeeze %dma_start3A_319 : memref<1x8x128xf32, #tpu.memory_space<vmem>> -> memref<8x128xf32, #tpu.memory_space<vmem>>
    %dma_start3A_321 = arith.constant 8 : i32
    %dma_start3A_322 = tpu.memref_slice %arg2[%add3A_14, %dma_start3A_321, %multiple_of3A_304] : memref<32x32x100000xf32, #tpu.memory_space<hbm>> -> memref<1x8x128xf32, #tpu.memory_space<hbm>>
    %dma_start3A_323 = tpu.memref_squeeze %dma_start3A_322 : memref<1x8x128xf32, #tpu.memory_space<hbm>> -> memref<8x128xf32, #tpu.memory_space<hbm>>
    tpu.enqueue_dma source(%dma_start3A_323 : memref<8x128xf32, #tpu.memory_space<hbm>>) target(%dma_start3A_320 : memref<8x128xf32, #tpu.memory_space<vmem>>) target_semaphore(%arg10 : memref<!tpu.dma_semaphore, #tpu.memory_space<semaphore_mem>>)
    %slice3A_324 = vector.extract_strided_slice %get3A_10 {offsets = [13], sizes = [1], strides = [1]} : vector<16xi32> to vector<1xi32>
    %squeeze3A_325 = vector.extract %slice3A_324[0] : i32 from vector<1xi32>
    %and3A_326 = arith.constant -128 : i32
    %and3A_327 = arith.andi %squeeze3A_325, %and3A_326 : i32
    %multiple_of3A_328 = tpu.assume_multiple %and3A_327, 128 : i32
    %and3A_329 = arith.constant 112 : i32
    %and3A_330 = arith.andi %squeeze3A_325, %and3A_329 : i32
    %and3A_331 = arith.constant 15 : i32
    %and3A_332 = arith.andi %squeeze3A_325, %and3A_331 : i32
    %dma_start3A_333 = arith.constant 13 : i32
    %dma_start3A_334 = arith.constant 0 : i32
    %dma_start3A_335 = arith.constant 0 : i32
    %dma_start3A_336 = tpu.memref_slice %arg8[%dma_start3A_333, %dma_start3A_334, %dma_start3A_335] : memref<32x8x128xf32, #tpu.memory_space<vmem>> -> memref<1x8x128xf32, #tpu.memory_space<vmem>>
    %dma_start3A_337 = tpu.memref_squeeze %dma_start3A_336 : memref<1x8x128xf32, #tpu.memory_space<vmem>> -> memref<8x128xf32, #tpu.memory_space<vmem>>
    %dma_start3A_338 = arith.constant 8 : i32
    %dma_start3A_339 = tpu.memref_slice %arg2[%add3A_14, %dma_start3A_338, %multiple_of3A_328] : memref<32x32x100000xf32, #tpu.memory_space<hbm>> -> memref<1x8x128xf32, #tpu.memory_space<hbm>>
    %dma_start3A_340 = tpu.memref_squeeze %dma_start3A_339 : memref<1x8x128xf32, #tpu.memory_space<hbm>> -> memref<8x128xf32, #tpu.memory_space<hbm>>
    %dma_start3A_341 = arith.constant 0 : i32
    %dma_start3A_342 = arith.constant 0 : i32
    %dma_start3A_343 = tpu.memref_slice %arg8[%dma_start3A_333, %dma_start3A_341, %dma_start3A_342] : memref<32x8x128xf32, #tpu.memory_space<vmem>> -> memref<1x8x128xf32, #tpu.memory_space<vmem>>
    %dma_start3A_344 = tpu.memref_squeeze %dma_start3A_343 : memref<1x8x128xf32, #tpu.memory_space<vmem>> -> memref<8x128xf32, #tpu.memory_space<vmem>>
    %dma_start3A_345 = arith.constant 8 : i32
    %dma_start3A_346 = tpu.memref_slice %arg2[%add3A_14, %dma_start3A_345, %multiple_of3A_328] : memref<32x32x100000xf32, #tpu.memory_space<hbm>> -> memref<1x8x128xf32, #tpu.memory_space<hbm>>
    %dma_start3A_347 = tpu.memref_squeeze %dma_start3A_346 : memref<1x8x128xf32, #tpu.memory_space<hbm>> -> memref<8x128xf32, #tpu.memory_space<hbm>>
    tpu.enqueue_dma source(%dma_start3A_347 : memref<8x128xf32, #tpu.memory_space<hbm>>) target(%dma_start3A_344 : memref<8x128xf32, #tpu.memory_space<vmem>>) target_semaphore(%arg10 : memref<!tpu.dma_semaphore, #tpu.memory_space<semaphore_mem>>)
    %slice3A_348 = vector.extract_strided_slice %get3A_10 {offsets = [14], sizes = [1], strides = [1]} : vector<16xi32> to vector<1xi32>
    %squeeze3A_349 = vector.extract %slice3A_348[0] : i32 from vector<1xi32>
    %and3A_350 = arith.constant -128 : i32
    %and3A_351 = arith.andi %squeeze3A_349, %and3A_350 : i32
    %multiple_of3A_352 = tpu.assume_multiple %and3A_351, 128 : i32
    %and3A_353 = arith.constant 112 : i32
    %and3A_354 = arith.andi %squeeze3A_349, %and3A_353 : i32
    %and3A_355 = arith.constant 15 : i32
    %and3A_356 = arith.andi %squeeze3A_349, %and3A_355 : i32
    %dma_start3A_357 = arith.constant 14 : i32
    %dma_start3A_358 = arith.constant 0 : i32
    %dma_start3A_359 = arith.constant 0 : i32
    %dma_start3A_360 = tpu.memref_slice %arg8[%dma_start3A_357, %dma_start3A_358, %dma_start3A_359] : memref<32x8x128xf32, #tpu.memory_space<vmem>> -> memref<1x8x128xf32, #tpu.memory_space<vmem>>
    %dma_start3A_361 = tpu.memref_squeeze %dma_start3A_360 : memref<1x8x128xf32, #tpu.memory_space<vmem>> -> memref<8x128xf32, #tpu.memory_space<vmem>>
    %dma_start3A_362 = arith.constant 8 : i32
    %dma_start3A_363 = tpu.memref_slice %arg2[%add3A_14, %dma_start3A_362, %multiple_of3A_352] : memref<32x32x100000xf32, #tpu.memory_space<hbm>> -> memref<1x8x128xf32, #tpu.memory_space<hbm>>
    %dma_start3A_364 = tpu.memref_squeeze %dma_start3A_363 : memref<1x8x128xf32, #tpu.memory_space<hbm>> -> memref<8x128xf32, #tpu.memory_space<hbm>>
    %dma_start3A_365 = arith.constant 0 : i32
    %dma_start3A_366 = arith.constant 0 : i32
    %dma_start3A_367 = tpu.memref_slice %arg8[%dma_start3A_357, %dma_start3A_365, %dma_start3A_366] : memref<32x8x128xf32, #tpu.memory_space<vmem>> -> memref<1x8x128xf32, #tpu.memory_space<vmem>>
    %dma_start3A_368 = tpu.memref_squeeze %dma_start3A_367 : memref<1x8x128xf32, #tpu.memory_space<vmem>> -> memref<8x128xf32, #tpu.memory_space<vmem>>
    %dma_start3A_369 = arith.constant 8 : i32
    %dma_start3A_370 = tpu.memref_slice %arg2[%add3A_14, %dma_start3A_369, %multiple_of3A_352] : memref<32x32x100000xf32, #tpu.memory_space<hbm>> -> memref<1x8x128xf32, #tpu.memory_space<hbm>>
    %dma_start3A_371 = tpu.memref_squeeze %dma_start3A_370 : memref<1x8x128xf32, #tpu.memory_space<hbm>> -> memref<8x128xf32, #tpu.memory_space<hbm>>
    tpu.enqueue_dma source(%dma_start3A_371 : memref<8x128xf32, #tpu.memory_space<hbm>>) target(%dma_start3A_368 : memref<8x128xf32, #tpu.memory_space<vmem>>) target_semaphore(%arg10 : memref<!tpu.dma_semaphore, #tpu.memory_space<semaphore_mem>>)
    %slice3A_372 = vector.extract_strided_slice %get3A_10 {offsets = [15], sizes = [1], strides = [1]} : vector<16xi32> to vector<1xi32>
    %squeeze3A_373 = vector.extract %slice3A_372[0] : i32 from vector<1xi32>
    %and3A_374 = arith.constant -128 : i32
    %and3A_375 = arith.andi %squeeze3A_373, %and3A_374 : i32
    %multiple_of3A_376 = tpu.assume_multiple %and3A_375, 128 : i32
    %and3A_377 = arith.constant 112 : i32
    %and3A_378 = arith.andi %squeeze3A_373, %and3A_377 : i32
    %and3A_379 = arith.constant 15 : i32
    %and3A_380 = arith.andi %squeeze3A_373, %and3A_379 : i32
    %dma_start3A_381 = arith.constant 15 : i32
    %dma_start3A_382 = arith.constant 0 : i32
    %dma_start3A_383 = arith.constant 0 : i32
    %dma_start3A_384 = tpu.memref_slice %arg8[%dma_start3A_381, %dma_start3A_382, %dma_start3A_383] : memref<32x8x128xf32, #tpu.memory_space<vmem>> -> memref<1x8x128xf32, #tpu.memory_space<vmem>>
    %dma_start3A_385 = tpu.memref_squeeze %dma_start3A_384 : memref<1x8x128xf32, #tpu.memory_space<vmem>> -> memref<8x128xf32, #tpu.memory_space<vmem>>
    %dma_start3A_386 = arith.constant 8 : i32
    %dma_start3A_387 = tpu.memref_slice %arg2[%add3A_14, %dma_start3A_386, %multiple_of3A_376] : memref<32x32x100000xf32, #tpu.memory_space<hbm>> -> memref<1x8x128xf32, #tpu.memory_space<hbm>>
    %dma_start3A_388 = tpu.memref_squeeze %dma_start3A_387 : memref<1x8x128xf32, #tpu.memory_space<hbm>> -> memref<8x128xf32, #tpu.memory_space<hbm>>
    %dma_start3A_389 = arith.constant 0 : i32
    %dma_start3A_390 = arith.constant 0 : i32
    %dma_start3A_391 = tpu.memref_slice %arg8[%dma_start3A_381, %dma_start3A_389, %dma_start3A_390] : memref<32x8x128xf32, #tpu.memory_space<vmem>> -> memref<1x8x128xf32, #tpu.memory_space<vmem>>
    %dma_start3A_392 = tpu.memref_squeeze %dma_start3A_391 : memref<1x8x128xf32, #tpu.memory_space<vmem>> -> memref<8x128xf32, #tpu.memory_space<vmem>>
    %dma_start3A_393 = arith.constant 8 : i32
    %dma_start3A_394 = tpu.memref_slice %arg2[%add3A_14, %dma_start3A_393, %multiple_of3A_376] : memref<32x32x100000xf32, #tpu.memory_space<hbm>> -> memref<1x8x128xf32, #tpu.memory_space<hbm>>
    %dma_start3A_395 = tpu.memref_squeeze %dma_start3A_394 : memref<1x8x128xf32, #tpu.memory_space<hbm>> -> memref<8x128xf32, #tpu.memory_space<hbm>>
    tpu.enqueue_dma source(%dma_start3A_395 : memref<8x128xf32, #tpu.memory_space<hbm>>) target(%dma_start3A_392 : memref<8x128xf32, #tpu.memory_space<vmem>>) target_semaphore(%arg10 : memref<!tpu.dma_semaphore, #tpu.memory_space<semaphore_mem>>)
    %get3A_396 = arith.constant 16 : index
    %get3A_397 = tpu.vector_load %arg6[%get3A_396] {strides = array<i32>} : memref<32xi32, #tpu.memory_space<vmem>>, vector<16xi32>,
    %get3A_398 = vector.shape_cast %get3A_397 : vector<16xi32> to vector<16xi32>
    %mul3A_399 = arith.constant 1 : i32
    %mul3A_400 = arith.muli %add3A, %mul3A_399 : i32
    %add3A_401 = arith.constant 0 : i32
    %add3A_402 = arith.addi %mul3A_400, %add3A_401 : i32
    %slice3A_403 = vector.extract_strided_slice %get3A_398 {offsets = [0], sizes = [1], strides = [1]} : vector<16xi32> to vector<1xi32>
    %squeeze3A_404 = vector.extract %slice3A_403[0] : i32 from vector<1xi32>
    %and3A_405 = arith.constant -128 : i32
    %and3A_406 = arith.andi %squeeze3A_404, %and3A_405 : i32
    %multiple_of3A_407 = tpu.assume_multiple %and3A_406, 128 : i32
    %and3A_408 = arith.constant 112 : i32
    %and3A_409 = arith.andi %squeeze3A_404, %and3A_408 : i32
    %and3A_410 = arith.constant 15 : i32
    %and3A_411 = arith.andi %squeeze3A_404, %and3A_410 : i32
    %dma_start3A_412 = arith.constant 16 : i32
    %dma_start3A_413 = arith.constant 0 : i32
    %dma_start3A_414 = arith.constant 0 : i32
    %dma_start3A_415 = tpu.memref_slice %arg8[%dma_start3A_412, %dma_start3A_413, %dma_start3A_414] : memref<32x8x128xf32, #tpu.memory_space<vmem>> -> memref<1x8x128xf32, #tpu.memory_space<vmem>>
    %dma_start3A_416 = tpu.memref_squeeze %dma_start3A_415 : memref<1x8x128xf32, #tpu.memory_space<vmem>> -> memref<8x128xf32, #tpu.memory_space<vmem>>
    %dma_start3A_417 = arith.constant 16 : i32
    %dma_start3A_418 = tpu.memref_slice %arg2[%add3A_402, %dma_start3A_417, %multiple_of3A_407] : memref<32x32x100000xf32, #tpu.memory_space<hbm>> -> memref<1x8x128xf32, #tpu.memory_space<hbm>>
    %dma_start3A_419 = tpu.memref_squeeze %dma_start3A_418 : memref<1x8x128xf32, #tpu.memory_space<hbm>> -> memref<8x128xf32, #tpu.memory_space<hbm>>
    %dma_start3A_420 = arith.constant 0 : i32
    %dma_start3A_421 = arith.constant 0 : i32
    %dma_start3A_422 = tpu.memref_slice %arg8[%dma_start3A_412, %dma_start3A_420, %dma_start3A_421] : memref<32x8x128xf32, #tpu.memory_space<vmem>> -> memref<1x8x128xf32, #tpu.memory_space<vmem>>
    %dma_start3A_423 = tpu.memref_squeeze %dma_start3A_422 : memref<1x8x128xf32, #tpu.memory_space<vmem>> -> memref<8x128xf32, #tpu.memory_space<vmem>>
    %dma_start3A_424 = arith.constant 16 : i32
    %dma_start3A_425 = tpu.memref_slice %arg2[%add3A_402, %dma_start3A_424, %multiple_of3A_407] : memref<32x32x100000xf32, #tpu.memory_space<hbm>> -> memref<1x8x128xf32, #tpu.memory_space<hbm>>
    %dma_start3A_426 = tpu.memref_squeeze %dma_start3A_425 : memref<1x8x128xf32, #tpu.memory_space<hbm>> -> memref<8x128xf32, #tpu.memory_space<hbm>>
    tpu.enqueue_dma source(%dma_start3A_426 : memref<8x128xf32, #tpu.memory_space<hbm>>) target(%dma_start3A_423 : memref<8x128xf32, #tpu.memory_space<vmem>>) target_semaphore(%arg10 : memref<!tpu.dma_semaphore, #tpu.memory_space<semaphore_mem>>)
    %slice3A_427 = vector.extract_strided_slice %get3A_398 {offsets = [1], sizes = [1], strides = [1]} : vector<16xi32> to vector<1xi32>
    %squeeze3A_428 = vector.extract %slice3A_427[0] : i32 from vector<1xi32>
    %and3A_429 = arith.constant -128 : i32
    %and3A_430 = arith.andi %squeeze3A_428, %and3A_429 : i32
    %multiple_of3A_431 = tpu.assume_multiple %and3A_430, 128 : i32
    %and3A_432 = arith.constant 112 : i32
    %and3A_433 = arith.andi %squeeze3A_428, %and3A_432 : i32
    %and3A_434 = arith.constant 15 : i32
    %and3A_435 = arith.andi %squeeze3A_428, %and3A_434 : i32
    %dma_start3A_436 = arith.constant 17 : i32
    %dma_start3A_437 = arith.constant 0 : i32
    %dma_start3A_438 = arith.constant 0 : i32
    %dma_start3A_439 = tpu.memref_slice %arg8[%dma_start3A_436, %dma_start3A_437, %dma_start3A_438] : memref<32x8x128xf32, #tpu.memory_space<vmem>> -> memref<1x8x128xf32, #tpu.memory_space<vmem>>
    %dma_start3A_440 = tpu.memref_squeeze %dma_start3A_439 : memref<1x8x128xf32, #tpu.memory_space<vmem>> -> memref<8x128xf32, #tpu.memory_space<vmem>>
    %dma_start3A_441 = arith.constant 16 : i32
    %dma_start3A_442 = tpu.memref_slice %arg2[%add3A_402, %dma_start3A_441, %multiple_of3A_431] : memref<32x32x100000xf32, #tpu.memory_space<hbm>> -> memref<1x8x128xf32, #tpu.memory_space<hbm>>
    %dma_start3A_443 = tpu.memref_squeeze %dma_start3A_442 : memref<1x8x128xf32, #tpu.memory_space<hbm>> -> memref<8x128xf32, #tpu.memory_space<hbm>>
    %dma_start3A_444 = arith.constant 0 : i32
    %dma_start3A_445 = arith.constant 0 : i32
    %dma_start3A_446 = tpu.memref_slice %arg8[%dma_start3A_436, %dma_start3A_444, %dma_start3A_445] : memref<32x8x128xf32, #tpu.memory_space<vmem>> -> memref<1x8x128xf32, #tpu.memory_space<vmem>>
    %dma_start3A_447 = tpu.memref_squeeze %dma_start3A_446 : memref<1x8x128xf32, #tpu.memory_space<vmem>> -> memref<8x128xf32, #tpu.memory_space<vmem>>
    %dma_start3A_448 = arith.constant 16 : i32
    %dma_start3A_449 = tpu.memref_slice %arg2[%add3A_402, %dma_start3A_448, %multiple_of3A_431] : memref<32x32x100000xf32, #tpu.memory_space<hbm>> -> memref<1x8x128xf32, #tpu.memory_space<hbm>>
    %dma_start3A_450 = tpu.memref_squeeze %dma_start3A_449 : memref<1x8x128xf32, #tpu.memory_space<hbm>> -> memref<8x128xf32, #tpu.memory_space<hbm>>
    tpu.enqueue_dma source(%dma_start3A_450 : memref<8x128xf32, #tpu.memory_space<hbm>>) target(%dma_start3A_447 : memref<8x128xf32, #tpu.memory_space<vmem>>) target_semaphore(%arg10 : memref<!tpu.dma_semaphore, #tpu.memory_space<semaphore_mem>>)
    %slice3A_451 = vector.extract_strided_slice %get3A_398 {offsets = [2], sizes = [1], strides = [1]} : vector<16xi32> to vector<1xi32>
    %squeeze3A_452 = vector.extract %slice3A_451[0] : i32 from vector<1xi32>
    %and3A_453 = arith.constant -128 : i32
    %and3A_454 = arith.andi %squeeze3A_452, %and3A_453 : i32
    %multiple_of3A_455 = tpu.assume_multiple %and3A_454, 128 : i32
    %and3A_456 = arith.constant 112 : i32
    %and3A_457 = arith.andi %squeeze3A_452, %and3A_456 : i32
    %and3A_458 = arith.constant 15 : i32
    %and3A_459 = arith.andi %squeeze3A_452, %and3A_458 : i32
    %dma_start3A_460 = arith.constant 18 : i32
    %dma_start3A_461 = arith.constant 0 : i32
    %dma_start3A_462 = arith.constant 0 : i32
    %dma_start3A_463 = tpu.memref_slice %arg8[%dma_start3A_460, %dma_start3A_461, %dma_start3A_462] : memref<32x8x128xf32, #tpu.memory_space<vmem>> -> memref<1x8x128xf32, #tpu.memory_space<vmem>>
    %dma_start3A_464 = tpu.memref_squeeze %dma_start3A_463 : memref<1x8x128xf32, #tpu.memory_space<vmem>> -> memref<8x128xf32, #tpu.memory_space<vmem>>
    %dma_start3A_465 = arith.constant 16 : i32
    %dma_start3A_466 = tpu.memref_slice %arg2[%add3A_402, %dma_start3A_465, %multiple_of3A_455] : memref<32x32x100000xf32, #tpu.memory_space<hbm>> -> memref<1x8x128xf32, #tpu.memory_space<hbm>>
    %dma_start3A_467 = tpu.memref_squeeze %dma_start3A_466 : memref<1x8x128xf32, #tpu.memory_space<hbm>> -> memref<8x128xf32, #tpu.memory_space<hbm>>
    %dma_start3A_468 = arith.constant 0 : i32
    %dma_start3A_469 = arith.constant 0 : i32
    %dma_start3A_470 = tpu.memref_slice %arg8[%dma_start3A_460, %dma_start3A_468, %dma_start3A_469] : memref<32x8x128xf32, #tpu.memory_space<vmem>> -> memref<1x8x128xf32, #tpu.memory_space<vmem>>
    %dma_start3A_471 = tpu.memref_squeeze %dma_start3A_470 : memref<1x8x128xf32, #tpu.memory_space<vmem>> -> memref<8x128xf32, #tpu.memory_space<vmem>>
    %dma_start3A_472 = arith.constant 16 : i32
    %dma_start3A_473 = tpu.memref_slice %arg2[%add3A_402, %dma_start3A_472, %multiple_of3A_455] : memref<32x32x100000xf32, #tpu.memory_space<hbm>> -> memref<1x8x128xf32, #tpu.memory_space<hbm>>
    %dma_start3A_474 = tpu.memref_squeeze %dma_start3A_473 : memref<1x8x128xf32, #tpu.memory_space<hbm>> -> memref<8x128xf32, #tpu.memory_space<hbm>>
    tpu.enqueue_dma source(%dma_start3A_474 : memref<8x128xf32, #tpu.memory_space<hbm>>) target(%dma_start3A_471 : memref<8x128xf32, #tpu.memory_space<vmem>>) target_semaphore(%arg10 : memref<!tpu.dma_semaphore, #tpu.memory_space<semaphore_mem>>)
    %slice3A_475 = vector.extract_strided_slice %get3A_398 {offsets = [3], sizes = [1], strides = [1]} : vector<16xi32> to vector<1xi32>
    %squeeze3A_476 = vector.extract %slice3A_475[0] : i32 from vector<1xi32>
    %and3A_477 = arith.constant -128 : i32
    %and3A_478 = arith.andi %squeeze3A_476, %and3A_477 : i32
    %multiple_of3A_479 = tpu.assume_multiple %and3A_478, 128 : i32
    %and3A_480 = arith.constant 112 : i32
    %and3A_481 = arith.andi %squeeze3A_476, %and3A_480 : i32
    %and3A_482 = arith.constant 15 : i32
    %and3A_483 = arith.andi %squeeze3A_476, %and3A_482 : i32
    %dma_start3A_484 = arith.constant 19 : i32
    %dma_start3A_485 = arith.constant 0 : i32
    %dma_start3A_486 = arith.constant 0 : i32
    %dma_start3A_487 = tpu.memref_slice %arg8[%dma_start3A_484, %dma_start3A_485, %dma_start3A_486] : memref<32x8x128xf32, #tpu.memory_space<vmem>> -> memref<1x8x128xf32, #tpu.memory_space<vmem>>
    %dma_start3A_488 = tpu.memref_squeeze %dma_start3A_487 : memref<1x8x128xf32, #tpu.memory_space<vmem>> -> memref<8x128xf32, #tpu.memory_space<vmem>>
    %dma_start3A_489 = arith.constant 16 : i32
    %dma_start3A_490 = tpu.memref_slice %arg2[%add3A_402, %dma_start3A_489, %multiple_of3A_479] : memref<32x32x100000xf32, #tpu.memory_space<hbm>> -> memref<1x8x128xf32, #tpu.memory_space<hbm>>
    %dma_start3A_491 = tpu.memref_squeeze %dma_start3A_490 : memref<1x8x128xf32, #tpu.memory_space<hbm>> -> memref<8x128xf32, #tpu.memory_space<hbm>>
    %dma_start3A_492 = arith.constant 0 : i32
    %dma_start3A_493 = arith.constant 0 : i32
    %dma_start3A_494 = tpu.memref_slice %arg8[%dma_start3A_484, %dma_start3A_492, %dma_start3A_493] : memref<32x8x128xf32, #tpu.memory_space<vmem>> -> memref<1x8x128xf32, #tpu.memory_space<vmem>>
    %dma_start3A_495 = tpu.memref_squeeze %dma_start3A_494 : memref<1x8x128xf32, #tpu.memory_space<vmem>> -> memref<8x128xf32, #tpu.memory_space<vmem>>
    %dma_start3A_496 = arith.constant 16 : i32
    %dma_start3A_497 = tpu.memref_slice %arg2[%add3A_402, %dma_start3A_496, %multiple_of3A_479] : memref<32x32x100000xf32, #tpu.memory_space<hbm>> -> memref<1x8x128xf32, #tpu.memory_space<hbm>>
    %dma_start3A_498 = tpu.memref_squeeze %dma_start3A_497 : memref<1x8x128xf32, #tpu.memory_space<hbm>> -> memref<8x128xf32, #tpu.memory_space<hbm>>
    tpu.enqueue_dma source(%dma_start3A_498 : memref<8x128xf32, #tpu.memory_space<hbm>>) target(%dma_start3A_495 : memref<8x128xf32, #tpu.memory_space<vmem>>) target_semaphore(%arg10 : memref<!tpu.dma_semaphore, #tpu.memory_space<semaphore_mem>>)
    %slice3A_499 = vector.extract_strided_slice %get3A_398 {offsets = [4], sizes = [1], strides = [1]} : vector<16xi32> to vector<1xi32>
    %squeeze3A_500 = vector.extract %slice3A_499[0] : i32 from vector<1xi32>
    %and3A_501 = arith.constant -128 : i32
    %and3A_502 = arith.andi %squeeze3A_500, %and3A_501 : i32
    %multiple_of3A_503 = tpu.assume_multiple %and3A_502, 128 : i32
    %and3A_504 = arith.constant 112 : i32
    %and3A_505 = arith.andi %squeeze3A_500, %and3A_504 : i32
    %and3A_506 = arith.constant 15 : i32
    %and3A_507 = arith.andi %squeeze3A_500, %and3A_506 : i32
    %dma_start3A_508 = arith.constant 20 : i32
    %dma_start3A_509 = arith.constant 0 : i32
    %dma_start3A_510 = arith.constant 0 : i32
    %dma_start3A_511 = tpu.memref_slice %arg8[%dma_start3A_508, %dma_start3A_509, %dma_start3A_510] : memref<32x8x128xf32, #tpu.memory_space<vmem>> -> memref<1x8x128xf32, #tpu.memory_space<vmem>>
    %dma_start3A_512 = tpu.memref_squeeze %dma_start3A_511 : memref<1x8x128xf32, #tpu.memory_space<vmem>> -> memref<8x128xf32, #tpu.memory_space<vmem>>
    %dma_start3A_513 = arith.constant 16 : i32
    %dma_start3A_514 = tpu.memref_slice %arg2[%add3A_402, %dma_start3A_513, %multiple_of3A_503] : memref<32x32x100000xf32, #tpu.memory_space<hbm>> -> memref<1x8x128xf32, #tpu.memory_space<hbm>>
    %dma_start3A_515 = tpu.memref_squeeze %dma_start3A_514 : memref<1x8x128xf32, #tpu.memory_space<hbm>> -> memref<8x128xf32, #tpu.memory_space<hbm>>
    %dma_start3A_516 = arith.constant 0 : i32
    %dma_start3A_517 = arith.constant 0 : i32
    %dma_start3A_518 = tpu.memref_slice %arg8[%dma_start3A_508, %dma_start3A_516, %dma_start3A_517] : memref<32x8x128xf32, #tpu.memory_space<vmem>> -> memref<1x8x128xf32, #tpu.memory_space<vmem>>
    %dma_start3A_519 = tpu.memref_squeeze %dma_start3A_518 : memref<1x8x128xf32, #tpu.memory_space<vmem>> -> memref<8x128xf32, #tpu.memory_space<vmem>>
    %dma_start3A_520 = arith.constant 16 : i32
    %dma_start3A_521 = tpu.memref_slice %arg2[%add3A_402, %dma_start3A_520, %multiple_of3A_503] : memref<32x32x100000xf32, #tpu.memory_space<hbm>> -> memref<1x8x128xf32, #tpu.memory_space<hbm>>
    %dma_start3A_522 = tpu.memref_squeeze %dma_start3A_521 : memref<1x8x128xf32, #tpu.memory_space<hbm>> -> memref<8x128xf32, #tpu.memory_space<hbm>>
    tpu.enqueue_dma source(%dma_start3A_522 : memref<8x128xf32, #tpu.memory_space<hbm>>) target(%dma_start3A_519 : memref<8x128xf32, #tpu.memory_space<vmem>>) target_semaphore(%arg10 : memref<!tpu.dma_semaphore, #tpu.memory_space<semaphore_mem>>)
    %slice3A_523 = vector.extract_strided_slice %get3A_398 {offsets = [5], sizes = [1], strides = [1]} : vector<16xi32> to vector<1xi32>
    %squeeze3A_524 = vector.extract %slice3A_523[0] : i32 from vector<1xi32>
    %and3A_525 = arith.constant -128 : i32
    %and3A_526 = arith.andi %squeeze3A_524, %and3A_525 : i32
    %multiple_of3A_527 = tpu.assume_multiple %and3A_526, 128 : i32
    %and3A_528 = arith.constant 112 : i32
    %and3A_529 = arith.andi %squeeze3A_524, %and3A_528 : i32
    %and3A_530 = arith.constant 15 : i32
    %and3A_531 = arith.andi %squeeze3A_524, %and3A_530 : i32
    %dma_start3A_532 = arith.constant 21 : i32
    %dma_start3A_533 = arith.constant 0 : i32
    %dma_start3A_534 = arith.constant 0 : i32
    %dma_start3A_535 = tpu.memref_slice %arg8[%dma_start3A_532, %dma_start3A_533, %dma_start3A_534] : memref<32x8x128xf32, #tpu.memory_space<vmem>> -> memref<1x8x128xf32, #tpu.memory_space<vmem>>
    %dma_start3A_536 = tpu.memref_squeeze %dma_start3A_535 : memref<1x8x128xf32, #tpu.memory_space<vmem>> -> memref<8x128xf32, #tpu.memory_space<vmem>>
    %dma_start3A_537 = arith.constant 16 : i32
    %dma_start3A_538 = tpu.memref_slice %arg2[%add3A_402, %dma_start3A_537, %multiple_of3A_527] : memref<32x32x100000xf32, #tpu.memory_space<hbm>> -> memref<1x8x128xf32, #tpu.memory_space<hbm>>
    %dma_start3A_539 = tpu.memref_squeeze %dma_start3A_538 : memref<1x8x128xf32, #tpu.memory_space<hbm>> -> memref<8x128xf32, #tpu.memory_space<hbm>>
    %dma_start3A_540 = arith.constant 0 : i32
    %dma_start3A_541 = arith.constant 0 : i32
    %dma_start3A_542 = tpu.memref_slice %arg8[%dma_start3A_532, %dma_start3A_540, %dma_start3A_541] : memref<32x8x128xf32, #tpu.memory_space<vmem>> -> memref<1x8x128xf32, #tpu.memory_space<vmem>>
    %dma_start3A_543 = tpu.memref_squeeze %dma_start3A_542 : memref<1x8x128xf32, #tpu.memory_space<vmem>> -> memref<8x128xf32, #tpu.memory_space<vmem>>
    %dma_start3A_544 = arith.constant 16 : i32
    %dma_start3A_545 = tpu.memref_slice %arg2[%add3A_402, %dma_start3A_544, %multiple_of3A_527] : memref<32x32x100000xf32, #tpu.memory_space<hbm>> -> memref<1x8x128xf32, #tpu.memory_space<hbm>>
    %dma_start3A_546 = tpu.memref_squeeze %dma_start3A_545 : memref<1x8x128xf32, #tpu.memory_space<hbm>> -> memref<8x128xf32, #tpu.memory_space<hbm>>
    tpu.enqueue_dma source(%dma_start3A_546 : memref<8x128xf32, #tpu.memory_space<hbm>>) target(%dma_start3A_543 : memref<8x128xf32, #tpu.memory_space<vmem>>) target_semaphore(%arg10 : memref<!tpu.dma_semaphore, #tpu.memory_space<semaphore_mem>>)
    %slice3A_547 = vector.extract_strided_slice %get3A_398 {offsets = [6], sizes = [1], strides = [1]} : vector<16xi32> to vector<1xi32>
    %squeeze3A_548 = vector.extract %slice3A_547[0] : i32 from vector<1xi32>
    %and3A_549 = arith.constant -128 : i32
    %and3A_550 = arith.andi %squeeze3A_548, %and3A_549 : i32
    %multiple_of3A_551 = tpu.assume_multiple %and3A_550, 128 : i32
    %and3A_552 = arith.constant 112 : i32
    %and3A_553 = arith.andi %squeeze3A_548, %and3A_552 : i32
    %and3A_554 = arith.constant 15 : i32
    %and3A_555 = arith.andi %squeeze3A_548, %and3A_554 : i32
    %dma_start3A_556 = arith.constant 22 : i32
    %dma_start3A_557 = arith.constant 0 : i32
    %dma_start3A_558 = arith.constant 0 : i32
    %dma_start3A_559 = tpu.memref_slice %arg8[%dma_start3A_556, %dma_start3A_557, %dma_start3A_558] : memref<32x8x128xf32, #tpu.memory_space<vmem>> -> memref<1x8x128xf32, #tpu.memory_space<vmem>>
    %dma_start3A_560 = tpu.memref_squeeze %dma_start3A_559 : memref<1x8x128xf32, #tpu.memory_space<vmem>> -> memref<8x128xf32, #tpu.memory_space<vmem>>
    %dma_start3A_561 = arith.constant 16 : i32
    %dma_start3A_562 = tpu.memref_slice %arg2[%add3A_402, %dma_start3A_561, %multiple_of3A_551] : memref<32x32x100000xf32, #tpu.memory_space<hbm>> -> memref<1x8x128xf32, #tpu.memory_space<hbm>>
    %dma_start3A_563 = tpu.memref_squeeze %dma_start3A_562 : memref<1x8x128xf32, #tpu.memory_space<hbm>> -> memref<8x128xf32, #tpu.memory_space<hbm>>
    %dma_start3A_564 = arith.constant 0 : i32
    %dma_start3A_565 = arith.constant 0 : i32
    %dma_start3A_566 = tpu.memref_slice %arg8[%dma_start3A_556, %dma_start3A_564, %dma_start3A_565] : memref<32x8x128xf32, #tpu.memory_space<vmem>> -> memref<1x8x128xf32, #tpu.memory_space<vmem>>
    %dma_start3A_567 = tpu.memref_squeeze %dma_start3A_566 : memref<1x8x128xf32, #tpu.memory_space<vmem>> -> memref<8x128xf32, #tpu.memory_space<vmem>>
    %dma_start3A_568 = arith.constant 16 : i32
    %dma_start3A_569 = tpu.memref_slice %arg2[%add3A_402, %dma_start3A_568, %multiple_of3A_551] : memref<32x32x100000xf32, #tpu.memory_space<hbm>> -> memref<1x8x128xf32, #tpu.memory_space<hbm>>
    %dma_start3A_570 = tpu.memref_squeeze %dma_start3A_569 : memref<1x8x128xf32, #tpu.memory_space<hbm>> -> memref<8x128xf32, #tpu.memory_space<hbm>>
    tpu.enqueue_dma source(%dma_start3A_570 : memref<8x128xf32, #tpu.memory_space<hbm>>) target(%dma_start3A_567 : memref<8x128xf32, #tpu.memory_space<vmem>>) target_semaphore(%arg10 : memref<!tpu.dma_semaphore, #tpu.memory_space<semaphore_mem>>)
    %slice3A_571 = vector.extract_strided_slice %get3A_398 {offsets = [7], sizes = [1], strides = [1]} : vector<16xi32> to vector<1xi32>
    %squeeze3A_572 = vector.extract %slice3A_571[0] : i32 from vector<1xi32>
    %and3A_573 = arith.constant -128 : i32
    %and3A_574 = arith.andi %squeeze3A_572, %and3A_573 : i32
    %multiple_of3A_575 = tpu.assume_multiple %and3A_574, 128 : i32
    %and3A_576 = arith.constant 112 : i32
    %and3A_577 = arith.andi %squeeze3A_572, %and3A_576 : i32
    %and3A_578 = arith.constant 15 : i32
    %and3A_579 = arith.andi %squeeze3A_572, %and3A_578 : i32
    %dma_start3A_580 = arith.constant 23 : i32
    %dma_start3A_581 = arith.constant 0 : i32
    %dma_start3A_582 = arith.constant 0 : i32
    %dma_start3A_583 = tpu.memref_slice %arg8[%dma_start3A_580, %dma_start3A_581, %dma_start3A_582] : memref<32x8x128xf32, #tpu.memory_space<vmem>> -> memref<1x8x128xf32, #tpu.memory_space<vmem>>
    %dma_start3A_584 = tpu.memref_squeeze %dma_start3A_583 : memref<1x8x128xf32, #tpu.memory_space<vmem>> -> memref<8x128xf32, #tpu.memory_space<vmem>>
    %dma_start3A_585 = arith.constant 16 : i32
    %dma_start3A_586 = tpu.memref_slice %arg2[%add3A_402, %dma_start3A_585, %multiple_of3A_575] : memref<32x32x100000xf32, #tpu.memory_space<hbm>> -> memref<1x8x128xf32, #tpu.memory_space<hbm>>
    %dma_start3A_587 = tpu.memref_squeeze %dma_start3A_586 : memref<1x8x128xf32, #tpu.memory_space<hbm>> -> memref<8x128xf32, #tpu.memory_space<hbm>>
    %dma_start3A_588 = arith.constant 0 : i32
    %dma_start3A_589 = arith.constant 0 : i32
    %dma_start3A_590 = tpu.memref_slice %arg8[%dma_start3A_580, %dma_start3A_588, %dma_start3A_589] : memref<32x8x128xf32, #tpu.memory_space<vmem>> -> memref<1x8x128xf32, #tpu.memory_space<vmem>>
    %dma_start3A_591 = tpu.memref_squeeze %dma_start3A_590 : memref<1x8x128xf32, #tpu.memory_space<vmem>> -> memref<8x128xf32, #tpu.memory_space<vmem>>
    %dma_start3A_592 = arith.constant 16 : i32
    %dma_start3A_593 = tpu.memref_slice %arg2[%add3A_402, %dma_start3A_592, %multiple_of3A_575] : memref<32x32x100000xf32, #tpu.memory_space<hbm>> -> memref<1x8x128xf32, #tpu.memory_space<hbm>>
    %dma_start3A_594 = tpu.memref_squeeze %dma_start3A_593 : memref<1x8x128xf32, #tpu.memory_space<hbm>> -> memref<8x128xf32, #tpu.memory_space<hbm>>
    tpu.enqueue_dma source(%dma_start3A_594 : memref<8x128xf32, #tpu.memory_space<hbm>>) target(%dma_start3A_591 : memref<8x128xf32, #tpu.memory_space<vmem>>) target_semaphore(%arg10 : memref<!tpu.dma_semaphore, #tpu.memory_space<semaphore_mem>>)
    %slice3A_595 = vector.extract_strided_slice %get3A_398 {offsets = [8], sizes = [1], strides = [1]} : vector<16xi32> to vector<1xi32>
    %squeeze3A_596 = vector.extract %slice3A_595[0] : i32 from vector<1xi32>
    %and3A_597 = arith.constant -128 : i32
    %and3A_598 = arith.andi %squeeze3A_596, %and3A_597 : i32
    %multiple_of3A_599 = tpu.assume_multiple %and3A_598, 128 : i32
    %and3A_600 = arith.constant 112 : i32
    %and3A_601 = arith.andi %squeeze3A_596, %and3A_600 : i32
    %and3A_602 = arith.constant 15 : i32
    %and3A_603 = arith.andi %squeeze3A_596, %and3A_602 : i32
    %dma_start3A_604 = arith.constant 24 : i32
    %dma_start3A_605 = arith.constant 0 : i32
    %dma_start3A_606 = arith.constant 0 : i32
    %dma_start3A_607 = tpu.memref_slice %arg8[%dma_start3A_604, %dma_start3A_605, %dma_start3A_606] : memref<32x8x128xf32, #tpu.memory_space<vmem>> -> memref<1x8x128xf32, #tpu.memory_space<vmem>>
    %dma_start3A_608 = tpu.memref_squeeze %dma_start3A_607 : memref<1x8x128xf32, #tpu.memory_space<vmem>> -> memref<8x128xf32, #tpu.memory_space<vmem>>
    %dma_start3A_609 = arith.constant 24 : i32
    %dma_start3A_610 = tpu.memref_slice %arg2[%add3A_402, %dma_start3A_609, %multiple_of3A_599] : memref<32x32x100000xf32, #tpu.memory_space<hbm>> -> memref<1x8x128xf32, #tpu.memory_space<hbm>>
    %dma_start3A_611 = tpu.memref_squeeze %dma_start3A_610 : memref<1x8x128xf32, #tpu.memory_space<hbm>> -> memref<8x128xf32, #tpu.memory_space<hbm>>
    %dma_start3A_612 = arith.constant 0 : i32
    %dma_start3A_613 = arith.constant 0 : i32
    %dma_start3A_614 = tpu.memref_slice %arg8[%dma_start3A_604, %dma_start3A_612, %dma_start3A_613] : memref<32x8x128xf32, #tpu.memory_space<vmem>> -> memref<1x8x128xf32, #tpu.memory_space<vmem>>
    %dma_start3A_615 = tpu.memref_squeeze %dma_start3A_614 : memref<1x8x128xf32, #tpu.memory_space<vmem>> -> memref<8x128xf32, #tpu.memory_space<vmem>>
    %dma_start3A_616 = arith.constant 24 : i32
    %dma_start3A_617 = tpu.memref_slice %arg2[%add3A_402, %dma_start3A_616, %multiple_of3A_599] : memref<32x32x100000xf32, #tpu.memory_space<hbm>> -> memref<1x8x128xf32, #tpu.memory_space<hbm>>
    %dma_start3A_618 = tpu.memref_squeeze %dma_start3A_617 : memref<1x8x128xf32, #tpu.memory_space<hbm>> -> memref<8x128xf32, #tpu.memory_space<hbm>>
    tpu.enqueue_dma source(%dma_start3A_618 : memref<8x128xf32, #tpu.memory_space<hbm>>) target(%dma_start3A_615 : memref<8x128xf32, #tpu.memory_space<vmem>>) target_semaphore(%arg10 : memref<!tpu.dma_semaphore, #tpu.memory_space<semaphore_mem>>)
    %slice3A_619 = vector.extract_strided_slice %get3A_398 {offsets = [9], sizes = [1], strides = [1]} : vector<16xi32> to vector<1xi32>
    %squeeze3A_620 = vector.extract %slice3A_619[0] : i32 from vector<1xi32>
    %and3A_621 = arith.constant -128 : i32
    %and3A_622 = arith.andi %squeeze3A_620, %and3A_621 : i32
    %multiple_of3A_623 = tpu.assume_multiple %and3A_622, 128 : i32
    %and3A_624 = arith.constant 112 : i32
    %and3A_625 = arith.andi %squeeze3A_620, %and3A_624 : i32
    %and3A_626 = arith.constant 15 : i32
    %and3A_627 = arith.andi %squeeze3A_620, %and3A_626 : i32
    %dma_start3A_628 = arith.constant 25 : i32
    %dma_start3A_629 = arith.constant 0 : i32
    %dma_start3A_630 = arith.constant 0 : i32
    %dma_start3A_631 = tpu.memref_slice %arg8[%dma_start3A_628, %dma_start3A_629, %dma_start3A_630] : memref<32x8x128xf32, #tpu.memory_space<vmem>> -> memref<1x8x128xf32, #tpu.memory_space<vmem>>
    %dma_start3A_632 = tpu.memref_squeeze %dma_start3A_631 : memref<1x8x128xf32, #tpu.memory_space<vmem>> -> memref<8x128xf32, #tpu.memory_space<vmem>>
    %dma_start3A_633 = arith.constant 24 : i32
    %dma_start3A_634 = tpu.memref_slice %arg2[%add3A_402, %dma_start3A_633, %multiple_of3A_623] : memref<32x32x100000xf32, #tpu.memory_space<hbm>> -> memref<1x8x128xf32, #tpu.memory_space<hbm>>
    %dma_start3A_635 = tpu.memref_squeeze %dma_start3A_634 : memref<1x8x128xf32, #tpu.memory_space<hbm>> -> memref<8x128xf32, #tpu.memory_space<hbm>>
    %dma_start3A_636 = arith.constant 0 : i32
    %dma_start3A_637 = arith.constant 0 : i32
    %dma_start3A_638 = tpu.memref_slice %arg8[%dma_start3A_628, %dma_start3A_636, %dma_start3A_637] : memref<32x8x128xf32, #tpu.memory_space<vmem>> -> memref<1x8x128xf32, #tpu.memory_space<vmem>>
    %dma_start3A_639 = tpu.memref_squeeze %dma_start3A_638 : memref<1x8x128xf32, #tpu.memory_space<vmem>> -> memref<8x128xf32, #tpu.memory_space<vmem>>
    %dma_start3A_640 = arith.constant 24 : i32
    %dma_start3A_641 = tpu.memref_slice %arg2[%add3A_402, %dma_start3A_640, %multiple_of3A_623] : memref<32x32x100000xf32, #tpu.memory_space<hbm>> -> memref<1x8x128xf32, #tpu.memory_space<hbm>>
    %dma_start3A_642 = tpu.memref_squeeze %dma_start3A_641 : memref<1x8x128xf32, #tpu.memory_space<hbm>> -> memref<8x128xf32, #tpu.memory_space<hbm>>
    tpu.enqueue_dma source(%dma_start3A_642 : memref<8x128xf32, #tpu.memory_space<hbm>>) target(%dma_start3A_639 : memref<8x128xf32, #tpu.memory_space<vmem>>) target_semaphore(%arg10 : memref<!tpu.dma_semaphore, #tpu.memory_space<semaphore_mem>>)
    %slice3A_643 = vector.extract_strided_slice %get3A_398 {offsets = [10], sizes = [1], strides = [1]} : vector<16xi32> to vector<1xi32>
    %squeeze3A_644 = vector.extract %slice3A_643[0] : i32 from vector<1xi32>
    %and3A_645 = arith.constant -128 : i32
    %and3A_646 = arith.andi %squeeze3A_644, %and3A_645 : i32
    %multiple_of3A_647 = tpu.assume_multiple %and3A_646, 128 : i32
    %and3A_648 = arith.constant 112 : i32
    %and3A_649 = arith.andi %squeeze3A_644, %and3A_648 : i32
    %and3A_650 = arith.constant 15 : i32
    %and3A_651 = arith.andi %squeeze3A_644, %and3A_650 : i32
    %dma_start3A_652 = arith.constant 26 : i32
    %dma_start3A_653 = arith.constant 0 : i32
    %dma_start3A_654 = arith.constant 0 : i32
    %dma_start3A_655 = tpu.memref_slice %arg8[%dma_start3A_652, %dma_start3A_653, %dma_start3A_654] : memref<32x8x128xf32, #tpu.memory_space<vmem>> -> memref<1x8x128xf32, #tpu.memory_space<vmem>>
    %dma_start3A_656 = tpu.memref_squeeze %dma_start3A_655 : memref<1x8x128xf32, #tpu.memory_space<vmem>> -> memref<8x128xf32, #tpu.memory_space<vmem>>
    %dma_start3A_657 = arith.constant 24 : i32
    %dma_start3A_658 = tpu.memref_slice %arg2[%add3A_402, %dma_start3A_657, %multiple_of3A_647] : memref<32x32x100000xf32, #tpu.memory_space<hbm>> -> memref<1x8x128xf32, #tpu.memory_space<hbm>>
    %dma_start3A_659 = tpu.memref_squeeze %dma_start3A_658 : memref<1x8x128xf32, #tpu.memory_space<hbm>> -> memref<8x128xf32, #tpu.memory_space<hbm>>
    %dma_start3A_660 = arith.constant 0 : i32
    %dma_start3A_661 = arith.constant 0 : i32
    %dma_start3A_662 = tpu.memref_slice %arg8[%dma_start3A_652, %dma_start3A_660, %dma_start3A_661] : memref<32x8x128xf32, #tpu.memory_space<vmem>> -> memref<1x8x128xf32, #tpu.memory_space<vmem>>
    %dma_start3A_663 = tpu.memref_squeeze %dma_start3A_662 : memref<1x8x128xf32, #tpu.memory_space<vmem>> -> memref<8x128xf32, #tpu.memory_space<vmem>>
    %dma_start3A_664 = arith.constant 24 : i32
    %dma_start3A_665 = tpu.memref_slice %arg2[%add3A_402, %dma_start3A_664, %multiple_of3A_647] : memref<32x32x100000xf32, #tpu.memory_space<hbm>> -> memref<1x8x128xf32, #tpu.memory_space<hbm>>
    %dma_start3A_666 = tpu.memref_squeeze %dma_start3A_665 : memref<1x8x128xf32, #tpu.memory_space<hbm>> -> memref<8x128xf32, #tpu.memory_space<hbm>>
    tpu.enqueue_dma source(%dma_start3A_666 : memref<8x128xf32, #tpu.memory_space<hbm>>) target(%dma_start3A_663 : memref<8x128xf32, #tpu.memory_space<vmem>>) target_semaphore(%arg10 : memref<!tpu.dma_semaphore, #tpu.memory_space<semaphore_mem>>)
    %slice3A_667 = vector.extract_strided_slice %get3A_398 {offsets = [11], sizes = [1], strides = [1]} : vector<16xi32> to vector<1xi32>
    %squeeze3A_668 = vector.extract %slice3A_667[0] : i32 from vector<1xi32>
    %and3A_669 = arith.constant -128 : i32
    %and3A_670 = arith.andi %squeeze3A_668, %and3A_669 : i32
    %multiple_of3A_671 = tpu.assume_multiple %and3A_670, 128 : i32
    %and3A_672 = arith.constant 112 : i32
    %and3A_673 = arith.andi %squeeze3A_668, %and3A_672 : i32
    %and3A_674 = arith.constant 15 : i32
    %and3A_675 = arith.andi %squeeze3A_668, %and3A_674 : i32
    %dma_start3A_676 = arith.constant 27 : i32
    %dma_start3A_677 = arith.constant 0 : i32
    %dma_start3A_678 = arith.constant 0 : i32
    %dma_start3A_679 = tpu.memref_slice %arg8[%dma_start3A_676, %dma_start3A_677, %dma_start3A_678] : memref<32x8x128xf32, #tpu.memory_space<vmem>> -> memref<1x8x128xf32, #tpu.memory_space<vmem>>
    %dma_start3A_680 = tpu.memref_squeeze %dma_start3A_679 : memref<1x8x128xf32, #tpu.memory_space<vmem>> -> memref<8x128xf32, #tpu.memory_space<vmem>>
    %dma_start3A_681 = arith.constant 24 : i32
    %dma_start3A_682 = tpu.memref_slice %arg2[%add3A_402, %dma_start3A_681, %multiple_of3A_671] : memref<32x32x100000xf32, #tpu.memory_space<hbm>> -> memref<1x8x128xf32, #tpu.memory_space<hbm>>
    %dma_start3A_683 = tpu.memref_squeeze %dma_start3A_682 : memref<1x8x128xf32, #tpu.memory_space<hbm>> -> memref<8x128xf32, #tpu.memory_space<hbm>>
    %dma_start3A_684 = arith.constant 0 : i32
    %dma_start3A_685 = arith.constant 0 : i32
    %dma_start3A_686 = tpu.memref_slice %arg8[%dma_start3A_676, %dma_start3A_684, %dma_start3A_685] : memref<32x8x128xf32, #tpu.memory_space<vmem>> -> memref<1x8x128xf32, #tpu.memory_space<vmem>>
    %dma_start3A_687 = tpu.memref_squeeze %dma_start3A_686 : memref<1x8x128xf32, #tpu.memory_space<vmem>> -> memref<8x128xf32, #tpu.memory_space<vmem>>
    %dma_start3A_688 = arith.constant 24 : i32
    %dma_start3A_689 = tpu.memref_slice %arg2[%add3A_402, %dma_start3A_688, %multiple_of3A_671] : memref<32x32x100000xf32, #tpu.memory_space<hbm>> -> memref<1x8x128xf32, #tpu.memory_space<hbm>>
    %dma_start3A_690 = tpu.memref_squeeze %dma_start3A_689 : memref<1x8x128xf32, #tpu.memory_space<hbm>> -> memref<8x128xf32, #tpu.memory_space<hbm>>
    tpu.enqueue_dma source(%dma_start3A_690 : memref<8x128xf32, #tpu.memory_space<hbm>>) target(%dma_start3A_687 : memref<8x128xf32, #tpu.memory_space<vmem>>) target_semaphore(%arg10 : memref<!tpu.dma_semaphore, #tpu.memory_space<semaphore_mem>>)
    %slice3A_691 = vector.extract_strided_slice %get3A_398 {offsets = [12], sizes = [1], strides = [1]} : vector<16xi32> to vector<1xi32>
    %squeeze3A_692 = vector.extract %slice3A_691[0] : i32 from vector<1xi32>
    %and3A_693 = arith.constant -128 : i32
    %and3A_694 = arith.andi %squeeze3A_692, %and3A_693 : i32
    %multiple_of3A_695 = tpu.assume_multiple %and3A_694, 128 : i32
    %and3A_696 = arith.constant 112 : i32
    %and3A_697 = arith.andi %squeeze3A_692, %and3A_696 : i32
    %and3A_698 = arith.constant 15 : i32
    %and3A_699 = arith.andi %squeeze3A_692, %and3A_698 : i32
    %dma_start3A_700 = arith.constant 28 : i32
    %dma_start3A_701 = arith.constant 0 : i32
    %dma_start3A_702 = arith.constant 0 : i32
    %dma_start3A_703 = tpu.memref_slice %arg8[%dma_start3A_700, %dma_start3A_701, %dma_start3A_702] : memref<32x8x128xf32, #tpu.memory_space<vmem>> -> memref<1x8x128xf32, #tpu.memory_space<vmem>>
    %dma_start3A_704 = tpu.memref_squeeze %dma_start3A_703 : memref<1x8x128xf32, #tpu.memory_space<vmem>> -> memref<8x128xf32, #tpu.memory_space<vmem>>
    %dma_start3A_705 = arith.constant 24 : i32
    %dma_start3A_706 = tpu.memref_slice %arg2[%add3A_402, %dma_start3A_705, %multiple_of3A_695] : memref<32x32x100000xf32, #tpu.memory_space<hbm>> -> memref<1x8x128xf32, #tpu.memory_space<hbm>>
    %dma_start3A_707 = tpu.memref_squeeze %dma_start3A_706 : memref<1x8x128xf32, #tpu.memory_space<hbm>> -> memref<8x128xf32, #tpu.memory_space<hbm>>
    %dma_start3A_708 = arith.constant 0 : i32
    %dma_start3A_709 = arith.constant 0 : i32
    %dma_start3A_710 = tpu.memref_slice %arg8[%dma_start3A_700, %dma_start3A_708, %dma_start3A_709] : memref<32x8x128xf32, #tpu.memory_space<vmem>> -> memref<1x8x128xf32, #tpu.memory_space<vmem>>
    %dma_start3A_711 = tpu.memref_squeeze %dma_start3A_710 : memref<1x8x128xf32, #tpu.memory_space<vmem>> -> memref<8x128xf32, #tpu.memory_space<vmem>>
    %dma_start3A_712 = arith.constant 24 : i32
    %dma_start3A_713 = tpu.memref_slice %arg2[%add3A_402, %dma_start3A_712, %multiple_of3A_695] : memref<32x32x100000xf32, #tpu.memory_space<hbm>> -> memref<1x8x128xf32, #tpu.memory_space<hbm>>
    %dma_start3A_714 = tpu.memref_squeeze %dma_start3A_713 : memref<1x8x128xf32, #tpu.memory_space<hbm>> -> memref<8x128xf32, #tpu.memory_space<hbm>>
    tpu.enqueue_dma source(%dma_start3A_714 : memref<8x128xf32, #tpu.memory_space<hbm>>) target(%dma_start3A_711 : memref<8x128xf32, #tpu.memory_space<vmem>>) target_semaphore(%arg10 : memref<!tpu.dma_semaphore, #tpu.memory_space<semaphore_mem>>)
    %slice3A_715 = vector.extract_strided_slice %get3A_398 {offsets = [13], sizes = [1], strides = [1]} : vector<16xi32> to vector<1xi32>
    %squeeze3A_716 = vector.extract %slice3A_715[0] : i32 from vector<1xi32>
    %and3A_717 = arith.constant -128 : i32
    %and3A_718 = arith.andi %squeeze3A_716, %and3A_717 : i32
    %multiple_of3A_719 = tpu.assume_multiple %and3A_718, 128 : i32
    %and3A_720 = arith.constant 112 : i32
    %and3A_721 = arith.andi %squeeze3A_716, %and3A_720 : i32
    %and3A_722 = arith.constant 15 : i32
    %and3A_723 = arith.andi %squeeze3A_716, %and3A_722 : i32
    %dma_start3A_724 = arith.constant 29 : i32
    %dma_start3A_725 = arith.constant 0 : i32
    %dma_start3A_726 = arith.constant 0 : i32
    %dma_start3A_727 = tpu.memref_slice %arg8[%dma_start3A_724, %dma_start3A_725, %dma_start3A_726] : memref<32x8x128xf32, #tpu.memory_space<vmem>> -> memref<1x8x128xf32, #tpu.memory_space<vmem>>
    %dma_start3A_728 = tpu.memref_squeeze %dma_start3A_727 : memref<1x8x128xf32, #tpu.memory_space<vmem>> -> memref<8x128xf32, #tpu.memory_space<vmem>>
    %dma_start3A_729 = arith.constant 24 : i32
    %dma_start3A_730 = tpu.memref_slice %arg2[%add3A_402, %dma_start3A_729, %multiple_of3A_719] : memref<32x32x100000xf32, #tpu.memory_space<hbm>> -> memref<1x8x128xf32, #tpu.memory_space<hbm>>
    %dma_start3A_731 = tpu.memref_squeeze %dma_start3A_730 : memref<1x8x128xf32, #tpu.memory_space<hbm>> -> memref<8x128xf32, #tpu.memory_space<hbm>>
    %dma_start3A_732 = arith.constant 0 : i32
    %dma_start3A_733 = arith.constant 0 : i32
    %dma_start3A_734 = tpu.memref_slice %arg8[%dma_start3A_724, %dma_start3A_732, %dma_start3A_733] : memref<32x8x128xf32, #tpu.memory_space<vmem>> -> memref<1x8x128xf32, #tpu.memory_space<vmem>>
    %dma_start3A_735 = tpu.memref_squeeze %dma_start3A_734 : memref<1x8x128xf32, #tpu.memory_space<vmem>> -> memref<8x128xf32, #tpu.memory_space<vmem>>
    %dma_start3A_736 = arith.constant 24 : i32
    %dma_start3A_737 = tpu.memref_slice %arg2[%add3A_402, %dma_start3A_736, %multiple_of3A_719] : memref<32x32x100000xf32, #tpu.memory_space<hbm>> -> memref<1x8x128xf32, #tpu.memory_space<hbm>>
    %dma_start3A_738 = tpu.memref_squeeze %dma_start3A_737 : memref<1x8x128xf32, #tpu.memory_space<hbm>> -> memref<8x128xf32, #tpu.memory_space<hbm>>
    tpu.enqueue_dma source(%dma_start3A_738 : memref<8x128xf32, #tpu.memory_space<hbm>>) target(%dma_start3A_735 : memref<8x128xf32, #tpu.memory_space<vmem>>) target_semaphore(%arg10 : memref<!tpu.dma_semaphore, #tpu.memory_space<semaphore_mem>>)
    %slice3A_739 = vector.extract_strided_slice %get3A_398 {offsets = [14], sizes = [1], strides = [1]} : vector<16xi32> to vector<1xi32>
    %squeeze3A_740 = vector.extract %slice3A_739[0] : i32 from vector<1xi32>
    %and3A_741 = arith.constant -128 : i32
    %and3A_742 = arith.andi %squeeze3A_740, %and3A_741 : i32
    %multiple_of3A_743 = tpu.assume_multiple %and3A_742, 128 : i32
    %and3A_744 = arith.constant 112 : i32
    %and3A_745 = arith.andi %squeeze3A_740, %and3A_744 : i32
    %and3A_746 = arith.constant 15 : i32
    %and3A_747 = arith.andi %squeeze3A_740, %and3A_746 : i32
    %dma_start3A_748 = arith.constant 30 : i32
    %dma_start3A_749 = arith.constant 0 : i32
    %dma_start3A_750 = arith.constant 0 : i32
    %dma_start3A_751 = tpu.memref_slice %arg8[%dma_start3A_748, %dma_start3A_749, %dma_start3A_750] : memref<32x8x128xf32, #tpu.memory_space<vmem>> -> memref<1x8x128xf32, #tpu.memory_space<vmem>>
    %dma_start3A_752 = tpu.memref_squeeze %dma_start3A_751 : memref<1x8x128xf32, #tpu.memory_space<vmem>> -> memref<8x128xf32, #tpu.memory_space<vmem>>
    %dma_start3A_753 = arith.constant 24 : i32
    %dma_start3A_754 = tpu.memref_slice %arg2[%add3A_402, %dma_start3A_753, %multiple_of3A_743] : memref<32x32x100000xf32, #tpu.memory_space<hbm>> -> memref<1x8x128xf32, #tpu.memory_space<hbm>>
    %dma_start3A_755 = tpu.memref_squeeze %dma_start3A_754 : memref<1x8x128xf32, #tpu.memory_space<hbm>> -> memref<8x128xf32, #tpu.memory_space<hbm>>
    %dma_start3A_756 = arith.constant 0 : i32
    %dma_start3A_757 = arith.constant 0 : i32
    %dma_start3A_758 = tpu.memref_slice %arg8[%dma_start3A_748, %dma_start3A_756, %dma_start3A_757] : memref<32x8x128xf32, #tpu.memory_space<vmem>> -> memref<1x8x128xf32, #tpu.memory_space<vmem>>
    %dma_start3A_759 = tpu.memref_squeeze %dma_start3A_758 : memref<1x8x128xf32, #tpu.memory_space<vmem>> -> memref<8x128xf32, #tpu.memory_space<vmem>>
    %dma_start3A_760 = arith.constant 24 : i32
    %dma_start3A_761 = tpu.memref_slice %arg2[%add3A_402, %dma_start3A_760, %multiple_of3A_743] : memref<32x32x100000xf32, #tpu.memory_space<hbm>> -> memref<1x8x128xf32, #tpu.memory_space<hbm>>
    %dma_start3A_762 = tpu.memref_squeeze %dma_start3A_761 : memref<1x8x128xf32, #tpu.memory_space<hbm>> -> memref<8x128xf32, #tpu.memory_space<hbm>>
    tpu.enqueue_dma source(%dma_start3A_762 : memref<8x128xf32, #tpu.memory_space<hbm>>) target(%dma_start3A_759 : memref<8x128xf32, #tpu.memory_space<vmem>>) target_semaphore(%arg10 : memref<!tpu.dma_semaphore, #tpu.memory_space<semaphore_mem>>)
    %slice3A_763 = vector.extract_strided_slice %get3A_398 {offsets = [15], sizes = [1], strides = [1]} : vector<16xi32> to vector<1xi32>
    %squeeze3A_764 = vector.extract %slice3A_763[0] : i32 from vector<1xi32>
    %and3A_765 = arith.constant -128 : i32
    %and3A_766 = arith.andi %squeeze3A_764, %and3A_765 : i32
    %multiple_of3A_767 = tpu.assume_multiple %and3A_766, 128 : i32
    %and3A_768 = arith.constant 112 : i32
    %and3A_769 = arith.andi %squeeze3A_764, %and3A_768 : i32
    %and3A_770 = arith.constant 15 : i32
    %and3A_771 = arith.andi %squeeze3A_764, %and3A_770 : i32
    %dma_start3A_772 = arith.constant 31 : i32
    %dma_start3A_773 = arith.constant 0 : i32
    %dma_start3A_774 = arith.constant 0 : i32
    %dma_start3A_775 = tpu.memref_slice %arg8[%dma_start3A_772, %dma_start3A_773, %dma_start3A_774] : memref<32x8x128xf32, #tpu.memory_space<vmem>> -> memref<1x8x128xf32, #tpu.memory_space<vmem>>
    %dma_start3A_776 = tpu.memref_squeeze %dma_start3A_775 : memref<1x8x128xf32, #tpu.memory_space<vmem>> -> memref<8x128xf32, #tpu.memory_space<vmem>>
    %dma_start3A_777 = arith.constant 24 : i32
    %dma_start3A_778 = tpu.memref_slice %arg2[%add3A_402, %dma_start3A_777, %multiple_of3A_767] : memref<32x32x100000xf32, #tpu.memory_space<hbm>> -> memref<1x8x128xf32, #tpu.memory_space<hbm>>
    %dma_start3A_779 = tpu.memref_squeeze %dma_start3A_778 : memref<1x8x128xf32, #tpu.memory_space<hbm>> -> memref<8x128xf32, #tpu.memory_space<hbm>>
    %dma_start3A_780 = arith.constant 0 : i32
    %dma_start3A_781 = arith.constant 0 : i32
    %dma_start3A_782 = tpu.memref_slice %arg8[%dma_start3A_772, %dma_start3A_780, %dma_start3A_781] : memref<32x8x128xf32, #tpu.memory_space<vmem>> -> memref<1x8x128xf32, #tpu.memory_space<vmem>>
    %dma_start3A_783 = tpu.memref_squeeze %dma_start3A_782 : memref<1x8x128xf32, #tpu.memory_space<vmem>> -> memref<8x128xf32, #tpu.memory_space<vmem>>
    %dma_start3A_784 = arith.constant 24 : i32
    %dma_start3A_785 = tpu.memref_slice %arg2[%add3A_402, %dma_start3A_784, %multiple_of3A_767] : memref<32x32x100000xf32, #tpu.memory_space<hbm>> -> memref<1x8x128xf32, #tpu.memory_space<hbm>>
    %dma_start3A_786 = tpu.memref_squeeze %dma_start3A_785 : memref<1x8x128xf32, #tpu.memory_space<hbm>> -> memref<8x128xf32, #tpu.memory_space<hbm>>
    tpu.enqueue_dma source(%dma_start3A_786 : memref<8x128xf32, #tpu.memory_space<hbm>>) target(%dma_start3A_783 : memref<8x128xf32, #tpu.memory_space<vmem>>) target_semaphore(%arg10 : memref<!tpu.dma_semaphore, #tpu.memory_space<semaphore_mem>>)
    %broadcast_in_dim3A = arith.constant 0.000000e+00 : f32
    %broadcast_in_dim3A_787 = vector.broadcast %broadcast_in_dim3A : f32 to vector<16xf32>
    %dma_wait3A_788 = arith.constant 0 : i32
    %dma_wait3A_789 = arith.constant 0 : i32
    %dma_wait3A_790 = arith.constant 0 : i32
    %dma_wait3A_791 = tpu.memref_slice %arg8[%dma_wait3A_788, %dma_wait3A_789, %dma_wait3A_790] : memref<32x8x128xf32, #tpu.memory_space<vmem>> -> memref<1x8x128xf32, #tpu.memory_space<vmem>>
    %dma_wait3A_792 = tpu.memref_squeeze %dma_wait3A_791 : memref<1x8x128xf32, #tpu.memory_space<vmem>> -> memref<8x128xf32, #tpu.memory_space<vmem>>
    %dma_wait3A_793 = arith.constant 0 : i32
    %dma_wait3A_794 = tpu.memref_slice %arg2[%add3A_14, %dma_wait3A_793, %multiple_of3A_16] : memref<32x32x100000xf32, #tpu.memory_space<hbm>> -> memref<1x8x128xf32, #tpu.memory_space<hbm>>
    %dma_wait3A_795 = tpu.memref_squeeze %dma_wait3A_794 : memref<1x8x128xf32, #tpu.memory_space<hbm>> -> memref<8x128xf32, #tpu.memory_space<hbm>>
    %dma_wait3A_796 = arith.constant 0 : i32
    %dma_wait3A_797 = arith.constant 0 : i32
    %dma_wait3A_798 = tpu.memref_slice %arg8[%dma_wait3A_788, %dma_wait3A_796, %dma_wait3A_797] : memref<32x8x128xf32, #tpu.memory_space<vmem>> -> memref<1x8x128xf32, #tpu.memory_space<vmem>>
    %dma_wait3A_799 = tpu.memref_squeeze %dma_wait3A_798 : memref<1x8x128xf32, #tpu.memory_space<vmem>> -> memref<8x128xf32, #tpu.memory_space<vmem>>
    %dma_wait3A_800 = arith.constant 0 : i32
    %dma_wait3A_801 = tpu.memref_slice %arg2[%add3A_14, %dma_wait3A_800, %multiple_of3A_16] : memref<32x32x100000xf32, #tpu.memory_space<hbm>> -> memref<1x8x128xf32, #tpu.memory_space<hbm>>
    %dma_wait3A_802 = tpu.memref_squeeze %dma_wait3A_801 : memref<1x8x128xf32, #tpu.memory_space<hbm>> -> memref<8x128xf32, #tpu.memory_space<hbm>>
    tpu.wait_dma2 semaphore(%arg10 : memref<!tpu.dma_semaphore, #tpu.memory_space<semaphore_mem>>) src(%dma_wait3A_802 : memref<8x128xf32, #tpu.memory_space<hbm>>) dst(%dma_wait3A_799 : memref<8x128xf32, #tpu.memory_space<vmem>>)
    %dma_wait3A_803 = arith.constant 1 : i32
    %dma_wait3A_804 = arith.constant 0 : i32
    %dma_wait3A_805 = arith.constant 0 : i32
    %dma_wait3A_806 = tpu.memref_slice %arg8[%dma_wait3A_803, %dma_wait3A_804, %dma_wait3A_805] : memref<32x8x128xf32, #tpu.memory_space<vmem>> -> memref<1x8x128xf32, #tpu.memory_space<vmem>>
    %dma_wait3A_807 = tpu.memref_squeeze %dma_wait3A_806 : memref<1x8x128xf32, #tpu.memory_space<vmem>> -> memref<8x128xf32, #tpu.memory_space<vmem>>
    %dma_wait3A_808 = arith.constant 0 : i32
    %dma_wait3A_809 = tpu.memref_slice %arg2[%add3A_14, %dma_wait3A_808, %multiple_of3A_40] : memref<32x32x100000xf32, #tpu.memory_space<hbm>> -> memref<1x8x128xf32, #tpu.memory_space<hbm>>
    %dma_wait3A_810 = tpu.memref_squeeze %dma_wait3A_809 : memref<1x8x128xf32, #tpu.memory_space<hbm>> -> memref<8x128xf32, #tpu.memory_space<hbm>>
    %dma_wait3A_811 = arith.constant 0 : i32
    %dma_wait3A_812 = arith.constant 0 : i32
    %dma_wait3A_813 = tpu.memref_slice %arg8[%dma_wait3A_803, %dma_wait3A_811, %dma_wait3A_812] : memref<32x8x128xf32, #tpu.memory_space<vmem>> -> memref<1x8x128xf32, #tpu.memory_space<vmem>>
    %dma_wait3A_814 = tpu.memref_squeeze %dma_wait3A_813 : memref<1x8x128xf32, #tpu.memory_space<vmem>> -> memref<8x128xf32, #tpu.memory_space<vmem>>
    %dma_wait3A_815 = arith.constant 0 : i32
    %dma_wait3A_816 = tpu.memref_slice %arg2[%add3A_14, %dma_wait3A_815, %multiple_of3A_40] : memref<32x32x100000xf32, #tpu.memory_space<hbm>> -> memref<1x8x128xf32, #tpu.memory_space<hbm>>
    %dma_wait3A_817 = tpu.memref_squeeze %dma_wait3A_816 : memref<1x8x128xf32, #tpu.memory_space<hbm>> -> memref<8x128xf32, #tpu.memory_space<hbm>>
    tpu.wait_dma2 semaphore(%arg10 : memref<!tpu.dma_semaphore, #tpu.memory_space<semaphore_mem>>) src(%dma_wait3A_817 : memref<8x128xf32, #tpu.memory_space<hbm>>) dst(%dma_wait3A_814 : memref<8x128xf32, #tpu.memory_space<vmem>>)
    %dma_wait3A_818 = arith.constant 2 : i32
    %dma_wait3A_819 = arith.constant 0 : i32
    %dma_wait3A_820 = arith.constant 0 : i32
    %dma_wait3A_821 = tpu.memref_slice %arg8[%dma_wait3A_818, %dma_wait3A_819, %dma_wait3A_820] : memref<32x8x128xf32, #tpu.memory_space<vmem>> -> memref<1x8x128xf32, #tpu.memory_space<vmem>>
    %dma_wait3A_822 = tpu.memref_squeeze %dma_wait3A_821 : memref<1x8x128xf32, #tpu.memory_space<vmem>> -> memref<8x128xf32, #tpu.memory_space<vmem>>
    %dma_wait3A_823 = arith.constant 0 : i32
    %dma_wait3A_824 = tpu.memref_slice %arg2[%add3A_14, %dma_wait3A_823, %multiple_of3A_64] : memref<32x32x100000xf32, #tpu.memory_space<hbm>> -> memref<1x8x128xf32, #tpu.memory_space<hbm>>
    %dma_wait3A_825 = tpu.memref_squeeze %dma_wait3A_824 : memref<1x8x128xf32, #tpu.memory_space<hbm>> -> memref<8x128xf32, #tpu.memory_space<hbm>>
    %dma_wait3A_826 = arith.constant 0 : i32
    %dma_wait3A_827 = arith.constant 0 : i32
    %dma_wait3A_828 = tpu.memref_slice %arg8[%dma_wait3A_818, %dma_wait3A_826, %dma_wait3A_827] : memref<32x8x128xf32, #tpu.memory_space<vmem>> -> memref<1x8x128xf32, #tpu.memory_space<vmem>>
    %dma_wait3A_829 = tpu.memref_squeeze %dma_wait3A_828 : memref<1x8x128xf32, #tpu.memory_space<vmem>> -> memref<8x128xf32, #tpu.memory_space<vmem>>
    %dma_wait3A_830 = arith.constant 0 : i32
    %dma_wait3A_831 = tpu.memref_slice %arg2[%add3A_14, %dma_wait3A_830, %multiple_of3A_64] : memref<32x32x100000xf32, #tpu.memory_space<hbm>> -> memref<1x8x128xf32, #tpu.memory_space<hbm>>
    %dma_wait3A_832 = tpu.memref_squeeze %dma_wait3A_831 : memref<1x8x128xf32, #tpu.memory_space<hbm>> -> memref<8x128xf32, #tpu.memory_space<hbm>>
    tpu.wait_dma2 semaphore(%arg10 : memref<!tpu.dma_semaphore, #tpu.memory_space<semaphore_mem>>) src(%dma_wait3A_832 : memref<8x128xf32, #tpu.memory_space<hbm>>) dst(%dma_wait3A_829 : memref<8x128xf32, #tpu.memory_space<vmem>>)
    %dma_wait3A_833 = arith.constant 3 : i32
    %dma_wait3A_834 = arith.constant 0 : i32
    %dma_wait3A_835 = arith.constant 0 : i32
    %dma_wait3A_836 = tpu.memref_slice %arg8[%dma_wait3A_833, %dma_wait3A_834, %dma_wait3A_835] : memref<32x8x128xf32, #tpu.memory_space<vmem>> -> memref<1x8x128xf32, #tpu.memory_space<vmem>>
    %dma_wait3A_837 = tpu.memref_squeeze %dma_wait3A_836 : memref<1x8x128xf32, #tpu.memory_space<vmem>> -> memref<8x128xf32, #tpu.memory_space<vmem>>
    %dma_wait3A_838 = arith.constant 0 : i32
    %dma_wait3A_839 = tpu.memref_slice %arg2[%add3A_14, %dma_wait3A_838, %multiple_of3A_88] : memref<32x32x100000xf32, #tpu.memory_space<hbm>> -> memref<1x8x128xf32, #tpu.memory_space<hbm>>
    %dma_wait3A_840 = tpu.memref_squeeze %dma_wait3A_839 : memref<1x8x128xf32, #tpu.memory_space<hbm>> -> memref<8x128xf32, #tpu.memory_space<hbm>>
    %dma_wait3A_841 = arith.constant 0 : i32
    %dma_wait3A_842 = arith.constant 0 : i32
    %dma_wait3A_843 = tpu.memref_slice %arg8[%dma_wait3A_833, %dma_wait3A_841, %dma_wait3A_842] : memref<32x8x128xf32, #tpu.memory_space<vmem>> -> memref<1x8x128xf32, #tpu.memory_space<vmem>>
    %dma_wait3A_844 = tpu.memref_squeeze %dma_wait3A_843 : memref<1x8x128xf32, #tpu.memory_space<vmem>> -> memref<8x128xf32, #tpu.memory_space<vmem>>
    %dma_wait3A_845 = arith.constant 0 : i32
    %dma_wait3A_846 = tpu.memref_slice %arg2[%add3A_14, %dma_wait3A_845, %multiple_of3A_88] : memref<32x32x100000xf32, #tpu.memory_space<hbm>> -> memref<1x8x128xf32, #tpu.memory_space<hbm>>
    %dma_wait3A_847 = tpu.memref_squeeze %dma_wait3A_846 : memref<1x8x128xf32, #tpu.memory_space<hbm>> -> memref<8x128xf32, #tpu.memory_space<hbm>>
    tpu.wait_dma2 semaphore(%arg10 : memref<!tpu.dma_semaphore, #tpu.memory_space<semaphore_mem>>) src(%dma_wait3A_847 : memref<8x128xf32, #tpu.memory_space<hbm>>) dst(%dma_wait3A_844 : memref<8x128xf32, #tpu.memory_space<vmem>>)
    %dma_wait3A_848 = arith.constant 4 : i32
    %dma_wait3A_849 = arith.constant 0 : i32
    %dma_wait3A_850 = arith.constant 0 : i32
    %dma_wait3A_851 = tpu.memref_slice %arg8[%dma_wait3A_848, %dma_wait3A_849, %dma_wait3A_850] : memref<32x8x128xf32, #tpu.memory_space<vmem>> -> memref<1x8x128xf32, #tpu.memory_space<vmem>>
    %dma_wait3A_852 = tpu.memref_squeeze %dma_wait3A_851 : memref<1x8x128xf32, #tpu.memory_space<vmem>> -> memref<8x128xf32, #tpu.memory_space<vmem>>
    %dma_wait3A_853 = arith.constant 0 : i32
    %dma_wait3A_854 = tpu.memref_slice %arg2[%add3A_14, %dma_wait3A_853, %multiple_of3A_112] : memref<32x32x100000xf32, #tpu.memory_space<hbm>> -> memref<1x8x128xf32, #tpu.memory_space<hbm>>
    %dma_wait3A_855 = tpu.memref_squeeze %dma_wait3A_854 : memref<1x8x128xf32, #tpu.memory_space<hbm>> -> memref<8x128xf32, #tpu.memory_space<hbm>>
    %dma_wait3A_856 = arith.constant 0 : i32
    %dma_wait3A_857 = arith.constant 0 : i32
    %dma_wait3A_858 = tpu.memref_slice %arg8[%dma_wait3A_848, %dma_wait3A_856, %dma_wait3A_857] : memref<32x8x128xf32, #tpu.memory_space<vmem>> -> memref<1x8x128xf32, #tpu.memory_space<vmem>>
    %dma_wait3A_859 = tpu.memref_squeeze %dma_wait3A_858 : memref<1x8x128xf32, #tpu.memory_space<vmem>> -> memref<8x128xf32, #tpu.memory_space<vmem>>
    %dma_wait3A_860 = arith.constant 0 : i32
    %dma_wait3A_861 = tpu.memref_slice %arg2[%add3A_14, %dma_wait3A_860, %multiple_of3A_112] : memref<32x32x100000xf32, #tpu.memory_space<hbm>> -> memref<1x8x128xf32, #tpu.memory_space<hbm>>
    %dma_wait3A_862 = tpu.memref_squeeze %dma_wait3A_861 : memref<1x8x128xf32, #tpu.memory_space<hbm>> -> memref<8x128xf32, #tpu.memory_space<hbm>>
    tpu.wait_dma2 semaphore(%arg10 : memref<!tpu.dma_semaphore, #tpu.memory_space<semaphore_mem>>) src(%dma_wait3A_862 : memref<8x128xf32, #tpu.memory_space<hbm>>) dst(%dma_wait3A_859 : memref<8x128xf32, #tpu.memory_space<vmem>>)
    %dma_wait3A_863 = arith.constant 5 : i32
    %dma_wait3A_864 = arith.constant 0 : i32
    %dma_wait3A_865 = arith.constant 0 : i32
    %dma_wait3A_866 = tpu.memref_slice %arg8[%dma_wait3A_863, %dma_wait3A_864, %dma_wait3A_865] : memref<32x8x128xf32, #tpu.memory_space<vmem>> -> memref<1x8x128xf32, #tpu.memory_space<vmem>>
    %dma_wait3A_867 = tpu.memref_squeeze %dma_wait3A_866 : memref<1x8x128xf32, #tpu.memory_space<vmem>> -> memref<8x128xf32, #tpu.memory_space<vmem>>
    %dma_wait3A_868 = arith.constant 0 : i32
    %dma_wait3A_869 = tpu.memref_slice %arg2[%add3A_14, %dma_wait3A_868, %multiple_of3A_136] : memref<32x32x100000xf32, #tpu.memory_space<hbm>> -> memref<1x8x128xf32, #tpu.memory_space<hbm>>
    %dma_wait3A_870 = tpu.memref_squeeze %dma_wait3A_869 : memref<1x8x128xf32, #tpu.memory_space<hbm>> -> memref<8x128xf32, #tpu.memory_space<hbm>>
    %dma_wait3A_871 = arith.constant 0 : i32
    %dma_wait3A_872 = arith.constant 0 : i32
    %dma_wait3A_873 = tpu.memref_slice %arg8[%dma_wait3A_863, %dma_wait3A_871, %dma_wait3A_872] : memref<32x8x128xf32, #tpu.memory_space<vmem>> -> memref<1x8x128xf32, #tpu.memory_space<vmem>>
    %dma_wait3A_874 = tpu.memref_squeeze %dma_wait3A_873 : memref<1x8x128xf32, #tpu.memory_space<vmem>> -> memref<8x128xf32, #tpu.memory_space<vmem>>
    %dma_wait3A_875 = arith.constant 0 : i32
    %dma_wait3A_876 = tpu.memref_slice %arg2[%add3A_14, %dma_wait3A_875, %multiple_of3A_136] : memref<32x32x100000xf32, #tpu.memory_space<hbm>> -> memref<1x8x128xf32, #tpu.memory_space<hbm>>
    %dma_wait3A_877 = tpu.memref_squeeze %dma_wait3A_876 : memref<1x8x128xf32, #tpu.memory_space<hbm>> -> memref<8x128xf32, #tpu.memory_space<hbm>>
    tpu.wait_dma2 semaphore(%arg10 : memref<!tpu.dma_semaphore, #tpu.memory_space<semaphore_mem>>) src(%dma_wait3A_877 : memref<8x128xf32, #tpu.memory_space<hbm>>) dst(%dma_wait3A_874 : memref<8x128xf32, #tpu.memory_space<vmem>>)
    %dma_wait3A_878 = arith.constant 6 : i32
    %dma_wait3A_879 = arith.constant 0 : i32
    %dma_wait3A_880 = arith.constant 0 : i32
    %dma_wait3A_881 = tpu.memref_slice %arg8[%dma_wait3A_878, %dma_wait3A_879, %dma_wait3A_880] : memref<32x8x128xf32, #tpu.memory_space<vmem>> -> memref<1x8x128xf32, #tpu.memory_space<vmem>>
    %dma_wait3A_882 = tpu.memref_squeeze %dma_wait3A_881 : memref<1x8x128xf32, #tpu.memory_space<vmem>> -> memref<8x128xf32, #tpu.memory_space<vmem>>
    %dma_wait3A_883 = arith.constant 0 : i32
    %dma_wait3A_884 = tpu.memref_slice %arg2[%add3A_14, %dma_wait3A_883, %multiple_of3A_160] : memref<32x32x100000xf32, #tpu.memory_space<hbm>> -> memref<1x8x128xf32, #tpu.memory_space<hbm>>
    %dma_wait3A_885 = tpu.memref_squeeze %dma_wait3A_884 : memref<1x8x128xf32, #tpu.memory_space<hbm>> -> memref<8x128xf32, #tpu.memory_space<hbm>>
    %dma_wait3A_886 = arith.constant 0 : i32
    %dma_wait3A_887 = arith.constant 0 : i32
    %dma_wait3A_888 = tpu.memref_slice %arg8[%dma_wait3A_878, %dma_wait3A_886, %dma_wait3A_887] : memref<32x8x128xf32, #tpu.memory_space<vmem>> -> memref<1x8x128xf32, #tpu.memory_space<vmem>>
    %dma_wait3A_889 = tpu.memref_squeeze %dma_wait3A_888 : memref<1x8x128xf32, #tpu.memory_space<vmem>> -> memref<8x128xf32, #tpu.memory_space<vmem>>
    %dma_wait3A_890 = arith.constant 0 : i32
    %dma_wait3A_891 = tpu.memref_slice %arg2[%add3A_14, %dma_wait3A_890, %multiple_of3A_160] : memref<32x32x100000xf32, #tpu.memory_space<hbm>> -> memref<1x8x128xf32, #tpu.memory_space<hbm>>
    %dma_wait3A_892 = tpu.memref_squeeze %dma_wait3A_891 : memref<1x8x128xf32, #tpu.memory_space<hbm>> -> memref<8x128xf32, #tpu.memory_space<hbm>>
    tpu.wait_dma2 semaphore(%arg10 : memref<!tpu.dma_semaphore, #tpu.memory_space<semaphore_mem>>) src(%dma_wait3A_892 : memref<8x128xf32, #tpu.memory_space<hbm>>) dst(%dma_wait3A_889 : memref<8x128xf32, #tpu.memory_space<vmem>>)
    %dma_wait3A_893 = arith.constant 7 : i32
    %dma_wait3A_894 = arith.constant 0 : i32
    %dma_wait3A_895 = arith.constant 0 : i32
    %dma_wait3A_896 = tpu.memref_slice %arg8[%dma_wait3A_893, %dma_wait3A_894, %dma_wait3A_895] : memref<32x8x128xf32, #tpu.memory_space<vmem>> -> memref<1x8x128xf32, #tpu.memory_space<vmem>>
    %dma_wait3A_897 = tpu.memref_squeeze %dma_wait3A_896 : memref<1x8x128xf32, #tpu.memory_space<vmem>> -> memref<8x128xf32, #tpu.memory_space<vmem>>
    %dma_wait3A_898 = arith.constant 0 : i32
    %dma_wait3A_899 = tpu.memref_slice %arg2[%add3A_14, %dma_wait3A_898, %multiple_of3A_184] : memref<32x32x100000xf32, #tpu.memory_space<hbm>> -> memref<1x8x128xf32, #tpu.memory_space<hbm>>
    %dma_wait3A_900 = tpu.memref_squeeze %dma_wait3A_899 : memref<1x8x128xf32, #tpu.memory_space<hbm>> -> memref<8x128xf32, #tpu.memory_space<hbm>>
    %dma_wait3A_901 = arith.constant 0 : i32
    %dma_wait3A_902 = arith.constant 0 : i32
    %dma_wait3A_903 = tpu.memref_slice %arg8[%dma_wait3A_893, %dma_wait3A_901, %dma_wait3A_902] : memref<32x8x128xf32, #tpu.memory_space<vmem>> -> memref<1x8x128xf32, #tpu.memory_space<vmem>>
    %dma_wait3A_904 = tpu.memref_squeeze %dma_wait3A_903 : memref<1x8x128xf32, #tpu.memory_space<vmem>> -> memref<8x128xf32, #tpu.memory_space<vmem>>
    %dma_wait3A_905 = arith.constant 0 : i32
    %dma_wait3A_906 = tpu.memref_slice %arg2[%add3A_14, %dma_wait3A_905, %multiple_of3A_184] : memref<32x32x100000xf32, #tpu.memory_space<hbm>> -> memref<1x8x128xf32, #tpu.memory_space<hbm>>
    %dma_wait3A_907 = tpu.memref_squeeze %dma_wait3A_906 : memref<1x8x128xf32, #tpu.memory_space<hbm>> -> memref<8x128xf32, #tpu.memory_space<hbm>>
    tpu.wait_dma2 semaphore(%arg10 : memref<!tpu.dma_semaphore, #tpu.memory_space<semaphore_mem>>) src(%dma_wait3A_907 : memref<8x128xf32, #tpu.memory_space<hbm>>) dst(%dma_wait3A_904 : memref<8x128xf32, #tpu.memory_space<vmem>>)
    %dma_wait3A_908 = arith.constant 8 : i32
    %dma_wait3A_909 = arith.constant 0 : i32
    %dma_wait3A_910 = arith.constant 0 : i32
    %dma_wait3A_911 = tpu.memref_slice %arg8[%dma_wait3A_908, %dma_wait3A_909, %dma_wait3A_910] : memref<32x8x128xf32, #tpu.memory_space<vmem>> -> memref<1x8x128xf32, #tpu.memory_space<vmem>>
    %dma_wait3A_912 = tpu.memref_squeeze %dma_wait3A_911 : memref<1x8x128xf32, #tpu.memory_space<vmem>> -> memref<8x128xf32, #tpu.memory_space<vmem>>
    %dma_wait3A_913 = arith.constant 8 : i32
    %dma_wait3A_914 = tpu.memref_slice %arg2[%add3A_14, %dma_wait3A_913, %multiple_of3A_208] : memref<32x32x100000xf32, #tpu.memory_space<hbm>> -> memref<1x8x128xf32, #tpu.memory_space<hbm>>
    %dma_wait3A_915 = tpu.memref_squeeze %dma_wait3A_914 : memref<1x8x128xf32, #tpu.memory_space<hbm>> -> memref<8x128xf32, #tpu.memory_space<hbm>>
    %dma_wait3A_916 = arith.constant 0 : i32
    %dma_wait3A_917 = arith.constant 0 : i32
    %dma_wait3A_918 = tpu.memref_slice %arg8[%dma_wait3A_908, %dma_wait3A_916, %dma_wait3A_917] : memref<32x8x128xf32, #tpu.memory_space<vmem>> -> memref<1x8x128xf32, #tpu.memory_space<vmem>>
    %dma_wait3A_919 = tpu.memref_squeeze %dma_wait3A_918 : memref<1x8x128xf32, #tpu.memory_space<vmem>> -> memref<8x128xf32, #tpu.memory_space<vmem>>
    %dma_wait3A_920 = arith.constant 8 : i32
    %dma_wait3A_921 = tpu.memref_slice %arg2[%add3A_14, %dma_wait3A_920, %multiple_of3A_208] : memref<32x32x100000xf32, #tpu.memory_space<hbm>> -> memref<1x8x128xf32, #tpu.memory_space<hbm>>
    %dma_wait3A_922 = tpu.memref_squeeze %dma_wait3A_921 : memref<1x8x128xf32, #tpu.memory_space<hbm>> -> memref<8x128xf32, #tpu.memory_space<hbm>>
    tpu.wait_dma2 semaphore(%arg10 : memref<!tpu.dma_semaphore, #tpu.memory_space<semaphore_mem>>) src(%dma_wait3A_922 : memref<8x128xf32, #tpu.memory_space<hbm>>) dst(%dma_wait3A_919 : memref<8x128xf32, #tpu.memory_space<vmem>>)
    %dma_wait3A_923 = arith.constant 9 : i32
    %dma_wait3A_924 = arith.constant 0 : i32
    %dma_wait3A_925 = arith.constant 0 : i32
    %dma_wait3A_926 = tpu.memref_slice %arg8[%dma_wait3A_923, %dma_wait3A_924, %dma_wait3A_925] : memref<32x8x128xf32, #tpu.memory_space<vmem>> -> memref<1x8x128xf32, #tpu.memory_space<vmem>>
    %dma_wait3A_927 = tpu.memref_squeeze %dma_wait3A_926 : memref<1x8x128xf32, #tpu.memory_space<vmem>> -> memref<8x128xf32, #tpu.memory_space<vmem>>
    %dma_wait3A_928 = arith.constant 8 : i32
    %dma_wait3A_929 = tpu.memref_slice %arg2[%add3A_14, %dma_wait3A_928, %multiple_of3A_232] : memref<32x32x100000xf32, #tpu.memory_space<hbm>> -> memref<1x8x128xf32, #tpu.memory_space<hbm>>
    %dma_wait3A_930 = tpu.memref_squeeze %dma_wait3A_929 : memref<1x8x128xf32, #tpu.memory_space<hbm>> -> memref<8x128xf32, #tpu.memory_space<hbm>>
    %dma_wait3A_931 = arith.constant 0 : i32
    %dma_wait3A_932 = arith.constant 0 : i32
    %dma_wait3A_933 = tpu.memref_slice %arg8[%dma_wait3A_923, %dma_wait3A_931, %dma_wait3A_932] : memref<32x8x128xf32, #tpu.memory_space<vmem>> -> memref<1x8x128xf32, #tpu.memory_space<vmem>>
    %dma_wait3A_934 = tpu.memref_squeeze %dma_wait3A_933 : memref<1x8x128xf32, #tpu.memory_space<vmem>> -> memref<8x128xf32, #tpu.memory_space<vmem>>
    %dma_wait3A_935 = arith.constant 8 : i32
    %dma_wait3A_936 = tpu.memref_slice %arg2[%add3A_14, %dma_wait3A_935, %multiple_of3A_232] : memref<32x32x100000xf32, #tpu.memory_space<hbm>> -> memref<1x8x128xf32, #tpu.memory_space<hbm>>
    %dma_wait3A_937 = tpu.memref_squeeze %dma_wait3A_936 : memref<1x8x128xf32, #tpu.memory_space<hbm>> -> memref<8x128xf32, #tpu.memory_space<hbm>>
    tpu.wait_dma2 semaphore(%arg10 : memref<!tpu.dma_semaphore, #tpu.memory_space<semaphore_mem>>) src(%dma_wait3A_937 : memref<8x128xf32, #tpu.memory_space<hbm>>) dst(%dma_wait3A_934 : memref<8x128xf32, #tpu.memory_space<vmem>>)
    %dma_wait3A_938 = arith.constant 10 : i32
    %dma_wait3A_939 = arith.constant 0 : i32
    %dma_wait3A_940 = arith.constant 0 : i32
    %dma_wait3A_941 = tpu.memref_slice %arg8[%dma_wait3A_938, %dma_wait3A_939, %dma_wait3A_940] : memref<32x8x128xf32, #tpu.memory_space<vmem>> -> memref<1x8x128xf32, #tpu.memory_space<vmem>>
    %dma_wait3A_942 = tpu.memref_squeeze %dma_wait3A_941 : memref<1x8x128xf32, #tpu.memory_space<vmem>> -> memref<8x128xf32, #tpu.memory_space<vmem>>
    %dma_wait3A_943 = arith.constant 8 : i32
    %dma_wait3A_944 = tpu.memref_slice %arg2[%add3A_14, %dma_wait3A_943, %multiple_of3A_256] : memref<32x32x100000xf32, #tpu.memory_space<hbm>> -> memref<1x8x128xf32, #tpu.memory_space<hbm>>
    %dma_wait3A_945 = tpu.memref_squeeze %dma_wait3A_944 : memref<1x8x128xf32, #tpu.memory_space<hbm>> -> memref<8x128xf32, #tpu.memory_space<hbm>>
    %dma_wait3A_946 = arith.constant 0 : i32
    %dma_wait3A_947 = arith.constant 0 : i32
    %dma_wait3A_948 = tpu.memref_slice %arg8[%dma_wait3A_938, %dma_wait3A_946, %dma_wait3A_947] : memref<32x8x128xf32, #tpu.memory_space<vmem>> -> memref<1x8x128xf32, #tpu.memory_space<vmem>>
    %dma_wait3A_949 = tpu.memref_squeeze %dma_wait3A_948 : memref<1x8x128xf32, #tpu.memory_space<vmem>> -> memref<8x128xf32, #tpu.memory_space<vmem>>
    %dma_wait3A_950 = arith.constant 8 : i32
    %dma_wait3A_951 = tpu.memref_slice %arg2[%add3A_14, %dma_wait3A_950, %multiple_of3A_256] : memref<32x32x100000xf32, #tpu.memory_space<hbm>> -> memref<1x8x128xf32, #tpu.memory_space<hbm>>
    %dma_wait3A_952 = tpu.memref_squeeze %dma_wait3A_951 : memref<1x8x128xf32, #tpu.memory_space<hbm>> -> memref<8x128xf32, #tpu.memory_space<hbm>>
    tpu.wait_dma2 semaphore(%arg10 : memref<!tpu.dma_semaphore, #tpu.memory_space<semaphore_mem>>) src(%dma_wait3A_952 : memref<8x128xf32, #tpu.memory_space<hbm>>) dst(%dma_wait3A_949 : memref<8x128xf32, #tpu.memory_space<vmem>>)
    %dma_wait3A_953 = arith.constant 11 : i32
    %dma_wait3A_954 = arith.constant 0 : i32
    %dma_wait3A_955 = arith.constant 0 : i32
    %dma_wait3A_956 = tpu.memref_slice %arg8[%dma_wait3A_953, %dma_wait3A_954, %dma_wait3A_955] : memref<32x8x128xf32, #tpu.memory_space<vmem>> -> memref<1x8x128xf32, #tpu.memory_space<vmem>>
    %dma_wait3A_957 = tpu.memref_squeeze %dma_wait3A_956 : memref<1x8x128xf32, #tpu.memory_space<vmem>> -> memref<8x128xf32, #tpu.memory_space<vmem>>
    %dma_wait3A_958 = arith.constant 8 : i32
    %dma_wait3A_959 = tpu.memref_slice %arg2[%add3A_14, %dma_wait3A_958, %multiple_of3A_280] : memref<32x32x100000xf32, #tpu.memory_space<hbm>> -> memref<1x8x128xf32, #tpu.memory_space<hbm>>
    %dma_wait3A_960 = tpu.memref_squeeze %dma_wait3A_959 : memref<1x8x128xf32, #tpu.memory_space<hbm>> -> memref<8x128xf32, #tpu.memory_space<hbm>>
    %dma_wait3A_961 = arith.constant 0 : i32
    %dma_wait3A_962 = arith.constant 0 : i32
    %dma_wait3A_963 = tpu.memref_slice %arg8[%dma_wait3A_953, %dma_wait3A_961, %dma_wait3A_962] : memref<32x8x128xf32, #tpu.memory_space<vmem>> -> memref<1x8x128xf32, #tpu.memory_space<vmem>>
    %dma_wait3A_964 = tpu.memref_squeeze %dma_wait3A_963 : memref<1x8x128xf32, #tpu.memory_space<vmem>> -> memref<8x128xf32, #tpu.memory_space<vmem>>
    %dma_wait3A_965 = arith.constant 8 : i32
    %dma_wait3A_966 = tpu.memref_slice %arg2[%add3A_14, %dma_wait3A_965, %multiple_of3A_280] : memref<32x32x100000xf32, #tpu.memory_space<hbm>> -> memref<1x8x128xf32, #tpu.memory_space<hbm>>
    %dma_wait3A_967 = tpu.memref_squeeze %dma_wait3A_966 : memref<1x8x128xf32, #tpu.memory_space<hbm>> -> memref<8x128xf32, #tpu.memory_space<hbm>>
    tpu.wait_dma2 semaphore(%arg10 : memref<!tpu.dma_semaphore, #tpu.memory_space<semaphore_mem>>) src(%dma_wait3A_967 : memref<8x128xf32, #tpu.memory_space<hbm>>) dst(%dma_wait3A_964 : memref<8x128xf32, #tpu.memory_space<vmem>>)
    %dma_wait3A_968 = arith.constant 12 : i32
    %dma_wait3A_969 = arith.constant 0 : i32
    %dma_wait3A_970 = arith.constant 0 : i32
    %dma_wait3A_971 = tpu.memref_slice %arg8[%dma_wait3A_968, %dma_wait3A_969, %dma_wait3A_970] : memref<32x8x128xf32, #tpu.memory_space<vmem>> -> memref<1x8x128xf32, #tpu.memory_space<vmem>>
    %dma_wait3A_972 = tpu.memref_squeeze %dma_wait3A_971 : memref<1x8x128xf32, #tpu.memory_space<vmem>> -> memref<8x128xf32, #tpu.memory_space<vmem>>
    %dma_wait3A_973 = arith.constant 8 : i32
    %dma_wait3A_974 = tpu.memref_slice %arg2[%add3A_14, %dma_wait3A_973, %multiple_of3A_304] : memref<32x32x100000xf32, #tpu.memory_space<hbm>> -> memref<1x8x128xf32, #tpu.memory_space<hbm>>
    %dma_wait3A_975 = tpu.memref_squeeze %dma_wait3A_974 : memref<1x8x128xf32, #tpu.memory_space<hbm>> -> memref<8x128xf32, #tpu.memory_space<hbm>>
    %dma_wait3A_976 = arith.constant 0 : i32
    %dma_wait3A_977 = arith.constant 0 : i32
    %dma_wait3A_978 = tpu.memref_slice %arg8[%dma_wait3A_968, %dma_wait3A_976, %dma_wait3A_977] : memref<32x8x128xf32, #tpu.memory_space<vmem>> -> memref<1x8x128xf32, #tpu.memory_space<vmem>>
    %dma_wait3A_979 = tpu.memref_squeeze %dma_wait3A_978 : memref<1x8x128xf32, #tpu.memory_space<vmem>> -> memref<8x128xf32, #tpu.memory_space<vmem>>
    %dma_wait3A_980 = arith.constant 8 : i32
    %dma_wait3A_981 = tpu.memref_slice %arg2[%add3A_14, %dma_wait3A_980, %multiple_of3A_304] : memref<32x32x100000xf32, #tpu.memory_space<hbm>> -> memref<1x8x128xf32, #tpu.memory_space<hbm>>
    %dma_wait3A_982 = tpu.memref_squeeze %dma_wait3A_981 : memref<1x8x128xf32, #tpu.memory_space<hbm>> -> memref<8x128xf32, #tpu.memory_space<hbm>>
    tpu.wait_dma2 semaphore(%arg10 : memref<!tpu.dma_semaphore, #tpu.memory_space<semaphore_mem>>) src(%dma_wait3A_982 : memref<8x128xf32, #tpu.memory_space<hbm>>) dst(%dma_wait3A_979 : memref<8x128xf32, #tpu.memory_space<vmem>>)
    %dma_wait3A_983 = arith.constant 13 : i32
    %dma_wait3A_984 = arith.constant 0 : i32
    %dma_wait3A_985 = arith.constant 0 : i32
    %dma_wait3A_986 = tpu.memref_slice %arg8[%dma_wait3A_983, %dma_wait3A_984, %dma_wait3A_985] : memref<32x8x128xf32, #tpu.memory_space<vmem>> -> memref<1x8x128xf32, #tpu.memory_space<vmem>>
    %dma_wait3A_987 = tpu.memref_squeeze %dma_wait3A_986 : memref<1x8x128xf32, #tpu.memory_space<vmem>> -> memref<8x128xf32, #tpu.memory_space<vmem>>
    %dma_wait3A_988 = arith.constant 8 : i32
    %dma_wait3A_989 = tpu.memref_slice %arg2[%add3A_14, %dma_wait3A_988, %multiple_of3A_328] : memref<32x32x100000xf32, #tpu.memory_space<hbm>> -> memref<1x8x128xf32, #tpu.memory_space<hbm>>
    %dma_wait3A_990 = tpu.memref_squeeze %dma_wait3A_989 : memref<1x8x128xf32, #tpu.memory_space<hbm>> -> memref<8x128xf32, #tpu.memory_space<hbm>>
    %dma_wait3A_991 = arith.constant 0 : i32
    %dma_wait3A_992 = arith.constant 0 : i32
    %dma_wait3A_993 = tpu.memref_slice %arg8[%dma_wait3A_983, %dma_wait3A_991, %dma_wait3A_992] : memref<32x8x128xf32, #tpu.memory_space<vmem>> -> memref<1x8x128xf32, #tpu.memory_space<vmem>>
    %dma_wait3A_994 = tpu.memref_squeeze %dma_wait3A_993 : memref<1x8x128xf32, #tpu.memory_space<vmem>> -> memref<8x128xf32, #tpu.memory_space<vmem>>
    %dma_wait3A_995 = arith.constant 8 : i32
    %dma_wait3A_996 = tpu.memref_slice %arg2[%add3A_14, %dma_wait3A_995, %multiple_of3A_328] : memref<32x32x100000xf32, #tpu.memory_space<hbm>> -> memref<1x8x128xf32, #tpu.memory_space<hbm>>
    %dma_wait3A_997 = tpu.memref_squeeze %dma_wait3A_996 : memref<1x8x128xf32, #tpu.memory_space<hbm>> -> memref<8x128xf32, #tpu.memory_space<hbm>>
    tpu.wait_dma2 semaphore(%arg10 : memref<!tpu.dma_semaphore, #tpu.memory_space<semaphore_mem>>) src(%dma_wait3A_997 : memref<8x128xf32, #tpu.memory_space<hbm>>) dst(%dma_wait3A_994 : memref<8x128xf32, #tpu.memory_space<vmem>>)
    %dma_wait3A_998 = arith.constant 14 : i32
    %dma_wait3A_999 = arith.constant 0 : i32
    %dma_wait3A_1000 = arith.constant 0 : i32
    %dma_wait3A_1001 = tpu.memref_slice %arg8[%dma_wait3A_998, %dma_wait3A_999, %dma_wait3A_1000] : memref<32x8x128xf32, #tpu.memory_space<vmem>> -> memref<1x8x128xf32, #tpu.memory_space<vmem>>
    %dma_wait3A_1002 = tpu.memref_squeeze %dma_wait3A_1001 : memref<1x8x128xf32, #tpu.memory_space<vmem>> -> memref<8x128xf32, #tpu.memory_space<vmem>>
    %dma_wait3A_1003 = arith.constant 8 : i32
    %dma_wait3A_1004 = tpu.memref_slice %arg2[%add3A_14, %dma_wait3A_1003, %multiple_of3A_352] : memref<32x32x100000xf32, #tpu.memory_space<hbm>> -> memref<1x8x128xf32, #tpu.memory_space<hbm>>
    %dma_wait3A_1005 = tpu.memref_squeeze %dma_wait3A_1004 : memref<1x8x128xf32, #tpu.memory_space<hbm>> -> memref<8x128xf32, #tpu.memory_space<hbm>>
    %dma_wait3A_1006 = arith.constant 0 : i32
    %dma_wait3A_1007 = arith.constant 0 : i32
    %dma_wait3A_1008 = tpu.memref_slice %arg8[%dma_wait3A_998, %dma_wait3A_1006, %dma_wait3A_1007] : memref<32x8x128xf32, #tpu.memory_space<vmem>> -> memref<1x8x128xf32, #tpu.memory_space<vmem>>
    %dma_wait3A_1009 = tpu.memref_squeeze %dma_wait3A_1008 : memref<1x8x128xf32, #tpu.memory_space<vmem>> -> memref<8x128xf32, #tpu.memory_space<vmem>>
    %dma_wait3A_1010 = arith.constant 8 : i32
    %dma_wait3A_1011 = tpu.memref_slice %arg2[%add3A_14, %dma_wait3A_1010, %multiple_of3A_352] : memref<32x32x100000xf32, #tpu.memory_space<hbm>> -> memref<1x8x128xf32, #tpu.memory_space<hbm>>
    %dma_wait3A_1012 = tpu.memref_squeeze %dma_wait3A_1011 : memref<1x8x128xf32, #tpu.memory_space<hbm>> -> memref<8x128xf32, #tpu.memory_space<hbm>>
    tpu.wait_dma2 semaphore(%arg10 : memref<!tpu.dma_semaphore, #tpu.memory_space<semaphore_mem>>) src(%dma_wait3A_1012 : memref<8x128xf32, #tpu.memory_space<hbm>>) dst(%dma_wait3A_1009 : memref<8x128xf32, #tpu.memory_space<vmem>>)
    %dma_wait3A_1013 = arith.constant 15 : i32
    %dma_wait3A_1014 = arith.constant 0 : i32
    %dma_wait3A_1015 = arith.constant 0 : i32
    %dma_wait3A_1016 = tpu.memref_slice %arg8[%dma_wait3A_1013, %dma_wait3A_1014, %dma_wait3A_1015] : memref<32x8x128xf32, #tpu.memory_space<vmem>> -> memref<1x8x128xf32, #tpu.memory_space<vmem>>
    %dma_wait3A_1017 = tpu.memref_squeeze %dma_wait3A_1016 : memref<1x8x128xf32, #tpu.memory_space<vmem>> -> memref<8x128xf32, #tpu.memory_space<vmem>>
    %dma_wait3A_1018 = arith.constant 8 : i32
    %dma_wait3A_1019 = tpu.memref_slice %arg2[%add3A_14, %dma_wait3A_1018, %multiple_of3A_376] : memref<32x32x100000xf32, #tpu.memory_space<hbm>> -> memref<1x8x128xf32, #tpu.memory_space<hbm>>
    %dma_wait3A_1020 = tpu.memref_squeeze %dma_wait3A_1019 : memref<1x8x128xf32, #tpu.memory_space<hbm>> -> memref<8x128xf32, #tpu.memory_space<hbm>>
    %dma_wait3A_1021 = arith.constant 0 : i32
    %dma_wait3A_1022 = arith.constant 0 : i32
    %dma_wait3A_1023 = tpu.memref_slice %arg8[%dma_wait3A_1013, %dma_wait3A_1021, %dma_wait3A_1022] : memref<32x8x128xf32, #tpu.memory_space<vmem>> -> memref<1x8x128xf32, #tpu.memory_space<vmem>>
    %dma_wait3A_1024 = tpu.memref_squeeze %dma_wait3A_1023 : memref<1x8x128xf32, #tpu.memory_space<vmem>> -> memref<8x128xf32, #tpu.memory_space<vmem>>
    %dma_wait3A_1025 = arith.constant 8 : i32
    %dma_wait3A_1026 = tpu.memref_slice %arg2[%add3A_14, %dma_wait3A_1025, %multiple_of3A_376] : memref<32x32x100000xf32, #tpu.memory_space<hbm>> -> memref<1x8x128xf32, #tpu.memory_space<hbm>>
    %dma_wait3A_1027 = tpu.memref_squeeze %dma_wait3A_1026 : memref<1x8x128xf32, #tpu.memory_space<hbm>> -> memref<8x128xf32, #tpu.memory_space<hbm>>
    tpu.wait_dma2 semaphore(%arg10 : memref<!tpu.dma_semaphore, #tpu.memory_space<semaphore_mem>>) src(%dma_wait3A_1027 : memref<8x128xf32, #tpu.memory_space<hbm>>) dst(%dma_wait3A_1024 : memref<8x128xf32, #tpu.memory_space<vmem>>)
    %get3A_1028 = arith.constant 0 : index
    %get3A_1029 = tpu.vector_load %arg7[%get3A_1028] {strides = array<i32>} : memref<32xf32, #tpu.memory_space<vmem>>, vector<16xf32>,
    %get3A_1030 = vector.shape_cast %get3A_1029 : vector<16xf32> to vector<16xf32>
    %get3A_1031 = arith.constant 0 : i32
    %get3A_1032 = arith.constant 0 : i32
    %get3A_1033 = arith.index_cast %get3A_1031 : i32 to index
    %get3A_1034 = arith.index_cast %get3A_1032 : i32 to index
    %get3A_1035 = arith.index_cast %and3A_18 : i32 to index
    %get3A_1036 = tpu.vector_load %arg8[%get3A_1033, %get3A_1034, %get3A_1035] {strides = array<i32>} : memref<32x8x128xf32, #tpu.memory_space<vmem>>, vector<1x1x16xf32>,
    %get3A_1037 = vector.shape_cast %get3A_1036 : vector<1x1x16xf32> to vector<16xf32>
    %eq3A = vector.broadcast %and3A_20 : i32 to vector<16xi32>
    %eq3A_1038 = arith.cmpi eq, %iota3A, %eq3A : vector<16xi32>
    %slice3A_1039 = vector.extract_strided_slice %get3A_1030 {offsets = [0], sizes = [1], strides = [1]} : vector<16xf32> to vector<1xf32>
    %squeeze3A_1040 = vector.extract %slice3A_1039[0] : f32 from vector<1xf32>
    %jit3A = arith.constant 0.000000e+00 : f32
    %broadcast_in_dim3A_1041 = vector.broadcast %squeeze3A_1040 : f32 to vector<16xf32>
    %broadcast_in_dim3A_1042 = vector.broadcast %jit3A : f32 to vector<16xf32>
    %select_n3A = arith.select %eq3A_1038, %broadcast_in_dim3A_1041, %broadcast_in_dim3A_1042 : vector<16xi1>, vector<16xf32>
    %mul3A_1043 = arith.mulf %select_n3A, %get3A_1037 : vector<16xf32>
    %add3A_1044 = arith.addf %broadcast_in_dim3A_787, %mul3A_1043 : vector<16xf32>
    %get3A_1045 = arith.constant 1 : i32
    %get3A_1046 = arith.constant 1 : i32
    %get3A_1047 = arith.index_cast %get3A_1045 : i32 to index
    %get3A_1048 = arith.index_cast %get3A_1046 : i32 to index
    %get3A_1049 = arith.index_cast %and3A_42 : i32 to index
    %get3A_1050 = tpu.vector_load %arg8[%get3A_1047, %get3A_1048, %get3A_1049] {strides = array<i32>} : memref<32x8x128xf32, #tpu.memory_space<vmem>>, vector<1x1x16xf32>,
    %get3A_1051 = vector.shape_cast %get3A_1050 : vector<1x1x16xf32> to vector<16xf32>
    %eq3A_1052 = vector.broadcast %and3A_44 : i32 to vector<16xi32>
    %eq3A_1053 = arith.cmpi eq, %iota3A, %eq3A_1052 : vector<16xi32>
    %slice3A_1054 = vector.extract_strided_slice %get3A_1030 {offsets = [1], sizes = [1], strides = [1]} : vector<16xf32> to vector<1xf32>
    %squeeze3A_1055 = vector.extract %slice3A_1054[0] : f32 from vector<1xf32>
    %jit3A_1056 = arith.constant 0.000000e+00 : f32
    %broadcast_in_dim3A_1057 = vector.broadcast %squeeze3A_1055 : f32 to vector<16xf32>
    %broadcast_in_dim3A_1058 = vector.broadcast %jit3A_1056 : f32 to vector<16xf32>
    %select_n3A_1059 = arith.select %eq3A_1053, %broadcast_in_dim3A_1057, %broadcast_in_dim3A_1058 : vector<16xi1>, vector<16xf32>
    %mul3A_1060 = arith.mulf %select_n3A_1059, %get3A_1051 : vector<16xf32>
    %add3A_1061 = arith.addf %add3A_1044, %mul3A_1060 : vector<16xf32>
    %get3A_1062 = arith.constant 2 : i32
    %get3A_1063 = arith.constant 2 : i32
    %get3A_1064 = arith.index_cast %get3A_1062 : i32 to index
    %get3A_1065 = arith.index_cast %get3A_1063 : i32 to index
    %get3A_1066 = arith.index_cast %and3A_66 : i32 to index
    %get3A_1067 = tpu.vector_load %arg8[%get3A_1064, %get3A_1065, %get3A_1066] {strides = array<i32>} : memref<32x8x128xf32, #tpu.memory_space<vmem>>, vector<1x1x16xf32>,
    %get3A_1068 = vector.shape_cast %get3A_1067 : vector<1x1x16xf32> to vector<16xf32>
    %eq3A_1069 = vector.broadcast %and3A_68 : i32 to vector<16xi32>
    %eq3A_1070 = arith.cmpi eq, %iota3A, %eq3A_1069 : vector<16xi32>
    %slice3A_1071 = vector.extract_strided_slice %get3A_1030 {offsets = [2], sizes = [1], strides = [1]} : vector<16xf32> to vector<1xf32>
    %squeeze3A_1072 = vector.extract %slice3A_1071[0] : f32 from vector<1xf32>
    %jit3A_1073 = arith.constant 0.000000e+00 : f32
    %broadcast_in_dim3A_1074 = vector.broadcast %squeeze3A_1072 : f32 to vector<16xf32>
    %broadcast_in_dim3A_1075 = vector.broadcast %jit3A_1073 : f32 to vector<16xf32>
    %select_n3A_1076 = arith.select %eq3A_1070, %broadcast_in_dim3A_1074, %broadcast_in_dim3A_1075 : vector<16xi1>, vector<16xf32>
    %mul3A_1077 = arith.mulf %select_n3A_1076, %get3A_1068 : vector<16xf32>
    %add3A_1078 = arith.addf %add3A_1061, %mul3A_1077 : vector<16xf32>
    %get3A_1079 = arith.constant 3 : i32
    %get3A_1080 = arith.constant 3 : i32
    %get3A_1081 = arith.index_cast %get3A_1079 : i32 to index
    %get3A_1082 = arith.index_cast %get3A_1080 : i32 to index
    %get3A_1083 = arith.index_cast %and3A_90 : i32 to index
    %get3A_1084 = tpu.vector_load %arg8[%get3A_1081, %get3A_1082, %get3A_1083] {strides = array<i32>} : memref<32x8x128xf32, #tpu.memory_space<vmem>>, vector<1x1x16xf32>,
    %get3A_1085 = vector.shape_cast %get3A_1084 : vector<1x1x16xf32> to vector<16xf32>
    %eq3A_1086 = vector.broadcast %and3A_92 : i32 to vector<16xi32>
    %eq3A_1087 = arith.cmpi eq, %iota3A, %eq3A_1086 : vector<16xi32>
    %slice3A_1088 = vector.extract_strided_slice %get3A_1030 {offsets = [3], sizes = [1], strides = [1]} : vector<16xf32> to vector<1xf32>
    %squeeze3A_1089 = vector.extract %slice3A_1088[0] : f32 from vector<1xf32>
    %jit3A_1090 = arith.constant 0.000000e+00 : f32
    %broadcast_in_dim3A_1091 = vector.broadcast %squeeze3A_1089 : f32 to vector<16xf32>
    %broadcast_in_dim3A_1092 = vector.broadcast %jit3A_1090 : f32 to vector<16xf32>
    %select_n3A_1093 = arith.select %eq3A_1087, %broadcast_in_dim3A_1091, %broadcast_in_dim3A_1092 : vector<16xi1>, vector<16xf32>
    %mul3A_1094 = arith.mulf %select_n3A_1093, %get3A_1085 : vector<16xf32>
    %add3A_1095 = arith.addf %add3A_1078, %mul3A_1094 : vector<16xf32>
    %get3A_1096 = arith.constant 4 : i32
    %get3A_1097 = arith.constant 4 : i32
    %get3A_1098 = arith.index_cast %get3A_1096 : i32 to index
    %get3A_1099 = arith.index_cast %get3A_1097 : i32 to index
    %get3A_1100 = arith.index_cast %and3A_114 : i32 to index
    %get3A_1101 = tpu.vector_load %arg8[%get3A_1098, %get3A_1099, %get3A_1100] {strides = array<i32>} : memref<32x8x128xf32, #tpu.memory_space<vmem>>, vector<1x1x16xf32>,
    %get3A_1102 = vector.shape_cast %get3A_1101 : vector<1x1x16xf32> to vector<16xf32>
    %eq3A_1103 = vector.broadcast %and3A_116 : i32 to vector<16xi32>
    %eq3A_1104 = arith.cmpi eq, %iota3A, %eq3A_1103 : vector<16xi32>
    %slice3A_1105 = vector.extract_strided_slice %get3A_1030 {offsets = [4], sizes = [1], strides = [1]} : vector<16xf32> to vector<1xf32>
    %squeeze3A_1106 = vector.extract %slice3A_1105[0] : f32 from vector<1xf32>
    %jit3A_1107 = arith.constant 0.000000e+00 : f32
    %broadcast_in_dim3A_1108 = vector.broadcast %squeeze3A_1106 : f32 to vector<16xf32>
    %broadcast_in_dim3A_1109 = vector.broadcast %jit3A_1107 : f32 to vector<16xf32>
    %select_n3A_1110 = arith.select %eq3A_1104, %broadcast_in_dim3A_1108, %broadcast_in_dim3A_1109 : vector<16xi1>, vector<16xf32>
    %mul3A_1111 = arith.mulf %select_n3A_1110, %get3A_1102 : vector<16xf32>
    %add3A_1112 = arith.addf %add3A_1095, %mul3A_1111 : vector<16xf32>
    %get3A_1113 = arith.constant 5 : i32
    %get3A_1114 = arith.constant 5 : i32
    %get3A_1115 = arith.index_cast %get3A_1113 : i32 to index
    %get3A_1116 = arith.index_cast %get3A_1114 : i32 to index
    %get3A_1117 = arith.index_cast %and3A_138 : i32 to index
    %get3A_1118 = tpu.vector_load %arg8[%get3A_1115, %get3A_1116, %get3A_1117] {strides = array<i32>} : memref<32x8x128xf32, #tpu.memory_space<vmem>>, vector<1x1x16xf32>,
    %get3A_1119 = vector.shape_cast %get3A_1118 : vector<1x1x16xf32> to vector<16xf32>
    %eq3A_1120 = vector.broadcast %and3A_140 : i32 to vector<16xi32>
    %eq3A_1121 = arith.cmpi eq, %iota3A, %eq3A_1120 : vector<16xi32>
    %slice3A_1122 = vector.extract_strided_slice %get3A_1030 {offsets = [5], sizes = [1], strides = [1]} : vector<16xf32> to vector<1xf32>
    %squeeze3A_1123 = vector.extract %slice3A_1122[0] : f32 from vector<1xf32>
    %jit3A_1124 = arith.constant 0.000000e+00 : f32
    %broadcast_in_dim3A_1125 = vector.broadcast %squeeze3A_1123 : f32 to vector<16xf32>
    %broadcast_in_dim3A_1126 = vector.broadcast %jit3A_1124 : f32 to vector<16xf32>
    %select_n3A_1127 = arith.select %eq3A_1121, %broadcast_in_dim3A_1125, %broadcast_in_dim3A_1126 : vector<16xi1>, vector<16xf32>
    %mul3A_1128 = arith.mulf %select_n3A_1127, %get3A_1119 : vector<16xf32>
    %add3A_1129 = arith.addf %add3A_1112, %mul3A_1128 : vector<16xf32>
    %get3A_1130 = arith.constant 6 : i32
    %get3A_1131 = arith.constant 6 : i32
    %get3A_1132 = arith.index_cast %get3A_1130 : i32 to index
    %get3A_1133 = arith.index_cast %get3A_1131 : i32 to index
    %get3A_1134 = arith.index_cast %and3A_162 : i32 to index
    %get3A_1135 = tpu.vector_load %arg8[%get3A_1132, %get3A_1133, %get3A_1134] {strides = array<i32>} : memref<32x8x128xf32, #tpu.memory_space<vmem>>, vector<1x1x16xf32>,
    %get3A_1136 = vector.shape_cast %get3A_1135 : vector<1x1x16xf32> to vector<16xf32>
    %eq3A_1137 = vector.broadcast %and3A_164 : i32 to vector<16xi32>
    %eq3A_1138 = arith.cmpi eq, %iota3A, %eq3A_1137 : vector<16xi32>
    %slice3A_1139 = vector.extract_strided_slice %get3A_1030 {offsets = [6], sizes = [1], strides = [1]} : vector<16xf32> to vector<1xf32>
    %squeeze3A_1140 = vector.extract %slice3A_1139[0] : f32 from vector<1xf32>
    %jit3A_1141 = arith.constant 0.000000e+00 : f32
    %broadcast_in_dim3A_1142 = vector.broadcast %squeeze3A_1140 : f32 to vector<16xf32>
    %broadcast_in_dim3A_1143 = vector.broadcast %jit3A_1141 : f32 to vector<16xf32>
    %select_n3A_1144 = arith.select %eq3A_1138, %broadcast_in_dim3A_1142, %broadcast_in_dim3A_1143 : vector<16xi1>, vector<16xf32>
    %mul3A_1145 = arith.mulf %select_n3A_1144, %get3A_1136 : vector<16xf32>
    %add3A_1146 = arith.addf %add3A_1129, %mul3A_1145 : vector<16xf32>
    %get3A_1147 = arith.constant 7 : i32
    %get3A_1148 = arith.constant 7 : i32
    %get3A_1149 = arith.index_cast %get3A_1147 : i32 to index
    %get3A_1150 = arith.index_cast %get3A_1148 : i32 to index
    %get3A_1151 = arith.index_cast %and3A_186 : i32 to index
    %get3A_1152 = tpu.vector_load %arg8[%get3A_1149, %get3A_1150, %get3A_1151] {strides = array<i32>} : memref<32x8x128xf32, #tpu.memory_space<vmem>>, vector<1x1x16xf32>,
    %get3A_1153 = vector.shape_cast %get3A_1152 : vector<1x1x16xf32> to vector<16xf32>
    %eq3A_1154 = vector.broadcast %and3A_188 : i32 to vector<16xi32>
    %eq3A_1155 = arith.cmpi eq, %iota3A, %eq3A_1154 : vector<16xi32>
    %slice3A_1156 = vector.extract_strided_slice %get3A_1030 {offsets = [7], sizes = [1], strides = [1]} : vector<16xf32> to vector<1xf32>
    %squeeze3A_1157 = vector.extract %slice3A_1156[0] : f32 from vector<1xf32>
    %jit3A_1158 = arith.constant 0.000000e+00 : f32
    %broadcast_in_dim3A_1159 = vector.broadcast %squeeze3A_1157 : f32 to vector<16xf32>
    %broadcast_in_dim3A_1160 = vector.broadcast %jit3A_1158 : f32 to vector<16xf32>
    %select_n3A_1161 = arith.select %eq3A_1155, %broadcast_in_dim3A_1159, %broadcast_in_dim3A_1160 : vector<16xi1>, vector<16xf32>
    %mul3A_1162 = arith.mulf %select_n3A_1161, %get3A_1153 : vector<16xf32>
    %add3A_1163 = arith.addf %add3A_1146, %mul3A_1162 : vector<16xf32>
    %get3A_1164 = arith.constant 8 : i32
    %get3A_1165 = arith.constant 0 : i32
    %get3A_1166 = arith.index_cast %get3A_1164 : i32 to index
    %get3A_1167 = arith.index_cast %get3A_1165 : i32 to index
    %get3A_1168 = arith.index_cast %and3A_210 : i32 to index
    %get3A_1169 = tpu.vector_load %arg8[%get3A_1166, %get3A_1167, %get3A_1168] {strides = array<i32>} : memref<32x8x128xf32, #tpu.memory_space<vmem>>, vector<1x1x16xf32>,
    %get3A_1170 = vector.shape_cast %get3A_1169 : vector<1x1x16xf32> to vector<16xf32>
    %eq3A_1171 = vector.broadcast %and3A_212 : i32 to vector<16xi32>
    %eq3A_1172 = arith.cmpi eq, %iota3A, %eq3A_1171 : vector<16xi32>
    %slice3A_1173 = vector.extract_strided_slice %get3A_1030 {offsets = [8], sizes = [1], strides = [1]} : vector<16xf32> to vector<1xf32>
    %squeeze3A_1174 = vector.extract %slice3A_1173[0] : f32 from vector<1xf32>
    %jit3A_1175 = arith.constant 0.000000e+00 : f32
    %broadcast_in_dim3A_1176 = vector.broadcast %squeeze3A_1174 : f32 to vector<16xf32>
    %broadcast_in_dim3A_1177 = vector.broadcast %jit3A_1175 : f32 to vector<16xf32>
    %select_n3A_1178 = arith.select %eq3A_1172, %broadcast_in_dim3A_1176, %broadcast_in_dim3A_1177 : vector<16xi1>, vector<16xf32>
    %mul3A_1179 = arith.mulf %select_n3A_1178, %get3A_1170 : vector<16xf32>
    %add3A_1180 = arith.addf %add3A_1163, %mul3A_1179 : vector<16xf32>
    %get3A_1181 = arith.constant 9 : i32
    %get3A_1182 = arith.constant 1 : i32
    %get3A_1183 = arith.index_cast %get3A_1181 : i32 to index
    %get3A_1184 = arith.index_cast %get3A_1182 : i32 to index
    %get3A_1185 = arith.index_cast %and3A_234 : i32 to index
    %get3A_1186 = tpu.vector_load %arg8[%get3A_1183, %get3A_1184, %get3A_1185] {strides = array<i32>} : memref<32x8x128xf32, #tpu.memory_space<vmem>>, vector<1x1x16xf32>,
    %get3A_1187 = vector.shape_cast %get3A_1186 : vector<1x1x16xf32> to vector<16xf32>
    %eq3A_1188 = vector.broadcast %and3A_236 : i32 to vector<16xi32>
    %eq3A_1189 = arith.cmpi eq, %iota3A, %eq3A_1188 : vector<16xi32>
    %slice3A_1190 = vector.extract_strided_slice %get3A_1030 {offsets = [9], sizes = [1], strides = [1]} : vector<16xf32> to vector<1xf32>
    %squeeze3A_1191 = vector.extract %slice3A_1190[0] : f32 from vector<1xf32>
    %jit3A_1192 = arith.constant 0.000000e+00 : f32
    %broadcast_in_dim3A_1193 = vector.broadcast %squeeze3A_1191 : f32 to vector<16xf32>
    %broadcast_in_dim3A_1194 = vector.broadcast %jit3A_1192 : f32 to vector<16xf32>
    %select_n3A_1195 = arith.select %eq3A_1189, %broadcast_in_dim3A_1193, %broadcast_in_dim3A_1194 : vector<16xi1>, vector<16xf32>
    %mul3A_1196 = arith.mulf %select_n3A_1195, %get3A_1187 : vector<16xf32>
    %add3A_1197 = arith.addf %add3A_1180, %mul3A_1196 : vector<16xf32>
    %get3A_1198 = arith.constant 10 : i32
    %get3A_1199 = arith.constant 2 : i32
    %get3A_1200 = arith.index_cast %get3A_1198 : i32 to index
    %get3A_1201 = arith.index_cast %get3A_1199 : i32 to index
    %get3A_1202 = arith.index_cast %and3A_258 : i32 to index
    %get3A_1203 = tpu.vector_load %arg8[%get3A_1200, %get3A_1201, %get3A_1202] {strides = array<i32>} : memref<32x8x128xf32, #tpu.memory_space<vmem>>, vector<1x1x16xf32>,
    %get3A_1204 = vector.shape_cast %get3A_1203 : vector<1x1x16xf32> to vector<16xf32>
    %eq3A_1205 = vector.broadcast %and3A_260 : i32 to vector<16xi32>
    %eq3A_1206 = arith.cmpi eq, %iota3A, %eq3A_1205 : vector<16xi32>
    %slice3A_1207 = vector.extract_strided_slice %get3A_1030 {offsets = [10], sizes = [1], strides = [1]} : vector<16xf32> to vector<1xf32>
    %squeeze3A_1208 = vector.extract %slice3A_1207[0] : f32 from vector<1xf32>
    %jit3A_1209 = arith.constant 0.000000e+00 : f32
    %broadcast_in_dim3A_1210 = vector.broadcast %squeeze3A_1208 : f32 to vector<16xf32>
    %broadcast_in_dim3A_1211 = vector.broadcast %jit3A_1209 : f32 to vector<16xf32>
    %select_n3A_1212 = arith.select %eq3A_1206, %broadcast_in_dim3A_1210, %broadcast_in_dim3A_1211 : vector<16xi1>, vector<16xf32>
    %mul3A_1213 = arith.mulf %select_n3A_1212, %get3A_1204 : vector<16xf32>
    %add3A_1214 = arith.addf %add3A_1197, %mul3A_1213 : vector<16xf32>
    %get3A_1215 = arith.constant 11 : i32
    %get3A_1216 = arith.constant 3 : i32
    %get3A_1217 = arith.index_cast %get3A_1215 : i32 to index
    %get3A_1218 = arith.index_cast %get3A_1216 : i32 to index
    %get3A_1219 = arith.index_cast %and3A_282 : i32 to index
    %get3A_1220 = tpu.vector_load %arg8[%get3A_1217, %get3A_1218, %get3A_1219] {strides = array<i32>} : memref<32x8x128xf32, #tpu.memory_space<vmem>>, vector<1x1x16xf32>,
    %get3A_1221 = vector.shape_cast %get3A_1220 : vector<1x1x16xf32> to vector<16xf32>
    %eq3A_1222 = vector.broadcast %and3A_284 : i32 to vector<16xi32>
    %eq3A_1223 = arith.cmpi eq, %iota3A, %eq3A_1222 : vector<16xi32>
    %slice3A_1224 = vector.extract_strided_slice %get3A_1030 {offsets = [11], sizes = [1], strides = [1]} : vector<16xf32> to vector<1xf32>
    %squeeze3A_1225 = vector.extract %slice3A_1224[0] : f32 from vector<1xf32>
    %jit3A_1226 = arith.constant 0.000000e+00 : f32
    %broadcast_in_dim3A_1227 = vector.broadcast %squeeze3A_1225 : f32 to vector<16xf32>
    %broadcast_in_dim3A_1228 = vector.broadcast %jit3A_1226 : f32 to vector<16xf32>
    %select_n3A_1229 = arith.select %eq3A_1223, %broadcast_in_dim3A_1227, %broadcast_in_dim3A_1228 : vector<16xi1>, vector<16xf32>
    %mul3A_1230 = arith.mulf %select_n3A_1229, %get3A_1221 : vector<16xf32>
    %add3A_1231 = arith.addf %add3A_1214, %mul3A_1230 : vector<16xf32>
    %get3A_1232 = arith.constant 12 : i32
    %get3A_1233 = arith.constant 4 : i32
    %get3A_1234 = arith.index_cast %get3A_1232 : i32 to index
    %get3A_1235 = arith.index_cast %get3A_1233 : i32 to index
    %get3A_1236 = arith.index_cast %and3A_306 : i32 to index
    %get3A_1237 = tpu.vector_load %arg8[%get3A_1234, %get3A_1235, %get3A_1236] {strides = array<i32>} : memref<32x8x128xf32, #tpu.memory_space<vmem>>, vector<1x1x16xf32>,
    %get3A_1238 = vector.shape_cast %get3A_1237 : vector<1x1x16xf32> to vector<16xf32>
    %eq3A_1239 = vector.broadcast %and3A_308 : i32 to vector<16xi32>
    %eq3A_1240 = arith.cmpi eq, %iota3A, %eq3A_1239 : vector<16xi32>
    %slice3A_1241 = vector.extract_strided_slice %get3A_1030 {offsets = [12], sizes = [1], strides = [1]} : vector<16xf32> to vector<1xf32>
    %squeeze3A_1242 = vector.extract %slice3A_1241[0] : f32 from vector<1xf32>
    %jit3A_1243 = arith.constant 0.000000e+00 : f32
    %broadcast_in_dim3A_1244 = vector.broadcast %squeeze3A_1242 : f32 to vector<16xf32>
    %broadcast_in_dim3A_1245 = vector.broadcast %jit3A_1243 : f32 to vector<16xf32>
    %select_n3A_1246 = arith.select %eq3A_1240, %broadcast_in_dim3A_1244, %broadcast_in_dim3A_1245 : vector<16xi1>, vector<16xf32>
    %mul3A_1247 = arith.mulf %select_n3A_1246, %get3A_1238 : vector<16xf32>
    %add3A_1248 = arith.addf %add3A_1231, %mul3A_1247 : vector<16xf32>
    %get3A_1249 = arith.constant 13 : i32
    %get3A_1250 = arith.constant 5 : i32
    %get3A_1251 = arith.index_cast %get3A_1249 : i32 to index
    %get3A_1252 = arith.index_cast %get3A_1250 : i32 to index
    %get3A_1253 = arith.index_cast %and3A_330 : i32 to index
    %get3A_1254 = tpu.vector_load %arg8[%get3A_1251, %get3A_1252, %get3A_1253] {strides = array<i32>} : memref<32x8x128xf32, #tpu.memory_space<vmem>>, vector<1x1x16xf32>,
    %get3A_1255 = vector.shape_cast %get3A_1254 : vector<1x1x16xf32> to vector<16xf32>
    %eq3A_1256 = vector.broadcast %and3A_332 : i32 to vector<16xi32>
    %eq3A_1257 = arith.cmpi eq, %iota3A, %eq3A_1256 : vector<16xi32>
    %slice3A_1258 = vector.extract_strided_slice %get3A_1030 {offsets = [13], sizes = [1], strides = [1]} : vector<16xf32> to vector<1xf32>
    %squeeze3A_1259 = vector.extract %slice3A_1258[0] : f32 from vector<1xf32>
    %jit3A_1260 = arith.constant 0.000000e+00 : f32
    %broadcast_in_dim3A_1261 = vector.broadcast %squeeze3A_1259 : f32 to vector<16xf32>
    %broadcast_in_dim3A_1262 = vector.broadcast %jit3A_1260 : f32 to vector<16xf32>
    %select_n3A_1263 = arith.select %eq3A_1257, %broadcast_in_dim3A_1261, %broadcast_in_dim3A_1262 : vector<16xi1>, vector<16xf32>
    %mul3A_1264 = arith.mulf %select_n3A_1263, %get3A_1255 : vector<16xf32>
    %add3A_1265 = arith.addf %add3A_1248, %mul3A_1264 : vector<16xf32>
    %get3A_1266 = arith.constant 14 : i32
    %get3A_1267 = arith.constant 6 : i32
    %get3A_1268 = arith.index_cast %get3A_1266 : i32 to index
    %get3A_1269 = arith.index_cast %get3A_1267 : i32 to index
    %get3A_1270 = arith.index_cast %and3A_354 : i32 to index
    %get3A_1271 = tpu.vector_load %arg8[%get3A_1268, %get3A_1269, %get3A_1270] {strides = array<i32>} : memref<32x8x128xf32, #tpu.memory_space<vmem>>, vector<1x1x16xf32>,
    %get3A_1272 = vector.shape_cast %get3A_1271 : vector<1x1x16xf32> to vector<16xf32>
    %eq3A_1273 = vector.broadcast %and3A_356 : i32 to vector<16xi32>
    %eq3A_1274 = arith.cmpi eq, %iota3A, %eq3A_1273 : vector<16xi32>
    %slice3A_1275 = vector.extract_strided_slice %get3A_1030 {offsets = [14], sizes = [1], strides = [1]} : vector<16xf32> to vector<1xf32>
    %squeeze3A_1276 = vector.extract %slice3A_1275[0] : f32 from vector<1xf32>
    %jit3A_1277 = arith.constant 0.000000e+00 : f32
    %broadcast_in_dim3A_1278 = vector.broadcast %squeeze3A_1276 : f32 to vector<16xf32>
    %broadcast_in_dim3A_1279 = vector.broadcast %jit3A_1277 : f32 to vector<16xf32>
    %select_n3A_1280 = arith.select %eq3A_1274, %broadcast_in_dim3A_1278, %broadcast_in_dim3A_1279 : vector<16xi1>, vector<16xf32>
    %mul3A_1281 = arith.mulf %select_n3A_1280, %get3A_1272 : vector<16xf32>
    %add3A_1282 = arith.addf %add3A_1265, %mul3A_1281 : vector<16xf32>
    %get3A_1283 = arith.constant 15 : i32
    %get3A_1284 = arith.constant 7 : i32
    %get3A_1285 = arith.index_cast %get3A_1283 : i32 to index
    %get3A_1286 = arith.index_cast %get3A_1284 : i32 to index
    %get3A_1287 = arith.index_cast %and3A_378 : i32 to index
    %get3A_1288 = tpu.vector_load %arg8[%get3A_1285, %get3A_1286, %get3A_1287] {strides = array<i32>} : memref<32x8x128xf32, #tpu.memory_space<vmem>>, vector<1x1x16xf32>,
    %get3A_1289 = vector.shape_cast %get3A_1288 : vector<1x1x16xf32> to vector<16xf32>
    %eq3A_1290 = vector.broadcast %and3A_380 : i32 to vector<16xi32>
    %eq3A_1291 = arith.cmpi eq, %iota3A, %eq3A_1290 : vector<16xi32>
    %slice3A_1292 = vector.extract_strided_slice %get3A_1030 {offsets = [15], sizes = [1], strides = [1]} : vector<16xf32> to vector<1xf32>
    %squeeze3A_1293 = vector.extract %slice3A_1292[0] : f32 from vector<1xf32>
    %jit3A_1294 = arith.constant 0.000000e+00 : f32
    %broadcast_in_dim3A_1295 = vector.broadcast %squeeze3A_1293 : f32 to vector<16xf32>
    %broadcast_in_dim3A_1296 = vector.broadcast %jit3A_1294 : f32 to vector<16xf32>
    %select_n3A_1297 = arith.select %eq3A_1291, %broadcast_in_dim3A_1295, %broadcast_in_dim3A_1296 : vector<16xi1>, vector<16xf32>
    %mul3A_1298 = arith.mulf %select_n3A_1297, %get3A_1289 : vector<16xf32>
    %add3A_1299 = arith.addf %add3A_1282, %mul3A_1298 : vector<16xf32>
    %dma_wait3A_1300 = arith.constant 16 : i32
    %dma_wait3A_1301 = arith.constant 0 : i32
    %dma_wait3A_1302 = arith.constant 0 : i32
    %dma_wait3A_1303 = tpu.memref_slice %arg8[%dma_wait3A_1300, %dma_wait3A_1301, %dma_wait3A_1302] : memref<32x8x128xf32, #tpu.memory_space<vmem>> -> memref<1x8x128xf32, #tpu.memory_space<vmem>>
    %dma_wait3A_1304 = tpu.memref_squeeze %dma_wait3A_1303 : memref<1x8x128xf32, #tpu.memory_space<vmem>> -> memref<8x128xf32, #tpu.memory_space<vmem>>
    %dma_wait3A_1305 = arith.constant 16 : i32
    %dma_wait3A_1306 = tpu.memref_slice %arg2[%add3A_402, %dma_wait3A_1305, %multiple_of3A_407] : memref<32x32x100000xf32, #tpu.memory_space<hbm>> -> memref<1x8x128xf32, #tpu.memory_space<hbm>>
    %dma_wait3A_1307 = tpu.memref_squeeze %dma_wait3A_1306 : memref<1x8x128xf32, #tpu.memory_space<hbm>> -> memref<8x128xf32, #tpu.memory_space<hbm>>
    %dma_wait3A_1308 = arith.constant 0 : i32
    %dma_wait3A_1309 = arith.constant 0 : i32
    %dma_wait3A_1310 = tpu.memref_slice %arg8[%dma_wait3A_1300, %dma_wait3A_1308, %dma_wait3A_1309] : memref<32x8x128xf32, #tpu.memory_space<vmem>> -> memref<1x8x128xf32, #tpu.memory_space<vmem>>
    %dma_wait3A_1311 = tpu.memref_squeeze %dma_wait3A_1310 : memref<1x8x128xf32, #tpu.memory_space<vmem>> -> memref<8x128xf32, #tpu.memory_space<vmem>>
    %dma_wait3A_1312 = arith.constant 16 : i32
    %dma_wait3A_1313 = tpu.memref_slice %arg2[%add3A_402, %dma_wait3A_1312, %multiple_of3A_407] : memref<32x32x100000xf32, #tpu.memory_space<hbm>> -> memref<1x8x128xf32, #tpu.memory_space<hbm>>
    %dma_wait3A_1314 = tpu.memref_squeeze %dma_wait3A_1313 : memref<1x8x128xf32, #tpu.memory_space<hbm>> -> memref<8x128xf32, #tpu.memory_space<hbm>>
    tpu.wait_dma2 semaphore(%arg10 : memref<!tpu.dma_semaphore, #tpu.memory_space<semaphore_mem>>) src(%dma_wait3A_1314 : memref<8x128xf32, #tpu.memory_space<hbm>>) dst(%dma_wait3A_1311 : memref<8x128xf32, #tpu.memory_space<vmem>>)
    %dma_wait3A_1315 = arith.constant 17 : i32
    %dma_wait3A_1316 = arith.constant 0 : i32
    %dma_wait3A_1317 = arith.constant 0 : i32
    %dma_wait3A_1318 = tpu.memref_slice %arg8[%dma_wait3A_1315, %dma_wait3A_1316, %dma_wait3A_1317] : memref<32x8x128xf32, #tpu.memory_space<vmem>> -> memref<1x8x128xf32, #tpu.memory_space<vmem>>
    %dma_wait3A_1319 = tpu.memref_squeeze %dma_wait3A_1318 : memref<1x8x128xf32, #tpu.memory_space<vmem>> -> memref<8x128xf32, #tpu.memory_space<vmem>>
    %dma_wait3A_1320 = arith.constant 16 : i32
    %dma_wait3A_1321 = tpu.memref_slice %arg2[%add3A_402, %dma_wait3A_1320, %multiple_of3A_431] : memref<32x32x100000xf32, #tpu.memory_space<hbm>> -> memref<1x8x128xf32, #tpu.memory_space<hbm>>
    %dma_wait3A_1322 = tpu.memref_squeeze %dma_wait3A_1321 : memref<1x8x128xf32, #tpu.memory_space<hbm>> -> memref<8x128xf32, #tpu.memory_space<hbm>>
    %dma_wait3A_1323 = arith.constant 0 : i32
    %dma_wait3A_1324 = arith.constant 0 : i32
    %dma_wait3A_1325 = tpu.memref_slice %arg8[%dma_wait3A_1315, %dma_wait3A_1323, %dma_wait3A_1324] : memref<32x8x128xf32, #tpu.memory_space<vmem>> -> memref<1x8x128xf32, #tpu.memory_space<vmem>>
    %dma_wait3A_1326 = tpu.memref_squeeze %dma_wait3A_1325 : memref<1x8x128xf32, #tpu.memory_space<vmem>> -> memref<8x128xf32, #tpu.memory_space<vmem>>
    %dma_wait3A_1327 = arith.constant 16 : i32
    %dma_wait3A_1328 = tpu.memref_slice %arg2[%add3A_402, %dma_wait3A_1327, %multiple_of3A_431] : memref<32x32x100000xf32, #tpu.memory_space<hbm>> -> memref<1x8x128xf32, #tpu.memory_space<hbm>>
    %dma_wait3A_1329 = tpu.memref_squeeze %dma_wait3A_1328 : memref<1x8x128xf32, #tpu.memory_space<hbm>> -> memref<8x128xf32, #tpu.memory_space<hbm>>
    tpu.wait_dma2 semaphore(%arg10 : memref<!tpu.dma_semaphore, #tpu.memory_space<semaphore_mem>>) src(%dma_wait3A_1329 : memref<8x128xf32, #tpu.memory_space<hbm>>) dst(%dma_wait3A_1326 : memref<8x128xf32, #tpu.memory_space<vmem>>)
    %dma_wait3A_1330 = arith.constant 18 : i32
    %dma_wait3A_1331 = arith.constant 0 : i32
    %dma_wait3A_1332 = arith.constant 0 : i32
    %dma_wait3A_1333 = tpu.memref_slice %arg8[%dma_wait3A_1330, %dma_wait3A_1331, %dma_wait3A_1332] : memref<32x8x128xf32, #tpu.memory_space<vmem>> -> memref<1x8x128xf32, #tpu.memory_space<vmem>>
    %dma_wait3A_1334 = tpu.memref_squeeze %dma_wait3A_1333 : memref<1x8x128xf32, #tpu.memory_space<vmem>> -> memref<8x128xf32, #tpu.memory_space<vmem>>
    %dma_wait3A_1335 = arith.constant 16 : i32
    %dma_wait3A_1336 = tpu.memref_slice %arg2[%add3A_402, %dma_wait3A_1335, %multiple_of3A_455] : memref<32x32x100000xf32, #tpu.memory_space<hbm>> -> memref<1x8x128xf32, #tpu.memory_space<hbm>>
    %dma_wait3A_1337 = tpu.memref_squeeze %dma_wait3A_1336 : memref<1x8x128xf32, #tpu.memory_space<hbm>> -> memref<8x128xf32, #tpu.memory_space<hbm>>
    %dma_wait3A_1338 = arith.constant 0 : i32
    %dma_wait3A_1339 = arith.constant 0 : i32
    %dma_wait3A_1340 = tpu.memref_slice %arg8[%dma_wait3A_1330, %dma_wait3A_1338, %dma_wait3A_1339] : memref<32x8x128xf32, #tpu.memory_space<vmem>> -> memref<1x8x128xf32, #tpu.memory_space<vmem>>
    %dma_wait3A_1341 = tpu.memref_squeeze %dma_wait3A_1340 : memref<1x8x128xf32, #tpu.memory_space<vmem>> -> memref<8x128xf32, #tpu.memory_space<vmem>>
    %dma_wait3A_1342 = arith.constant 16 : i32
    %dma_wait3A_1343 = tpu.memref_slice %arg2[%add3A_402, %dma_wait3A_1342, %multiple_of3A_455] : memref<32x32x100000xf32, #tpu.memory_space<hbm>> -> memref<1x8x128xf32, #tpu.memory_space<hbm>>
    %dma_wait3A_1344 = tpu.memref_squeeze %dma_wait3A_1343 : memref<1x8x128xf32, #tpu.memory_space<hbm>> -> memref<8x128xf32, #tpu.memory_space<hbm>>
    tpu.wait_dma2 semaphore(%arg10 : memref<!tpu.dma_semaphore, #tpu.memory_space<semaphore_mem>>) src(%dma_wait3A_1344 : memref<8x128xf32, #tpu.memory_space<hbm>>) dst(%dma_wait3A_1341 : memref<8x128xf32, #tpu.memory_space<vmem>>)
    %dma_wait3A_1345 = arith.constant 19 : i32
    %dma_wait3A_1346 = arith.constant 0 : i32
    %dma_wait3A_1347 = arith.constant 0 : i32
    %dma_wait3A_1348 = tpu.memref_slice %arg8[%dma_wait3A_1345, %dma_wait3A_1346, %dma_wait3A_1347] : memref<32x8x128xf32, #tpu.memory_space<vmem>> -> memref<1x8x128xf32, #tpu.memory_space<vmem>>
    %dma_wait3A_1349 = tpu.memref_squeeze %dma_wait3A_1348 : memref<1x8x128xf32, #tpu.memory_space<vmem>> -> memref<8x128xf32, #tpu.memory_space<vmem>>
    %dma_wait3A_1350 = arith.constant 16 : i32
    %dma_wait3A_1351 = tpu.memref_slice %arg2[%add3A_402, %dma_wait3A_1350, %multiple_of3A_479] : memref<32x32x100000xf32, #tpu.memory_space<hbm>> -> memref<1x8x128xf32, #tpu.memory_space<hbm>>
    %dma_wait3A_1352 = tpu.memref_squeeze %dma_wait3A_1351 : memref<1x8x128xf32, #tpu.memory_space<hbm>> -> memref<8x128xf32, #tpu.memory_space<hbm>>
    %dma_wait3A_1353 = arith.constant 0 : i32
    %dma_wait3A_1354 = arith.constant 0 : i32
    %dma_wait3A_1355 = tpu.memref_slice %arg8[%dma_wait3A_1345, %dma_wait3A_1353, %dma_wait3A_1354] : memref<32x8x128xf32, #tpu.memory_space<vmem>> -> memref<1x8x128xf32, #tpu.memory_space<vmem>>
    %dma_wait3A_1356 = tpu.memref_squeeze %dma_wait3A_1355 : memref<1x8x128xf32, #tpu.memory_space<vmem>> -> memref<8x128xf32, #tpu.memory_space<vmem>>
    %dma_wait3A_1357 = arith.constant 16 : i32
    %dma_wait3A_1358 = tpu.memref_slice %arg2[%add3A_402, %dma_wait3A_1357, %multiple_of3A_479] : memref<32x32x100000xf32, #tpu.memory_space<hbm>> -> memref<1x8x128xf32, #tpu.memory_space<hbm>>
    %dma_wait3A_1359 = tpu.memref_squeeze %dma_wait3A_1358 : memref<1x8x128xf32, #tpu.memory_space<hbm>> -> memref<8x128xf32, #tpu.memory_space<hbm>>
    tpu.wait_dma2 semaphore(%arg10 : memref<!tpu.dma_semaphore, #tpu.memory_space<semaphore_mem>>) src(%dma_wait3A_1359 : memref<8x128xf32, #tpu.memory_space<hbm>>) dst(%dma_wait3A_1356 : memref<8x128xf32, #tpu.memory_space<vmem>>)
    %dma_wait3A_1360 = arith.constant 20 : i32
    %dma_wait3A_1361 = arith.constant 0 : i32
    %dma_wait3A_1362 = arith.constant 0 : i32
    %dma_wait3A_1363 = tpu.memref_slice %arg8[%dma_wait3A_1360, %dma_wait3A_1361, %dma_wait3A_1362] : memref<32x8x128xf32, #tpu.memory_space<vmem>> -> memref<1x8x128xf32, #tpu.memory_space<vmem>>
    %dma_wait3A_1364 = tpu.memref_squeeze %dma_wait3A_1363 : memref<1x8x128xf32, #tpu.memory_space<vmem>> -> memref<8x128xf32, #tpu.memory_space<vmem>>
    %dma_wait3A_1365 = arith.constant 16 : i32
    %dma_wait3A_1366 = tpu.memref_slice %arg2[%add3A_402, %dma_wait3A_1365, %multiple_of3A_503] : memref<32x32x100000xf32, #tpu.memory_space<hbm>> -> memref<1x8x128xf32, #tpu.memory_space<hbm>>
    %dma_wait3A_1367 = tpu.memref_squeeze %dma_wait3A_1366 : memref<1x8x128xf32, #tpu.memory_space<hbm>> -> memref<8x128xf32, #tpu.memory_space<hbm>>
    %dma_wait3A_1368 = arith.constant 0 : i32
    %dma_wait3A_1369 = arith.constant 0 : i32
    %dma_wait3A_1370 = tpu.memref_slice %arg8[%dma_wait3A_1360, %dma_wait3A_1368, %dma_wait3A_1369] : memref<32x8x128xf32, #tpu.memory_space<vmem>> -> memref<1x8x128xf32, #tpu.memory_space<vmem>>
    %dma_wait3A_1371 = tpu.memref_squeeze %dma_wait3A_1370 : memref<1x8x128xf32, #tpu.memory_space<vmem>> -> memref<8x128xf32, #tpu.memory_space<vmem>>
    %dma_wait3A_1372 = arith.constant 16 : i32
    %dma_wait3A_1373 = tpu.memref_slice %arg2[%add3A_402, %dma_wait3A_1372, %multiple_of3A_503] : memref<32x32x100000xf32, #tpu.memory_space<hbm>> -> memref<1x8x128xf32, #tpu.memory_space<hbm>>
    %dma_wait3A_1374 = tpu.memref_squeeze %dma_wait3A_1373 : memref<1x8x128xf32, #tpu.memory_space<hbm>> -> memref<8x128xf32, #tpu.memory_space<hbm>>
    tpu.wait_dma2 semaphore(%arg10 : memref<!tpu.dma_semaphore, #tpu.memory_space<semaphore_mem>>) src(%dma_wait3A_1374 : memref<8x128xf32, #tpu.memory_space<hbm>>) dst(%dma_wait3A_1371 : memref<8x128xf32, #tpu.memory_space<vmem>>)
    %dma_wait3A_1375 = arith.constant 21 : i32
    %dma_wait3A_1376 = arith.constant 0 : i32
    %dma_wait3A_1377 = arith.constant 0 : i32
    %dma_wait3A_1378 = tpu.memref_slice %arg8[%dma_wait3A_1375, %dma_wait3A_1376, %dma_wait3A_1377] : memref<32x8x128xf32, #tpu.memory_space<vmem>> -> memref<1x8x128xf32, #tpu.memory_space<vmem>>
    %dma_wait3A_1379 = tpu.memref_squeeze %dma_wait3A_1378 : memref<1x8x128xf32, #tpu.memory_space<vmem>> -> memref<8x128xf32, #tpu.memory_space<vmem>>
    %dma_wait3A_1380 = arith.constant 16 : i32
    %dma_wait3A_1381 = tpu.memref_slice %arg2[%add3A_402, %dma_wait3A_1380, %multiple_of3A_527] : memref<32x32x100000xf32, #tpu.memory_space<hbm>> -> memref<1x8x128xf32, #tpu.memory_space<hbm>>
    %dma_wait3A_1382 = tpu.memref_squeeze %dma_wait3A_1381 : memref<1x8x128xf32, #tpu.memory_space<hbm>> -> memref<8x128xf32, #tpu.memory_space<hbm>>
    %dma_wait3A_1383 = arith.constant 0 : i32
    %dma_wait3A_1384 = arith.constant 0 : i32
    %dma_wait3A_1385 = tpu.memref_slice %arg8[%dma_wait3A_1375, %dma_wait3A_1383, %dma_wait3A_1384] : memref<32x8x128xf32, #tpu.memory_space<vmem>> -> memref<1x8x128xf32, #tpu.memory_space<vmem>>
    %dma_wait3A_1386 = tpu.memref_squeeze %dma_wait3A_1385 : memref<1x8x128xf32, #tpu.memory_space<vmem>> -> memref<8x128xf32, #tpu.memory_space<vmem>>
    %dma_wait3A_1387 = arith.constant 16 : i32
    %dma_wait3A_1388 = tpu.memref_slice %arg2[%add3A_402, %dma_wait3A_1387, %multiple_of3A_527] : memref<32x32x100000xf32, #tpu.memory_space<hbm>> -> memref<1x8x128xf32, #tpu.memory_space<hbm>>
    %dma_wait3A_1389 = tpu.memref_squeeze %dma_wait3A_1388 : memref<1x8x128xf32, #tpu.memory_space<hbm>> -> memref<8x128xf32, #tpu.memory_space<hbm>>
    tpu.wait_dma2 semaphore(%arg10 : memref<!tpu.dma_semaphore, #tpu.memory_space<semaphore_mem>>) src(%dma_wait3A_1389 : memref<8x128xf32, #tpu.memory_space<hbm>>) dst(%dma_wait3A_1386 : memref<8x128xf32, #tpu.memory_space<vmem>>)
    %dma_wait3A_1390 = arith.constant 22 : i32
    %dma_wait3A_1391 = arith.constant 0 : i32
    %dma_wait3A_1392 = arith.constant 0 : i32
    %dma_wait3A_1393 = tpu.memref_slice %arg8[%dma_wait3A_1390, %dma_wait3A_1391, %dma_wait3A_1392] : memref<32x8x128xf32, #tpu.memory_space<vmem>> -> memref<1x8x128xf32, #tpu.memory_space<vmem>>
    %dma_wait3A_1394 = tpu.memref_squeeze %dma_wait3A_1393 : memref<1x8x128xf32, #tpu.memory_space<vmem>> -> memref<8x128xf32, #tpu.memory_space<vmem>>
    %dma_wait3A_1395 = arith.constant 16 : i32
    %dma_wait3A_1396 = tpu.memref_slice %arg2[%add3A_402, %dma_wait3A_1395, %multiple_of3A_551] : memref<32x32x100000xf32, #tpu.memory_space<hbm>> -> memref<1x8x128xf32, #tpu.memory_space<hbm>>
    %dma_wait3A_1397 = tpu.memref_squeeze %dma_wait3A_1396 : memref<1x8x128xf32, #tpu.memory_space<hbm>> -> memref<8x128xf32, #tpu.memory_space<hbm>>
    %dma_wait3A_1398 = arith.constant 0 : i32
    %dma_wait3A_1399 = arith.constant 0 : i32
    %dma_wait3A_1400 = tpu.memref_slice %arg8[%dma_wait3A_1390, %dma_wait3A_1398, %dma_wait3A_1399] : memref<32x8x128xf32, #tpu.memory_space<vmem>> -> memref<1x8x128xf32, #tpu.memory_space<vmem>>
    %dma_wait3A_1401 = tpu.memref_squeeze %dma_wait3A_1400 : memref<1x8x128xf32, #tpu.memory_space<vmem>> -> memref<8x128xf32, #tpu.memory_space<vmem>>
    %dma_wait3A_1402 = arith.constant 16 : i32
    %dma_wait3A_1403 = tpu.memref_slice %arg2[%add3A_402, %dma_wait3A_1402, %multiple_of3A_551] : memref<32x32x100000xf32, #tpu.memory_space<hbm>> -> memref<1x8x128xf32, #tpu.memory_space<hbm>>
    %dma_wait3A_1404 = tpu.memref_squeeze %dma_wait3A_1403 : memref<1x8x128xf32, #tpu.memory_space<hbm>> -> memref<8x128xf32, #tpu.memory_space<hbm>>
    tpu.wait_dma2 semaphore(%arg10 : memref<!tpu.dma_semaphore, #tpu.memory_space<semaphore_mem>>) src(%dma_wait3A_1404 : memref<8x128xf32, #tpu.memory_space<hbm>>) dst(%dma_wait3A_1401 : memref<8x128xf32, #tpu.memory_space<vmem>>)
    %dma_wait3A_1405 = arith.constant 23 : i32
    %dma_wait3A_1406 = arith.constant 0 : i32
    %dma_wait3A_1407 = arith.constant 0 : i32
    %dma_wait3A_1408 = tpu.memref_slice %arg8[%dma_wait3A_1405, %dma_wait3A_1406, %dma_wait3A_1407] : memref<32x8x128xf32, #tpu.memory_space<vmem>> -> memref<1x8x128xf32, #tpu.memory_space<vmem>>
    %dma_wait3A_1409 = tpu.memref_squeeze %dma_wait3A_1408 : memref<1x8x128xf32, #tpu.memory_space<vmem>> -> memref<8x128xf32, #tpu.memory_space<vmem>>
    %dma_wait3A_1410 = arith.constant 16 : i32
    %dma_wait3A_1411 = tpu.memref_slice %arg2[%add3A_402, %dma_wait3A_1410, %multiple_of3A_575] : memref<32x32x100000xf32, #tpu.memory_space<hbm>> -> memref<1x8x128xf32, #tpu.memory_space<hbm>>
    %dma_wait3A_1412 = tpu.memref_squeeze %dma_wait3A_1411 : memref<1x8x128xf32, #tpu.memory_space<hbm>> -> memref<8x128xf32, #tpu.memory_space<hbm>>
    %dma_wait3A_1413 = arith.constant 0 : i32
    %dma_wait3A_1414 = arith.constant 0 : i32
    %dma_wait3A_1415 = tpu.memref_slice %arg8[%dma_wait3A_1405, %dma_wait3A_1413, %dma_wait3A_1414] : memref<32x8x128xf32, #tpu.memory_space<vmem>> -> memref<1x8x128xf32, #tpu.memory_space<vmem>>
    %dma_wait3A_1416 = tpu.memref_squeeze %dma_wait3A_1415 : memref<1x8x128xf32, #tpu.memory_space<vmem>> -> memref<8x128xf32, #tpu.memory_space<vmem>>
    %dma_wait3A_1417 = arith.constant 16 : i32
    %dma_wait3A_1418 = tpu.memref_slice %arg2[%add3A_402, %dma_wait3A_1417, %multiple_of3A_575] : memref<32x32x100000xf32, #tpu.memory_space<hbm>> -> memref<1x8x128xf32, #tpu.memory_space<hbm>>
    %dma_wait3A_1419 = tpu.memref_squeeze %dma_wait3A_1418 : memref<1x8x128xf32, #tpu.memory_space<hbm>> -> memref<8x128xf32, #tpu.memory_space<hbm>>
    tpu.wait_dma2 semaphore(%arg10 : memref<!tpu.dma_semaphore, #tpu.memory_space<semaphore_mem>>) src(%dma_wait3A_1419 : memref<8x128xf32, #tpu.memory_space<hbm>>) dst(%dma_wait3A_1416 : memref<8x128xf32, #tpu.memory_space<vmem>>)
    %dma_wait3A_1420 = arith.constant 24 : i32
    %dma_wait3A_1421 = arith.constant 0 : i32
    %dma_wait3A_1422 = arith.constant 0 : i32
    %dma_wait3A_1423 = tpu.memref_slice %arg8[%dma_wait3A_1420, %dma_wait3A_1421, %dma_wait3A_1422] : memref<32x8x128xf32, #tpu.memory_space<vmem>> -> memref<1x8x128xf32, #tpu.memory_space<vmem>>
    %dma_wait3A_1424 = tpu.memref_squeeze %dma_wait3A_1423 : memref<1x8x128xf32, #tpu.memory_space<vmem>> -> memref<8x128xf32, #tpu.memory_space<vmem>>
    %dma_wait3A_1425 = arith.constant 24 : i32
    %dma_wait3A_1426 = tpu.memref_slice %arg2[%add3A_402, %dma_wait3A_1425, %multiple_of3A_599] : memref<32x32x100000xf32, #tpu.memory_space<hbm>> -> memref<1x8x128xf32, #tpu.memory_space<hbm>>
    %dma_wait3A_1427 = tpu.memref_squeeze %dma_wait3A_1426 : memref<1x8x128xf32, #tpu.memory_space<hbm>> -> memref<8x128xf32, #tpu.memory_space<hbm>>
    %dma_wait3A_1428 = arith.constant 0 : i32
    %dma_wait3A_1429 = arith.constant 0 : i32
    %dma_wait3A_1430 = tpu.memref_slice %arg8[%dma_wait3A_1420, %dma_wait3A_1428, %dma_wait3A_1429] : memref<32x8x128xf32, #tpu.memory_space<vmem>> -> memref<1x8x128xf32, #tpu.memory_space<vmem>>
    %dma_wait3A_1431 = tpu.memref_squeeze %dma_wait3A_1430 : memref<1x8x128xf32, #tpu.memory_space<vmem>> -> memref<8x128xf32, #tpu.memory_space<vmem>>
    %dma_wait3A_1432 = arith.constant 24 : i32
    %dma_wait3A_1433 = tpu.memref_slice %arg2[%add3A_402, %dma_wait3A_1432, %multiple_of3A_599] : memref<32x32x100000xf32, #tpu.memory_space<hbm>> -> memref<1x8x128xf32, #tpu.memory_space<hbm>>
    %dma_wait3A_1434 = tpu.memref_squeeze %dma_wait3A_1433 : memref<1x8x128xf32, #tpu.memory_space<hbm>> -> memref<8x128xf32, #tpu.memory_space<hbm>>
    tpu.wait_dma2 semaphore(%arg10 : memref<!tpu.dma_semaphore, #tpu.memory_space<semaphore_mem>>) src(%dma_wait3A_1434 : memref<8x128xf32, #tpu.memory_space<hbm>>) dst(%dma_wait3A_1431 : memref<8x128xf32, #tpu.memory_space<vmem>>)
    %dma_wait3A_1435 = arith.constant 25 : i32
    %dma_wait3A_1436 = arith.constant 0 : i32
    %dma_wait3A_1437 = arith.constant 0 : i32
    %dma_wait3A_1438 = tpu.memref_slice %arg8[%dma_wait3A_1435, %dma_wait3A_1436, %dma_wait3A_1437] : memref<32x8x128xf32, #tpu.memory_space<vmem>> -> memref<1x8x128xf32, #tpu.memory_space<vmem>>
    %dma_wait3A_1439 = tpu.memref_squeeze %dma_wait3A_1438 : memref<1x8x128xf32, #tpu.memory_space<vmem>> -> memref<8x128xf32, #tpu.memory_space<vmem>>
    %dma_wait3A_1440 = arith.constant 24 : i32
    %dma_wait3A_1441 = tpu.memref_slice %arg2[%add3A_402, %dma_wait3A_1440, %multiple_of3A_623] : memref<32x32x100000xf32, #tpu.memory_space<hbm>> -> memref<1x8x128xf32, #tpu.memory_space<hbm>>
    %dma_wait3A_1442 = tpu.memref_squeeze %dma_wait3A_1441 : memref<1x8x128xf32, #tpu.memory_space<hbm>> -> memref<8x128xf32, #tpu.memory_space<hbm>>
    %dma_wait3A_1443 = arith.constant 0 : i32
    %dma_wait3A_1444 = arith.constant 0 : i32
    %dma_wait3A_1445 = tpu.memref_slice %arg8[%dma_wait3A_1435, %dma_wait3A_1443, %dma_wait3A_1444] : memref<32x8x128xf32, #tpu.memory_space<vmem>> -> memref<1x8x128xf32, #tpu.memory_space<vmem>>
    %dma_wait3A_1446 = tpu.memref_squeeze %dma_wait3A_1445 : memref<1x8x128xf32, #tpu.memory_space<vmem>> -> memref<8x128xf32, #tpu.memory_space<vmem>>
    %dma_wait3A_1447 = arith.constant 24 : i32
    %dma_wait3A_1448 = tpu.memref_slice %arg2[%add3A_402, %dma_wait3A_1447, %multiple_of3A_623] : memref<32x32x100000xf32, #tpu.memory_space<hbm>> -> memref<1x8x128xf32, #tpu.memory_space<hbm>>
    %dma_wait3A_1449 = tpu.memref_squeeze %dma_wait3A_1448 : memref<1x8x128xf32, #tpu.memory_space<hbm>> -> memref<8x128xf32, #tpu.memory_space<hbm>>
    tpu.wait_dma2 semaphore(%arg10 : memref<!tpu.dma_semaphore, #tpu.memory_space<semaphore_mem>>) src(%dma_wait3A_1449 : memref<8x128xf32, #tpu.memory_space<hbm>>) dst(%dma_wait3A_1446 : memref<8x128xf32, #tpu.memory_space<vmem>>)
    %dma_wait3A_1450 = arith.constant 26 : i32
    %dma_wait3A_1451 = arith.constant 0 : i32
    %dma_wait3A_1452 = arith.constant 0 : i32
    %dma_wait3A_1453 = tpu.memref_slice %arg8[%dma_wait3A_1450, %dma_wait3A_1451, %dma_wait3A_1452] : memref<32x8x128xf32, #tpu.memory_space<vmem>> -> memref<1x8x128xf32, #tpu.memory_space<vmem>>
    %dma_wait3A_1454 = tpu.memref_squeeze %dma_wait3A_1453 : memref<1x8x128xf32, #tpu.memory_space<vmem>> -> memref<8x128xf32, #tpu.memory_space<vmem>>
    %dma_wait3A_1455 = arith.constant 24 : i32
    %dma_wait3A_1456 = tpu.memref_slice %arg2[%add3A_402, %dma_wait3A_1455, %multiple_of3A_647] : memref<32x32x100000xf32, #tpu.memory_space<hbm>> -> memref<1x8x128xf32, #tpu.memory_space<hbm>>
    %dma_wait3A_1457 = tpu.memref_squeeze %dma_wait3A_1456 : memref<1x8x128xf32, #tpu.memory_space<hbm>> -> memref<8x128xf32, #tpu.memory_space<hbm>>
    %dma_wait3A_1458 = arith.constant 0 : i32
    %dma_wait3A_1459 = arith.constant 0 : i32
    %dma_wait3A_1460 = tpu.memref_slice %arg8[%dma_wait3A_1450, %dma_wait3A_1458, %dma_wait3A_1459] : memref<32x8x128xf32, #tpu.memory_space<vmem>> -> memref<1x8x128xf32, #tpu.memory_space<vmem>>
    %dma_wait3A_1461 = tpu.memref_squeeze %dma_wait3A_1460 : memref<1x8x128xf32, #tpu.memory_space<vmem>> -> memref<8x128xf32, #tpu.memory_space<vmem>>
    %dma_wait3A_1462 = arith.constant 24 : i32
    %dma_wait3A_1463 = tpu.memref_slice %arg2[%add3A_402, %dma_wait3A_1462, %multiple_of3A_647] : memref<32x32x100000xf32, #tpu.memory_space<hbm>> -> memref<1x8x128xf32, #tpu.memory_space<hbm>>
    %dma_wait3A_1464 = tpu.memref_squeeze %dma_wait3A_1463 : memref<1x8x128xf32, #tpu.memory_space<hbm>> -> memref<8x128xf32, #tpu.memory_space<hbm>>
    tpu.wait_dma2 semaphore(%arg10 : memref<!tpu.dma_semaphore, #tpu.memory_space<semaphore_mem>>) src(%dma_wait3A_1464 : memref<8x128xf32, #tpu.memory_space<hbm>>) dst(%dma_wait3A_1461 : memref<8x128xf32, #tpu.memory_space<vmem>>)
    %dma_wait3A_1465 = arith.constant 27 : i32
    %dma_wait3A_1466 = arith.constant 0 : i32
    %dma_wait3A_1467 = arith.constant 0 : i32
    %dma_wait3A_1468 = tpu.memref_slice %arg8[%dma_wait3A_1465, %dma_wait3A_1466, %dma_wait3A_1467] : memref<32x8x128xf32, #tpu.memory_space<vmem>> -> memref<1x8x128xf32, #tpu.memory_space<vmem>>
    %dma_wait3A_1469 = tpu.memref_squeeze %dma_wait3A_1468 : memref<1x8x128xf32, #tpu.memory_space<vmem>> -> memref<8x128xf32, #tpu.memory_space<vmem>>
    %dma_wait3A_1470 = arith.constant 24 : i32
    %dma_wait3A_1471 = tpu.memref_slice %arg2[%add3A_402, %dma_wait3A_1470, %multiple_of3A_671] : memref<32x32x100000xf32, #tpu.memory_space<hbm>> -> memref<1x8x128xf32, #tpu.memory_space<hbm>>
    %dma_wait3A_1472 = tpu.memref_squeeze %dma_wait3A_1471 : memref<1x8x128xf32, #tpu.memory_space<hbm>> -> memref<8x128xf32, #tpu.memory_space<hbm>>
    %dma_wait3A_1473 = arith.constant 0 : i32
    %dma_wait3A_1474 = arith.constant 0 : i32
    %dma_wait3A_1475 = tpu.memref_slice %arg8[%dma_wait3A_1465, %dma_wait3A_1473, %dma_wait3A_1474] : memref<32x8x128xf32, #tpu.memory_space<vmem>> -> memref<1x8x128xf32, #tpu.memory_space<vmem>>
    %dma_wait3A_1476 = tpu.memref_squeeze %dma_wait3A_1475 : memref<1x8x128xf32, #tpu.memory_space<vmem>> -> memref<8x128xf32, #tpu.memory_space<vmem>>
    %dma_wait3A_1477 = arith.constant 24 : i32
    %dma_wait3A_1478 = tpu.memref_slice %arg2[%add3A_402, %dma_wait3A_1477, %multiple_of3A_671] : memref<32x32x100000xf32, #tpu.memory_space<hbm>> -> memref<1x8x128xf32, #tpu.memory_space<hbm>>
    %dma_wait3A_1479 = tpu.memref_squeeze %dma_wait3A_1478 : memref<1x8x128xf32, #tpu.memory_space<hbm>> -> memref<8x128xf32, #tpu.memory_space<hbm>>
    tpu.wait_dma2 semaphore(%arg10 : memref<!tpu.dma_semaphore, #tpu.memory_space<semaphore_mem>>) src(%dma_wait3A_1479 : memref<8x128xf32, #tpu.memory_space<hbm>>) dst(%dma_wait3A_1476 : memref<8x128xf32, #tpu.memory_space<vmem>>)
    %dma_wait3A_1480 = arith.constant 28 : i32
    %dma_wait3A_1481 = arith.constant 0 : i32
    %dma_wait3A_1482 = arith.constant 0 : i32
    %dma_wait3A_1483 = tpu.memref_slice %arg8[%dma_wait3A_1480, %dma_wait3A_1481, %dma_wait3A_1482] : memref<32x8x128xf32, #tpu.memory_space<vmem>> -> memref<1x8x128xf32, #tpu.memory_space<vmem>>
    %dma_wait3A_1484 = tpu.memref_squeeze %dma_wait3A_1483 : memref<1x8x128xf32, #tpu.memory_space<vmem>> -> memref<8x128xf32, #tpu.memory_space<vmem>>
    %dma_wait3A_1485 = arith.constant 24 : i32
    %dma_wait3A_1486 = tpu.memref_slice %arg2[%add3A_402, %dma_wait3A_1485, %multiple_of3A_695] : memref<32x32x100000xf32, #tpu.memory_space<hbm>> -> memref<1x8x128xf32, #tpu.memory_space<hbm>>
    %dma_wait3A_1487 = tpu.memref_squeeze %dma_wait3A_1486 : memref<1x8x128xf32, #tpu.memory_space<hbm>> -> memref<8x128xf32, #tpu.memory_space<hbm>>
    %dma_wait3A_1488 = arith.constant 0 : i32
    %dma_wait3A_1489 = arith.constant 0 : i32
    %dma_wait3A_1490 = tpu.memref_slice %arg8[%dma_wait3A_1480, %dma_wait3A_1488, %dma_wait3A_1489] : memref<32x8x128xf32, #tpu.memory_space<vmem>> -> memref<1x8x128xf32, #tpu.memory_space<vmem>>
    %dma_wait3A_1491 = tpu.memref_squeeze %dma_wait3A_1490 : memref<1x8x128xf32, #tpu.memory_space<vmem>> -> memref<8x128xf32, #tpu.memory_space<vmem>>
    %dma_wait3A_1492 = arith.constant 24 : i32
    %dma_wait3A_1493 = tpu.memref_slice %arg2[%add3A_402, %dma_wait3A_1492, %multiple_of3A_695] : memref<32x32x100000xf32, #tpu.memory_space<hbm>> -> memref<1x8x128xf32, #tpu.memory_space<hbm>>
    %dma_wait3A_1494 = tpu.memref_squeeze %dma_wait3A_1493 : memref<1x8x128xf32, #tpu.memory_space<hbm>> -> memref<8x128xf32, #tpu.memory_space<hbm>>
    tpu.wait_dma2 semaphore(%arg10 : memref<!tpu.dma_semaphore, #tpu.memory_space<semaphore_mem>>) src(%dma_wait3A_1494 : memref<8x128xf32, #tpu.memory_space<hbm>>) dst(%dma_wait3A_1491 : memref<8x128xf32, #tpu.memory_space<vmem>>)
    %dma_wait3A_1495 = arith.constant 29 : i32
    %dma_wait3A_1496 = arith.constant 0 : i32
    %dma_wait3A_1497 = arith.constant 0 : i32
    %dma_wait3A_1498 = tpu.memref_slice %arg8[%dma_wait3A_1495, %dma_wait3A_1496, %dma_wait3A_1497] : memref<32x8x128xf32, #tpu.memory_space<vmem>> -> memref<1x8x128xf32, #tpu.memory_space<vmem>>
    %dma_wait3A_1499 = tpu.memref_squeeze %dma_wait3A_1498 : memref<1x8x128xf32, #tpu.memory_space<vmem>> -> memref<8x128xf32, #tpu.memory_space<vmem>>
    %dma_wait3A_1500 = arith.constant 24 : i32
    %dma_wait3A_1501 = tpu.memref_slice %arg2[%add3A_402, %dma_wait3A_1500, %multiple_of3A_719] : memref<32x32x100000xf32, #tpu.memory_space<hbm>> -> memref<1x8x128xf32, #tpu.memory_space<hbm>>
    %dma_wait3A_1502 = tpu.memref_squeeze %dma_wait3A_1501 : memref<1x8x128xf32, #tpu.memory_space<hbm>> -> memref<8x128xf32, #tpu.memory_space<hbm>>
    %dma_wait3A_1503 = arith.constant 0 : i32
    %dma_wait3A_1504 = arith.constant 0 : i32
    %dma_wait3A_1505 = tpu.memref_slice %arg8[%dma_wait3A_1495, %dma_wait3A_1503, %dma_wait3A_1504] : memref<32x8x128xf32, #tpu.memory_space<vmem>> -> memref<1x8x128xf32, #tpu.memory_space<vmem>>
    %dma_wait3A_1506 = tpu.memref_squeeze %dma_wait3A_1505 : memref<1x8x128xf32, #tpu.memory_space<vmem>> -> memref<8x128xf32, #tpu.memory_space<vmem>>
    %dma_wait3A_1507 = arith.constant 24 : i32
    %dma_wait3A_1508 = tpu.memref_slice %arg2[%add3A_402, %dma_wait3A_1507, %multiple_of3A_719] : memref<32x32x100000xf32, #tpu.memory_space<hbm>> -> memref<1x8x128xf32, #tpu.memory_space<hbm>>
    %dma_wait3A_1509 = tpu.memref_squeeze %dma_wait3A_1508 : memref<1x8x128xf32, #tpu.memory_space<hbm>> -> memref<8x128xf32, #tpu.memory_space<hbm>>
    tpu.wait_dma2 semaphore(%arg10 : memref<!tpu.dma_semaphore, #tpu.memory_space<semaphore_mem>>) src(%dma_wait3A_1509 : memref<8x128xf32, #tpu.memory_space<hbm>>) dst(%dma_wait3A_1506 : memref<8x128xf32, #tpu.memory_space<vmem>>)
    %dma_wait3A_1510 = arith.constant 30 : i32
    %dma_wait3A_1511 = arith.constant 0 : i32
    %dma_wait3A_1512 = arith.constant 0 : i32
    %dma_wait3A_1513 = tpu.memref_slice %arg8[%dma_wait3A_1510, %dma_wait3A_1511, %dma_wait3A_1512] : memref<32x8x128xf32, #tpu.memory_space<vmem>> -> memref<1x8x128xf32, #tpu.memory_space<vmem>>
    %dma_wait3A_1514 = tpu.memref_squeeze %dma_wait3A_1513 : memref<1x8x128xf32, #tpu.memory_space<vmem>> -> memref<8x128xf32, #tpu.memory_space<vmem>>
    %dma_wait3A_1515 = arith.constant 24 : i32
    %dma_wait3A_1516 = tpu.memref_slice %arg2[%add3A_402, %dma_wait3A_1515, %multiple_of3A_743] : memref<32x32x100000xf32, #tpu.memory_space<hbm>> -> memref<1x8x128xf32, #tpu.memory_space<hbm>>
    %dma_wait3A_1517 = tpu.memref_squeeze %dma_wait3A_1516 : memref<1x8x128xf32, #tpu.memory_space<hbm>> -> memref<8x128xf32, #tpu.memory_space<hbm>>
    %dma_wait3A_1518 = arith.constant 0 : i32
    %dma_wait3A_1519 = arith.constant 0 : i32
    %dma_wait3A_1520 = tpu.memref_slice %arg8[%dma_wait3A_1510, %dma_wait3A_1518, %dma_wait3A_1519] : memref<32x8x128xf32, #tpu.memory_space<vmem>> -> memref<1x8x128xf32, #tpu.memory_space<vmem>>
    %dma_wait3A_1521 = tpu.memref_squeeze %dma_wait3A_1520 : memref<1x8x128xf32, #tpu.memory_space<vmem>> -> memref<8x128xf32, #tpu.memory_space<vmem>>
    %dma_wait3A_1522 = arith.constant 24 : i32
    %dma_wait3A_1523 = tpu.memref_slice %arg2[%add3A_402, %dma_wait3A_1522, %multiple_of3A_743] : memref<32x32x100000xf32, #tpu.memory_space<hbm>> -> memref<1x8x128xf32, #tpu.memory_space<hbm>>
    %dma_wait3A_1524 = tpu.memref_squeeze %dma_wait3A_1523 : memref<1x8x128xf32, #tpu.memory_space<hbm>> -> memref<8x128xf32, #tpu.memory_space<hbm>>
    tpu.wait_dma2 semaphore(%arg10 : memref<!tpu.dma_semaphore, #tpu.memory_space<semaphore_mem>>) src(%dma_wait3A_1524 : memref<8x128xf32, #tpu.memory_space<hbm>>) dst(%dma_wait3A_1521 : memref<8x128xf32, #tpu.memory_space<vmem>>)
    %dma_wait3A_1525 = arith.constant 31 : i32
    %dma_wait3A_1526 = arith.constant 0 : i32
    %dma_wait3A_1527 = arith.constant 0 : i32
    %dma_wait3A_1528 = tpu.memref_slice %arg8[%dma_wait3A_1525, %dma_wait3A_1526, %dma_wait3A_1527] : memref<32x8x128xf32, #tpu.memory_space<vmem>> -> memref<1x8x128xf32, #tpu.memory_space<vmem>>
    %dma_wait3A_1529 = tpu.memref_squeeze %dma_wait3A_1528 : memref<1x8x128xf32, #tpu.memory_space<vmem>> -> memref<8x128xf32, #tpu.memory_space<vmem>>
    %dma_wait3A_1530 = arith.constant 24 : i32
    %dma_wait3A_1531 = tpu.memref_slice %arg2[%add3A_402, %dma_wait3A_1530, %multiple_of3A_767] : memref<32x32x100000xf32, #tpu.memory_space<hbm>> -> memref<1x8x128xf32, #tpu.memory_space<hbm>>
    %dma_wait3A_1532 = tpu.memref_squeeze %dma_wait3A_1531 : memref<1x8x128xf32, #tpu.memory_space<hbm>> -> memref<8x128xf32, #tpu.memory_space<hbm>>
    %dma_wait3A_1533 = arith.constant 0 : i32
    %dma_wait3A_1534 = arith.constant 0 : i32
    %dma_wait3A_1535 = tpu.memref_slice %arg8[%dma_wait3A_1525, %dma_wait3A_1533, %dma_wait3A_1534] : memref<32x8x128xf32, #tpu.memory_space<vmem>> -> memref<1x8x128xf32, #tpu.memory_space<vmem>>
    %dma_wait3A_1536 = tpu.memref_squeeze %dma_wait3A_1535 : memref<1x8x128xf32, #tpu.memory_space<vmem>> -> memref<8x128xf32, #tpu.memory_space<vmem>>
    %dma_wait3A_1537 = arith.constant 24 : i32
    %dma_wait3A_1538 = tpu.memref_slice %arg2[%add3A_402, %dma_wait3A_1537, %multiple_of3A_767] : memref<32x32x100000xf32, #tpu.memory_space<hbm>> -> memref<1x8x128xf32, #tpu.memory_space<hbm>>
    %dma_wait3A_1539 = tpu.memref_squeeze %dma_wait3A_1538 : memref<1x8x128xf32, #tpu.memory_space<hbm>> -> memref<8x128xf32, #tpu.memory_space<hbm>>
    tpu.wait_dma2 semaphore(%arg10 : memref<!tpu.dma_semaphore, #tpu.memory_space<semaphore_mem>>) src(%dma_wait3A_1539 : memref<8x128xf32, #tpu.memory_space<hbm>>) dst(%dma_wait3A_1536 : memref<8x128xf32, #tpu.memory_space<vmem>>)
    %get3A_1540 = arith.constant 16 : index
    %get3A_1541 = tpu.vector_load %arg7[%get3A_1540] {strides = array<i32>} : memref<32xf32, #tpu.memory_space<vmem>>, vector<16xf32>,
    %get3A_1542 = vector.shape_cast %get3A_1541 : vector<16xf32> to vector<16xf32>
    %get3A_1543 = arith.constant 16 : i32
    %get3A_1544 = arith.constant 0 : i32
    %get3A_1545 = arith.index_cast %get3A_1543 : i32 to index
    %get3A_1546 = arith.index_cast %get3A_1544 : i32 to index
    %get3A_1547 = arith.index_cast %and3A_409 : i32 to index
    %get3A_1548 = tpu.vector_load %arg8[%get3A_1545, %get3A_1546, %get3A_1547] {strides = array<i32>} : memref<32x8x128xf32, #tpu.memory_space<vmem>>, vector<1x1x16xf32>,
    %get3A_1549 = vector.shape_cast %get3A_1548 : vector<1x1x16xf32> to vector<16xf32>
    %eq3A_1550 = vector.broadcast %and3A_411 : i32 to vector<16xi32>
    %eq3A_1551 = arith.cmpi eq, %iota3A, %eq3A_1550 : vector<16xi32>
    %slice3A_1552 = vector.extract_strided_slice %get3A_1542 {offsets = [0], sizes = [1], strides = [1]} : vector<16xf32> to vector<1xf32>
    %squeeze3A_1553 = vector.extract %slice3A_1552[0] : f32 from vector<1xf32>
    %jit3A_1554 = arith.constant 0.000000e+00 : f32
    %broadcast_in_dim3A_1555 = vector.broadcast %squeeze3A_1553 : f32 to vector<16xf32>
    %broadcast_in_dim3A_1556 = vector.broadcast %jit3A_1554 : f32 to vector<16xf32>
    %select_n3A_1557 = arith.select %eq3A_1551, %broadcast_in_dim3A_1555, %broadcast_in_dim3A_1556 : vector<16xi1>, vector<16xf32>
    %mul3A_1558 = arith.mulf %select_n3A_1557, %get3A_1549 : vector<16xf32>
    %add3A_1559 = arith.addf %add3A_1299, %mul3A_1558 : vector<16xf32>
    %get3A_1560 = arith.constant 17 : i32
    %get3A_1561 = arith.constant 1 : i32
    %get3A_1562 = arith.index_cast %get3A_1560 : i32 to index
    %get3A_1563 = arith.index_cast %get3A_1561 : i32 to index
    %get3A_1564 = arith.index_cast %and3A_433 : i32 to index
    %get3A_1565 = tpu.vector_load %arg8[%get3A_1562, %get3A_1563, %get3A_1564] {strides = array<i32>} : memref<32x8x128xf32, #tpu.memory_space<vmem>>, vector<1x1x16xf32>,
    %get3A_1566 = vector.shape_cast %get3A_1565 : vector<1x1x16xf32> to vector<16xf32>
    %eq3A_1567 = vector.broadcast %and3A_435 : i32 to vector<16xi32>
    %eq3A_1568 = arith.cmpi eq, %iota3A, %eq3A_1567 : vector<16xi32>
    %slice3A_1569 = vector.extract_strided_slice %get3A_1542 {offsets = [1], sizes = [1], strides = [1]} : vector<16xf32> to vector<1xf32>
    %squeeze3A_1570 = vector.extract %slice3A_1569[0] : f32 from vector<1xf32>
    %jit3A_1571 = arith.constant 0.000000e+00 : f32
    %broadcast_in_dim3A_1572 = vector.broadcast %squeeze3A_1570 : f32 to vector<16xf32>
    %broadcast_in_dim3A_1573 = vector.broadcast %jit3A_1571 : f32 to vector<16xf32>
    %select_n3A_1574 = arith.select %eq3A_1568, %broadcast_in_dim3A_1572, %broadcast_in_dim3A_1573 : vector<16xi1>, vector<16xf32>
    %mul3A_1575 = arith.mulf %select_n3A_1574, %get3A_1566 : vector<16xf32>
    %add3A_1576 = arith.addf %add3A_1559, %mul3A_1575 : vector<16xf32>
    %get3A_1577 = arith.constant 18 : i32
    %get3A_1578 = arith.constant 2 : i32
    %get3A_1579 = arith.index_cast %get3A_1577 : i32 to index
    %get3A_1580 = arith.index_cast %get3A_1578 : i32 to index
    %get3A_1581 = arith.index_cast %and3A_457 : i32 to index
    %get3A_1582 = tpu.vector_load %arg8[%get3A_1579, %get3A_1580, %get3A_1581] {strides = array<i32>} : memref<32x8x128xf32, #tpu.memory_space<vmem>>, vector<1x1x16xf32>,
    %get3A_1583 = vector.shape_cast %get3A_1582 : vector<1x1x16xf32> to vector<16xf32>
    %eq3A_1584 = vector.broadcast %and3A_459 : i32 to vector<16xi32>
    %eq3A_1585 = arith.cmpi eq, %iota3A, %eq3A_1584 : vector<16xi32>
    %slice3A_1586 = vector.extract_strided_slice %get3A_1542 {offsets = [2], sizes = [1], strides = [1]} : vector<16xf32> to vector<1xf32>
    %squeeze3A_1587 = vector.extract %slice3A_1586[0] : f32 from vector<1xf32>
    %jit3A_1588 = arith.constant 0.000000e+00 : f32
    %broadcast_in_dim3A_1589 = vector.broadcast %squeeze3A_1587 : f32 to vector<16xf32>
    %broadcast_in_dim3A_1590 = vector.broadcast %jit3A_1588 : f32 to vector<16xf32>
    %select_n3A_1591 = arith.select %eq3A_1585, %broadcast_in_dim3A_1589, %broadcast_in_dim3A_1590 : vector<16xi1>, vector<16xf32>
    %mul3A_1592 = arith.mulf %select_n3A_1591, %get3A_1583 : vector<16xf32>
    %add3A_1593 = arith.addf %add3A_1576, %mul3A_1592 : vector<16xf32>
    %get3A_1594 = arith.constant 19 : i32
    %get3A_1595 = arith.constant 3 : i32
    %get3A_1596 = arith.index_cast %get3A_1594 : i32 to index
    %get3A_1597 = arith.index_cast %get3A_1595 : i32 to index
    %get3A_1598 = arith.index_cast %and3A_481 : i32 to index
    %get3A_1599 = tpu.vector_load %arg8[%get3A_1596, %get3A_1597, %get3A_1598] {strides = array<i32>} : memref<32x8x128xf32, #tpu.memory_space<vmem>>, vector<1x1x16xf32>,
    %get3A_1600 = vector.shape_cast %get3A_1599 : vector<1x1x16xf32> to vector<16xf32>
    %eq3A_1601 = vector.broadcast %and3A_483 : i32 to vector<16xi32>
    %eq3A_1602 = arith.cmpi eq, %iota3A, %eq3A_1601 : vector<16xi32>
    %slice3A_1603 = vector.extract_strided_slice %get3A_1542 {offsets = [3], sizes = [1], strides = [1]} : vector<16xf32> to vector<1xf32>
    %squeeze3A_1604 = vector.extract %slice3A_1603[0] : f32 from vector<1xf32>
    %jit3A_1605 = arith.constant 0.000000e+00 : f32
    %broadcast_in_dim3A_1606 = vector.broadcast %squeeze3A_1604 : f32 to vector<16xf32>
    %broadcast_in_dim3A_1607 = vector.broadcast %jit3A_1605 : f32 to vector<16xf32>
    %select_n3A_1608 = arith.select %eq3A_1602, %broadcast_in_dim3A_1606, %broadcast_in_dim3A_1607 : vector<16xi1>, vector<16xf32>
    %mul3A_1609 = arith.mulf %select_n3A_1608, %get3A_1600 : vector<16xf32>
    %add3A_1610 = arith.addf %add3A_1593, %mul3A_1609 : vector<16xf32>
    %get3A_1611 = arith.constant 20 : i32
    %get3A_1612 = arith.constant 4 : i32
    %get3A_1613 = arith.index_cast %get3A_1611 : i32 to index
    %get3A_1614 = arith.index_cast %get3A_1612 : i32 to index
    %get3A_1615 = arith.index_cast %and3A_505 : i32 to index
    %get3A_1616 = tpu.vector_load %arg8[%get3A_1613, %get3A_1614, %get3A_1615] {strides = array<i32>} : memref<32x8x128xf32, #tpu.memory_space<vmem>>, vector<1x1x16xf32>,
    %get3A_1617 = vector.shape_cast %get3A_1616 : vector<1x1x16xf32> to vector<16xf32>
    %eq3A_1618 = vector.broadcast %and3A_507 : i32 to vector<16xi32>
    %eq3A_1619 = arith.cmpi eq, %iota3A, %eq3A_1618 : vector<16xi32>
    %slice3A_1620 = vector.extract_strided_slice %get3A_1542 {offsets = [4], sizes = [1], strides = [1]} : vector<16xf32> to vector<1xf32>
    %squeeze3A_1621 = vector.extract %slice3A_1620[0] : f32 from vector<1xf32>
    %jit3A_1622 = arith.constant 0.000000e+00 : f32
    %broadcast_in_dim3A_1623 = vector.broadcast %squeeze3A_1621 : f32 to vector<16xf32>
    %broadcast_in_dim3A_1624 = vector.broadcast %jit3A_1622 : f32 to vector<16xf32>
    %select_n3A_1625 = arith.select %eq3A_1619, %broadcast_in_dim3A_1623, %broadcast_in_dim3A_1624 : vector<16xi1>, vector<16xf32>
    %mul3A_1626 = arith.mulf %select_n3A_1625, %get3A_1617 : vector<16xf32>
    %add3A_1627 = arith.addf %add3A_1610, %mul3A_1626 : vector<16xf32>
    %get3A_1628 = arith.constant 21 : i32
    %get3A_1629 = arith.constant 5 : i32
    %get3A_1630 = arith.index_cast %get3A_1628 : i32 to index
    %get3A_1631 = arith.index_cast %get3A_1629 : i32 to index
    %get3A_1632 = arith.index_cast %and3A_529 : i32 to index
    %get3A_1633 = tpu.vector_load %arg8[%get3A_1630, %get3A_1631, %get3A_1632] {strides = array<i32>} : memref<32x8x128xf32, #tpu.memory_space<vmem>>, vector<1x1x16xf32>,
    %get3A_1634 = vector.shape_cast %get3A_1633 : vector<1x1x16xf32> to vector<16xf32>
    %eq3A_1635 = vector.broadcast %and3A_531 : i32 to vector<16xi32>
    %eq3A_1636 = arith.cmpi eq, %iota3A, %eq3A_1635 : vector<16xi32>
    %slice3A_1637 = vector.extract_strided_slice %get3A_1542 {offsets = [5], sizes = [1], strides = [1]} : vector<16xf32> to vector<1xf32>
    %squeeze3A_1638 = vector.extract %slice3A_1637[0] : f32 from vector<1xf32>
    %jit3A_1639 = arith.constant 0.000000e+00 : f32
    %broadcast_in_dim3A_1640 = vector.broadcast %squeeze3A_1638 : f32 to vector<16xf32>
    %broadcast_in_dim3A_1641 = vector.broadcast %jit3A_1639 : f32 to vector<16xf32>
    %select_n3A_1642 = arith.select %eq3A_1636, %broadcast_in_dim3A_1640, %broadcast_in_dim3A_1641 : vector<16xi1>, vector<16xf32>
    %mul3A_1643 = arith.mulf %select_n3A_1642, %get3A_1634 : vector<16xf32>
    %add3A_1644 = arith.addf %add3A_1627, %mul3A_1643 : vector<16xf32>
    %get3A_1645 = arith.constant 22 : i32
    %get3A_1646 = arith.constant 6 : i32
    %get3A_1647 = arith.index_cast %get3A_1645 : i32 to index
    %get3A_1648 = arith.index_cast %get3A_1646 : i32 to index
    %get3A_1649 = arith.index_cast %and3A_553 : i32 to index
    %get3A_1650 = tpu.vector_load %arg8[%get3A_1647, %get3A_1648, %get3A_1649] {strides = array<i32>} : memref<32x8x128xf32, #tpu.memory_space<vmem>>, vector<1x1x16xf32>,
    %get3A_1651 = vector.shape_cast %get3A_1650 : vector<1x1x16xf32> to vector<16xf32>
    %eq3A_1652 = vector.broadcast %and3A_555 : i32 to vector<16xi32>
    %eq3A_1653 = arith.cmpi eq, %iota3A, %eq3A_1652 : vector<16xi32>
    %slice3A_1654 = vector.extract_strided_slice %get3A_1542 {offsets = [6], sizes = [1], strides = [1]} : vector<16xf32> to vector<1xf32>
    %squeeze3A_1655 = vector.extract %slice3A_1654[0] : f32 from vector<1xf32>
    %jit3A_1656 = arith.constant 0.000000e+00 : f32
    %broadcast_in_dim3A_1657 = vector.broadcast %squeeze3A_1655 : f32 to vector<16xf32>
    %broadcast_in_dim3A_1658 = vector.broadcast %jit3A_1656 : f32 to vector<16xf32>
    %select_n3A_1659 = arith.select %eq3A_1653, %broadcast_in_dim3A_1657, %broadcast_in_dim3A_1658 : vector<16xi1>, vector<16xf32>
    %mul3A_1660 = arith.mulf %select_n3A_1659, %get3A_1651 : vector<16xf32>
    %add3A_1661 = arith.addf %add3A_1644, %mul3A_1660 : vector<16xf32>
    %get3A_1662 = arith.constant 23 : i32
    %get3A_1663 = arith.constant 7 : i32
    %get3A_1664 = arith.index_cast %get3A_1662 : i32 to index
    %get3A_1665 = arith.index_cast %get3A_1663 : i32 to index
    %get3A_1666 = arith.index_cast %and3A_577 : i32 to index
    %get3A_1667 = tpu.vector_load %arg8[%get3A_1664, %get3A_1665, %get3A_1666] {strides = array<i32>} : memref<32x8x128xf32, #tpu.memory_space<vmem>>, vector<1x1x16xf32>,
    %get3A_1668 = vector.shape_cast %get3A_1667 : vector<1x1x16xf32> to vector<16xf32>
    %eq3A_1669 = vector.broadcast %and3A_579 : i32 to vector<16xi32>
    %eq3A_1670 = arith.cmpi eq, %iota3A, %eq3A_1669 : vector<16xi32>
    %slice3A_1671 = vector.extract_strided_slice %get3A_1542 {offsets = [7], sizes = [1], strides = [1]} : vector<16xf32> to vector<1xf32>
    %squeeze3A_1672 = vector.extract %slice3A_1671[0] : f32 from vector<1xf32>
    %jit3A_1673 = arith.constant 0.000000e+00 : f32
    %broadcast_in_dim3A_1674 = vector.broadcast %squeeze3A_1672 : f32 to vector<16xf32>
    %broadcast_in_dim3A_1675 = vector.broadcast %jit3A_1673 : f32 to vector<16xf32>
    %select_n3A_1676 = arith.select %eq3A_1670, %broadcast_in_dim3A_1674, %broadcast_in_dim3A_1675 : vector<16xi1>, vector<16xf32>
    %mul3A_1677 = arith.mulf %select_n3A_1676, %get3A_1668 : vector<16xf32>
    %add3A_1678 = arith.addf %add3A_1661, %mul3A_1677 : vector<16xf32>
    %get3A_1679 = arith.constant 24 : i32
    %get3A_1680 = arith.constant 0 : i32
    %get3A_1681 = arith.index_cast %get3A_1679 : i32 to index
    %get3A_1682 = arith.index_cast %get3A_1680 : i32 to index
    %get3A_1683 = arith.index_cast %and3A_601 : i32 to index
    %get3A_1684 = tpu.vector_load %arg8[%get3A_1681, %get3A_1682, %get3A_1683] {strides = array<i32>} : memref<32x8x128xf32, #tpu.memory_space<vmem>>, vector<1x1x16xf32>,
    %get3A_1685 = vector.shape_cast %get3A_1684 : vector<1x1x16xf32> to vector<16xf32>
    %eq3A_1686 = vector.broadcast %and3A_603 : i32 to vector<16xi32>
    %eq3A_1687 = arith.cmpi eq, %iota3A, %eq3A_1686 : vector<16xi32>
    %slice3A_1688 = vector.extract_strided_slice %get3A_1542 {offsets = [8], sizes = [1], strides = [1]} : vector<16xf32> to vector<1xf32>
    %squeeze3A_1689 = vector.extract %slice3A_1688[0] : f32 from vector<1xf32>
    %jit3A_1690 = arith.constant 0.000000e+00 : f32
    %broadcast_in_dim3A_1691 = vector.broadcast %squeeze3A_1689 : f32 to vector<16xf32>
    %broadcast_in_dim3A_1692 = vector.broadcast %jit3A_1690 : f32 to vector<16xf32>
    %select_n3A_1693 = arith.select %eq3A_1687, %broadcast_in_dim3A_1691, %broadcast_in_dim3A_1692 : vector<16xi1>, vector<16xf32>
    %mul3A_1694 = arith.mulf %select_n3A_1693, %get3A_1685 : vector<16xf32>
    %add3A_1695 = arith.addf %add3A_1678, %mul3A_1694 : vector<16xf32>
    %get3A_1696 = arith.constant 25 : i32
    %get3A_1697 = arith.constant 1 : i32
    %get3A_1698 = arith.index_cast %get3A_1696 : i32 to index
    %get3A_1699 = arith.index_cast %get3A_1697 : i32 to index
    %get3A_1700 = arith.index_cast %and3A_625 : i32 to index
    %get3A_1701 = tpu.vector_load %arg8[%get3A_1698, %get3A_1699, %get3A_1700] {strides = array<i32>} : memref<32x8x128xf32, #tpu.memory_space<vmem>>, vector<1x1x16xf32>,
    %get3A_1702 = vector.shape_cast %get3A_1701 : vector<1x1x16xf32> to vector<16xf32>
    %eq3A_1703 = vector.broadcast %and3A_627 : i32 to vector<16xi32>
    %eq3A_1704 = arith.cmpi eq, %iota3A, %eq3A_1703 : vector<16xi32>
    %slice3A_1705 = vector.extract_strided_slice %get3A_1542 {offsets = [9], sizes = [1], strides = [1]} : vector<16xf32> to vector<1xf32>
    %squeeze3A_1706 = vector.extract %slice3A_1705[0] : f32 from vector<1xf32>
    %jit3A_1707 = arith.constant 0.000000e+00 : f32
    %broadcast_in_dim3A_1708 = vector.broadcast %squeeze3A_1706 : f32 to vector<16xf32>
    %broadcast_in_dim3A_1709 = vector.broadcast %jit3A_1707 : f32 to vector<16xf32>
    %select_n3A_1710 = arith.select %eq3A_1704, %broadcast_in_dim3A_1708, %broadcast_in_dim3A_1709 : vector<16xi1>, vector<16xf32>
    %mul3A_1711 = arith.mulf %select_n3A_1710, %get3A_1702 : vector<16xf32>
    %add3A_1712 = arith.addf %add3A_1695, %mul3A_1711 : vector<16xf32>
    %get3A_1713 = arith.constant 26 : i32
    %get3A_1714 = arith.constant 2 : i32
    %get3A_1715 = arith.index_cast %get3A_1713 : i32 to index
    %get3A_1716 = arith.index_cast %get3A_1714 : i32 to index
    %get3A_1717 = arith.index_cast %and3A_649 : i32 to index
    %get3A_1718 = tpu.vector_load %arg8[%get3A_1715, %get3A_1716, %get3A_1717] {strides = array<i32>} : memref<32x8x128xf32, #tpu.memory_space<vmem>>, vector<1x1x16xf32>,
    %get3A_1719 = vector.shape_cast %get3A_1718 : vector<1x1x16xf32> to vector<16xf32>
    %eq3A_1720 = vector.broadcast %and3A_651 : i32 to vector<16xi32>
    %eq3A_1721 = arith.cmpi eq, %iota3A, %eq3A_1720 : vector<16xi32>
    %slice3A_1722 = vector.extract_strided_slice %get3A_1542 {offsets = [10], sizes = [1], strides = [1]} : vector<16xf32> to vector<1xf32>
    %squeeze3A_1723 = vector.extract %slice3A_1722[0] : f32 from vector<1xf32>
    %jit3A_1724 = arith.constant 0.000000e+00 : f32
    %broadcast_in_dim3A_1725 = vector.broadcast %squeeze3A_1723 : f32 to vector<16xf32>
    %broadcast_in_dim3A_1726 = vector.broadcast %jit3A_1724 : f32 to vector<16xf32>
    %select_n3A_1727 = arith.select %eq3A_1721, %broadcast_in_dim3A_1725, %broadcast_in_dim3A_1726 : vector<16xi1>, vector<16xf32>
    %mul3A_1728 = arith.mulf %select_n3A_1727, %get3A_1719 : vector<16xf32>
    %add3A_1729 = arith.addf %add3A_1712, %mul3A_1728 : vector<16xf32>
    %get3A_1730 = arith.constant 27 : i32
    %get3A_1731 = arith.constant 3 : i32
    %get3A_1732 = arith.index_cast %get3A_1730 : i32 to index
    %get3A_1733 = arith.index_cast %get3A_1731 : i32 to index
    %get3A_1734 = arith.index_cast %and3A_673 : i32 to index
    %get3A_1735 = tpu.vector_load %arg8[%get3A_1732, %get3A_1733, %get3A_1734] {strides = array<i32>} : memref<32x8x128xf32, #tpu.memory_space<vmem>>, vector<1x1x16xf32>,
    %get3A_1736 = vector.shape_cast %get3A_1735 : vector<1x1x16xf32> to vector<16xf32>
    %eq3A_1737 = vector.broadcast %and3A_675 : i32 to vector<16xi32>
    %eq3A_1738 = arith.cmpi eq, %iota3A, %eq3A_1737 : vector<16xi32>
    %slice3A_1739 = vector.extract_strided_slice %get3A_1542 {offsets = [11], sizes = [1], strides = [1]} : vector<16xf32> to vector<1xf32>
    %squeeze3A_1740 = vector.extract %slice3A_1739[0] : f32 from vector<1xf32>
    %jit3A_1741 = arith.constant 0.000000e+00 : f32
    %broadcast_in_dim3A_1742 = vector.broadcast %squeeze3A_1740 : f32 to vector<16xf32>
    %broadcast_in_dim3A_1743 = vector.broadcast %jit3A_1741 : f32 to vector<16xf32>
    %select_n3A_1744 = arith.select %eq3A_1738, %broadcast_in_dim3A_1742, %broadcast_in_dim3A_1743 : vector<16xi1>, vector<16xf32>
    %mul3A_1745 = arith.mulf %select_n3A_1744, %get3A_1736 : vector<16xf32>
    %add3A_1746 = arith.addf %add3A_1729, %mul3A_1745 : vector<16xf32>
    %get3A_1747 = arith.constant 28 : i32
    %get3A_1748 = arith.constant 4 : i32
    %get3A_1749 = arith.index_cast %get3A_1747 : i32 to index
    %get3A_1750 = arith.index_cast %get3A_1748 : i32 to index
    %get3A_1751 = arith.index_cast %and3A_697 : i32 to index
    %get3A_1752 = tpu.vector_load %arg8[%get3A_1749, %get3A_1750, %get3A_1751] {strides = array<i32>} : memref<32x8x128xf32, #tpu.memory_space<vmem>>, vector<1x1x16xf32>,
    %get3A_1753 = vector.shape_cast %get3A_1752 : vector<1x1x16xf32> to vector<16xf32>
    %eq3A_1754 = vector.broadcast %and3A_699 : i32 to vector<16xi32>
    %eq3A_1755 = arith.cmpi eq, %iota3A, %eq3A_1754 : vector<16xi32>
    %slice3A_1756 = vector.extract_strided_slice %get3A_1542 {offsets = [12], sizes = [1], strides = [1]} : vector<16xf32> to vector<1xf32>
    %squeeze3A_1757 = vector.extract %slice3A_1756[0] : f32 from vector<1xf32>
    %jit3A_1758 = arith.constant 0.000000e+00 : f32
    %broadcast_in_dim3A_1759 = vector.broadcast %squeeze3A_1757 : f32 to vector<16xf32>
    %broadcast_in_dim3A_1760 = vector.broadcast %jit3A_1758 : f32 to vector<16xf32>
    %select_n3A_1761 = arith.select %eq3A_1755, %broadcast_in_dim3A_1759, %broadcast_in_dim3A_1760 : vector<16xi1>, vector<16xf32>
    %mul3A_1762 = arith.mulf %select_n3A_1761, %get3A_1753 : vector<16xf32>
    %add3A_1763 = arith.addf %add3A_1746, %mul3A_1762 : vector<16xf32>
    %get3A_1764 = arith.constant 29 : i32
    %get3A_1765 = arith.constant 5 : i32
    %get3A_1766 = arith.index_cast %get3A_1764 : i32 to index
    %get3A_1767 = arith.index_cast %get3A_1765 : i32 to index
    %get3A_1768 = arith.index_cast %and3A_721 : i32 to index
    %get3A_1769 = tpu.vector_load %arg8[%get3A_1766, %get3A_1767, %get3A_1768] {strides = array<i32>} : memref<32x8x128xf32, #tpu.memory_space<vmem>>, vector<1x1x16xf32>,
    %get3A_1770 = vector.shape_cast %get3A_1769 : vector<1x1x16xf32> to vector<16xf32>
    %eq3A_1771 = vector.broadcast %and3A_723 : i32 to vector<16xi32>
    %eq3A_1772 = arith.cmpi eq, %iota3A, %eq3A_1771 : vector<16xi32>
    %slice3A_1773 = vector.extract_strided_slice %get3A_1542 {offsets = [13], sizes = [1], strides = [1]} : vector<16xf32> to vector<1xf32>
    %squeeze3A_1774 = vector.extract %slice3A_1773[0] : f32 from vector<1xf32>
    %jit3A_1775 = arith.constant 0.000000e+00 : f32
    %broadcast_in_dim3A_1776 = vector.broadcast %squeeze3A_1774 : f32 to vector<16xf32>
    %broadcast_in_dim3A_1777 = vector.broadcast %jit3A_1775 : f32 to vector<16xf32>
    %select_n3A_1778 = arith.select %eq3A_1772, %broadcast_in_dim3A_1776, %broadcast_in_dim3A_1777 : vector<16xi1>, vector<16xf32>
    %mul3A_1779 = arith.mulf %select_n3A_1778, %get3A_1770 : vector<16xf32>
    %add3A_1780 = arith.addf %add3A_1763, %mul3A_1779 : vector<16xf32>
    %get3A_1781 = arith.constant 30 : i32
    %get3A_1782 = arith.constant 6 : i32
    %get3A_1783 = arith.index_cast %get3A_1781 : i32 to index
    %get3A_1784 = arith.index_cast %get3A_1782 : i32 to index
    %get3A_1785 = arith.index_cast %and3A_745 : i32 to index
    %get3A_1786 = tpu.vector_load %arg8[%get3A_1783, %get3A_1784, %get3A_1785] {strides = array<i32>} : memref<32x8x128xf32, #tpu.memory_space<vmem>>, vector<1x1x16xf32>,
    %get3A_1787 = vector.shape_cast %get3A_1786 : vector<1x1x16xf32> to vector<16xf32>
    %eq3A_1788 = vector.broadcast %and3A_747 : i32 to vector<16xi32>
    %eq3A_1789 = arith.cmpi eq, %iota3A, %eq3A_1788 : vector<16xi32>
    %slice3A_1790 = vector.extract_strided_slice %get3A_1542 {offsets = [14], sizes = [1], strides = [1]} : vector<16xf32> to vector<1xf32>
    %squeeze3A_1791 = vector.extract %slice3A_1790[0] : f32 from vector<1xf32>
    %jit3A_1792 = arith.constant 0.000000e+00 : f32
    %broadcast_in_dim3A_1793 = vector.broadcast %squeeze3A_1791 : f32 to vector<16xf32>
    %broadcast_in_dim3A_1794 = vector.broadcast %jit3A_1792 : f32 to vector<16xf32>
    %select_n3A_1795 = arith.select %eq3A_1789, %broadcast_in_dim3A_1793, %broadcast_in_dim3A_1794 : vector<16xi1>, vector<16xf32>
    %mul3A_1796 = arith.mulf %select_n3A_1795, %get3A_1787 : vector<16xf32>
    %add3A_1797 = arith.addf %add3A_1780, %mul3A_1796 : vector<16xf32>
    %get3A_1798 = arith.constant 31 : i32
    %get3A_1799 = arith.constant 7 : i32
    %get3A_1800 = arith.index_cast %get3A_1798 : i32 to index
    %get3A_1801 = arith.index_cast %get3A_1799 : i32 to index
    %get3A_1802 = arith.index_cast %and3A_769 : i32 to index
    %get3A_1803 = tpu.vector_load %arg8[%get3A_1800, %get3A_1801, %get3A_1802] {strides = array<i32>} : memref<32x8x128xf32, #tpu.memory_space<vmem>>, vector<1x1x16xf32>,
    %get3A_1804 = vector.shape_cast %get3A_1803 : vector<1x1x16xf32> to vector<16xf32>
    %eq3A_1805 = vector.broadcast %and3A_771 : i32 to vector<16xi32>
    %eq3A_1806 = arith.cmpi eq, %iota3A, %eq3A_1805 : vector<16xi32>
    %slice3A_1807 = vector.extract_strided_slice %get3A_1542 {offsets = [15], sizes = [1], strides = [1]} : vector<16xf32> to vector<1xf32>
    %squeeze3A_1808 = vector.extract %slice3A_1807[0] : f32 from vector<1xf32>
    %jit3A_1809 = arith.constant 0.000000e+00 : f32
    %broadcast_in_dim3A_1810 = vector.broadcast %squeeze3A_1808 : f32 to vector<16xf32>
    %broadcast_in_dim3A_1811 = vector.broadcast %jit3A_1809 : f32 to vector<16xf32>
    %select_n3A_1812 = arith.select %eq3A_1806, %broadcast_in_dim3A_1810, %broadcast_in_dim3A_1811 : vector<16xi1>, vector<16xf32>
    %mul3A_1813 = arith.mulf %select_n3A_1812, %get3A_1804 : vector<16xf32>
    %add3A_1814 = arith.addf %add3A_1797, %mul3A_1813 : vector<16xf32>
    %swap3A = arith.constant 0 : index
    %swap3A_1815 = tpu.vector_load %arg9[%swap3A] {strides = array<i32>} : memref<16xf32, #tpu.memory_space<vmem>>, vector<16xf32>,
    %swap3A_1816 = vector.shape_cast %swap3A_1815 : vector<16xf32> to vector<16xf32>
    %swap3A_1817 = vector.shape_cast %add3A_1814 : vector<16xf32> to vector<16xf32>
    tpu.vector_store %arg9[%swap3A], %swap3A_1817 {strides = array<i32>} : memref<16xf32, #tpu.memory_space<vmem>>, vector<16xf32>,
    %mul3A_1818 = arith.constant 16 : i32
    %mul3A_1819 = arith.muli %add3A, %mul3A_1818 : i32
    "tpu.region"() ({
      %run_scoped3A = tpu.sem_alloc : memref<!tpu.dma_semaphore, #tpu.memory_space<semaphore_mem>>
      %dma_start3A_1820 = tpu.memref_slice %arg5[%mul3A_1819] : memref<512xf32, #tpu.memory_space<hbm>> -> memref<16xf32, #tpu.memory_space<hbm>>
      %dma_start3A_1821 = tpu.memref_slice %arg5[%mul3A_1819] : memref<512xf32, #tpu.memory_space<hbm>> -> memref<16xf32, #tpu.memory_space<hbm>>
      tpu.enqueue_dma source(%arg9 : memref<16xf32, #tpu.memory_space<vmem>>) target(%dma_start3A_1821 : memref<16xf32, #tpu.memory_space<hbm>>) target_semaphore(%run_scoped3A : memref<!tpu.dma_semaphore, #tpu.memory_space<semaphore_mem>>)
      %dma_wait3A_1822 = tpu.memref_slice %arg5[%mul3A_1819] : memref<512xf32, #tpu.memory_space<hbm>> -> memref<16xf32, #tpu.memory_space<hbm>>
      %dma_wait3A_1823 = tpu.memref_slice %arg5[%mul3A_1819] : memref<512xf32, #tpu.memory_space<hbm>> -> memref<16xf32, #tpu.memory_space<hbm>>
      tpu.wait_dma2 semaphore(%run_scoped3A : memref<!tpu.dma_semaphore, #tpu.memory_space<semaphore_mem>>) src(%arg9 : memref<16xf32, #tpu.memory_space<vmem>>) dst(%dma_wait3A_1823 : memref<16xf32, #tpu.memory_space<hbm>>)
      tpu.yield
    }) : () -> ()
    return
  }
}

</mosaic_0001>

<sc_bundles>
// kernel: _pg_loss_sc.3.cloned.1.call-start
scs
__scs_entry_jumppad:
0x0: {  	(pc) =	sbr.rel $0x88, $3  }
0x1: {  	(tag) =	ssettag $0x0;
	lr =	simm.s32 $0x1  }
0x2: {  	[smem:$0x3F9E] =	sst lr;
	_ =	strace $0xD0000000  }
0x3: {  	_ = 	snop  }
0x4: {  	_ = 	snop  }
0x5: {  	_ = 	snop  }
0x6: {  	_ = 	snop  }
0x7: {  	_ = 	snop  }
__scs_overlays_trampoline_lowered:
0x8: {  	[smem:$0x3FAD] =	sst s0  }
0x9: {  	[smem:$0x3FAE] =	sst s1  }
0xa: {  	[smem:$0x3FAF] =	sst s2  }
0xb: {  	[smem:$0x3FB0] =	sst s3  }
0xc: {  	[smem:$0x3FB1] =	sst s4  }
0xd: {  	[smem:$0x3FB2] =	sst s5  }
0xe: {  	[smem:$0x3FB3] =	sst s6  }
0xf: {  	[smem:$0x3FB4] =	sst s7  }
0x10: {  	[smem:$0x3FB5] =	sst s8  }
0x11: {  	[smem:$0x3FB6] =	sst s9;
	s0 =	simm.s32 @!p0 $0x0  }
0x12: {  	s1 =	sld [smem:$0x3F9C];
	s0 =	simm.s32 @p0 $0x1  }
0x13: {  	[smem:$0x3FB7] =	sst s0;
	s0 =	simm.s32 @!p1 $0x0  }
0x14: {  	s2 =	sld [smem:$0x3F9B];
	s0 =	simm.s32 @p1 $0x1  }
0x15: {  	[smem:$0x3FB8] =	sst s0;
	s0 =	simm.s32 @!p2 $0x0  }
0x16: {  	s3 =	sld [smem:$0x3FDB];
	s0 =	simm.s32 @p2 $0x1  }
0x17: {  	s4 =	simm.s32 $0x1BF5;
	[smem:$0x3FBA] =	sst s0  }
0x18: {  	s0 =	sld [smem:$0x3F9D];
	_ =	swait.ge [sflag:s4], $0x0  }
0x19: {  	s7 =	sld [smem:$0x3F9E]  }
0x1a: {  	s8 =	sadd.s32 $0xFFFFE003, lr  }
0x1b: {  	s9 =	sadd.s32 $0xFFFFFEF7, lr;
	s5 =	simm.s32 $0xFFFFFFFF;
	p2 =	slt.u32 s8, $0xFFFFF086  }
0x1c: {  	p1 =	slt.u32 s9, $0xF7A;
	s5 =	simm.s32 @!p2 $0x0  }
0x1d: {  	s5 =	simm.s32 @p1 $0x1;
	p0 =	seq.s32 s7, s2  }
0x1e: {  	s7 =	smul.u32 @!p0 $0xF7A, s2;
	p2 =	seq.s32 @!p0 s5, $0x0  }
0x1f: {  	s9 =	smul.u32 $0xF7A, s1;
	s8 =	simm.s32 @!p0 $0x1BF5;
	p2 =	por !p2, p0  }
0x20: {  	[sflag:s8] =	ssyncset.s32 @!p0 $0xFFFFF086;
	s6 =	sadd.s32 @!p0 s3, s7;
	s7 =	simm.s32 @!p0 $0x108  }
0x21: {  	s3 =	sadd.s32 s3, s9;
	s6 =	sadd.s32 @!p0 $0x88, s6;
	s7 =	simm.s32 @p2 $0x1082  }
0x22: {  	[simem:s7], [sflag:s8] =	dma.local @!p0 [hbm:s6], $0xF7A  }
0x23: {  	s9 =	sor.u32 $0xD0000000, s2;
	s6 =	simm.s32 $0x108;
	_ =	swait.ge @!p0 [sflag:s8], $0x0  }
0x24: {  	s3 =	sadd.s32 $0x88, s3;
	s6 =	simm.s32 @!p1 $0x1082;
	[sflag:s4] =	ssyncset.s32 $0xFFFFF086  }
0x25: {  	[simem:s6], [sflag:s4] =	dma.local [hbm:s3], $0xF7A  }
0x26: {  	[smem:$0x3F9E] =	sst s1;
	(tag) =	ssettag s2;
	_ =	strace s9  }
0x27: {  	s1 =	sld [smem:$0x3FAE]  }
0x28: {  	s2 =	sld [smem:$0x3FAF]  }
0x29: {  	s4 =	sld [smem:$0x3FB1]  }
0x2a: {  	p0 =	seq.s32 s5, $0x0;
	s5 =	sld [smem:$0x3FB2]  }
0x2b: {  	s6 =	sld [smem:$0x3FB3]  }
0x2c: {  	s7 =	sld [smem:$0x3FB4]  }
0x2d: {  	s3 =	simm.s32 $0x108;
	s8 =	sld [smem:$0x3FB5]  }
0x2e: {  	s3 =	simm.s32 @!p0 $0x1082;
	s9 =	sld [smem:$0x3FB6]  }
0x2f: {  	lr =	sadd.s32 s0, s3;
	s0 =	sld [smem:$0x3FAD]  }
0x30: {  	s3 =	sld [smem:$0x3FB0]  }
0x31: {  	[smem:$0x3FB9] =	sst s10  }
0x32: {  	s10 =	sld [smem:$0x3FB7];
	_ =	sdelay $0x3  }
0x33: {  	p0 =	seq.s32 s10, $0x1;
	s10 =	sld [smem:$0x3FB9];
	_ =	sdelay $0x3  }
0x34: {  	[smem:$0x3FB9] =	sst s10  }
0x35: {  	s10 =	sld [smem:$0x3FB8];
	_ =	sdelay $0x3  }
0x36: {  	p1 =	seq.s32 s10, $0x1;
	s10 =	sld [smem:$0x3FB9];
	_ =	sdelay $0x3  }
0x37: {  	[smem:$0x3FB9] =	sst s10  }
0x38: {  	s10 =	sld [smem:$0x3FBA]  }
0x39: {  	_ = 	snop;
	(pc) =	sbr.ind lr, $3  }
0x3a: {  	_ = 	snop  }
0x3b: {  	_ = 	snop  }
0x3c: {  	p2 =	seq.s32 s10, $0x1;
	s10 =	sld [smem:$0x3FB9]  }
0x3d: {  	_ =	shalt  }
0x3e: {  	_ =	shalt  }
0x3f: {  	_ =	shalt  }
0x40: {  	_ =	shalt  }
0x41: {  	_ =	shalt  }
0x42: {  	_ =	shalt  }
0x43: {  	_ =	shalt  }
0x44: {  	_ =	shalt  }
0x45: {  	_ =	shalt  }
0x46: {  	_ =	shalt  }
0x47: {  	_ =	shalt  }
0x48: {  	_ =	shalt  }
0x49: {  	_ =	shalt  }
0x4a: {  	_ =	shalt  }
0x4b: {  	_ =	shalt  }
0x4c: {  	_ =	shalt  }
0x4d: {  	_ =	shalt  }
0x4e: {  	_ =	shalt  }
0x4f: {  	_ =	shalt  }
0x50: {  	_ =	shalt  }
0x51: {  	_ =	shalt  }
0x52: {  	_ =	shalt  }
0x53: {  	_ =	shalt  }
0x54: {  	_ =	shalt  }
0x55: {  	_ =	shalt  }
0x56: {  	_ =	shalt  }
0x57: {  	_ =	shalt  }
0x58: {  	_ =	shalt  }
0x59: {  	_ =	shalt  }
0x5a: {  	_ =	shalt  }
0x5b: {  	_ =	shalt  }
0x5c: {  	_ =	shalt  }
0x5d: {  	_ =	shalt  }
0x5e: {  	_ =	shalt  }
0x5f: {  	_ =	shalt  }
0x60: {  	_ =	shalt  }
0x61: {  	_ =	shalt  }
0x62: {  	_ =	shalt  }
0x63: {  	_ =	shalt  }
0x64: {  	_ =	shalt  }
0x65: {  	_ =	shalt  }
0x66: {  	_ =	shalt  }
0x67: {  	_ =	shalt  }
0x68: {  	_ =	shalt  }
0x69: {  	_ =	shalt  }
0x6a: {  	_ =	shalt  }
0x6b: {  	_ =	shalt  }
0x6c: {  	_ =	shalt  }
0x6d: {  	_ =	shalt  }
0x6e: {  	_ =	shalt  }
0x6f: {  	_ =	shalt  }
0x70: {  	_ =	shalt  }
0x71: {  	_ =	shalt  }
0x72: {  	_ =	shalt  }
0x73: {  	_ =	shalt  }
0x74: {  	_ =	shalt  }
0x75: {  	_ =	shalt  }
0x76: {  	_ =	shalt  }
0x77: {  	_ =	shalt  }
0x78: {  	_ =	shalt  }
0x79: {  	_ =	shalt  }
0x7a: {  	_ =	shalt  }
0x7b: {  	_ =	shalt  }
0x7c: {  	_ =	shalt  }
0x7d: {  	_ =	shalt  }
0x7e: {  	_ =	shalt  }
0x7f: {  	_ =	shalt  }
0x80: {  	_ =	shalt  }
0x81: {  	_ =	shalt  }
0x82: {  	_ =	shalt  }
0x83: {  	_ =	shalt  }
0x84: {  	_ =	shalt  }
0x85: {  	_ =	shalt  }
0x86: {  	_ =	shalt  }
0x87: {  	_ =	shalt  }
.Lfunc_end0:
.L_simem_size_0:
called_computation_lowered:
.L_overlay_start_0:
0x88: {  	s2 =	sld [smem:$0x3FD9]  }
0x89: {  	s3 =	sld [smem:$0x3FFE];
	_ =	sdelay $0x1  }
0x8a: {  	s1 =	srdreg.scid  }
0x8b: {  	s0 =	sand.u32 $0x1, s1  }
0x8c: {  	s18 =	sshll.u32 s0, $0xA;
	s2 =	sadd.s32 s3, s2  }
0x8d: {  	s2 =	sadd.s32 s2, s18  }
0x8e: {  	[smem:$0x3FC5] =	sst s2  }
0x8f: {  	_ = 	snop  }
0x90: {  	s2 =	sld [smem:$0x3FC9]  }
0x91: {  	s19 =	sld [smem:$0x3FC8]  }
0x92: {  	s4 =	sld [smem:$0x3FC7]  }
0x93: {  	s5 =	sld [smem:$0x3FD0];
	(tm) =	ssettm $0x1  }
0x94: {  	s6 =	sld [smem:$0x3FFB];
	_ =	sdelay $0x3  }
0x95: {  	_ =	strace s6  }
0x96: {  	s6 =	sld [smem:$0x3FFC];
	_ =	sdelay $0x3  }
0x97: {  	_ =	strace s6  }
0x98: {  	s6 =	sld [smem:$0x3FFD];
	_ =	sdelay $0x3  }
0x99: {  	_ =	strace s6  }
0x9a: {  	_ =	strace $0x8FFFFFFF  }
0x9b: {  	s20 =	sld [smem:$0x3FDB];
	_ =	sdelay $0x1  }
0x9c: {  	s7 =	simm.s32 $_scs_section_size  }
0x9d: {  	s8 =	simm.s32 $_size__tile_overlayer_lowered;
	s9 =	simm.s32 $_tile_overlayer_lowered  }
0x9e: {  	s23 =	simm.s32 $0x1BFF;
	s22 =	sshll.u32 s9, $0x1;
	s6 =	sadd.s32 s7, s20  }
0x9f: {  	s10 =	simm.s32 $0x0;
	s21 =	sshll.u32 s8, $0x1;
	s8 =	sadd.s32 s22, s6  }
0xa0: {  	[timem:s10], [sflag:s23] =	dma.local [hbm:s8], s21  }
0xa1: {  	_ =	swait.ge [sflag:s23], s21  }
0xa2: {  	s7 =	ssub.s32 $0x0, s21;
	[sflag:s23] =	ssyncset.done $0x0  }
0xa3: {  	[sflag:s23] =	ssyncadd.s32 s7;
	_ =	sdelay $0x1  }
0xa4: {  	s24 =	simm.s32 $0x1B8B  }
0xa5: {  	_ =	swait.ge [sflag:s24], $0x1  }
0xa6: {  	[sflag:s24] =	ssyncset.done $0x0  }
0xa7: {  	s25 =	simm.s32 $0x1B8E;
	[sflag:s24] =	ssyncadd.s32 $0xFFFFFFFF  }
0xa8: {  	s26 =	simm.s32 $execute0_lowered;
	[smem:$0x3FD2] =	sst s25  }
0xa9: {  	s7 =	sshll.u32 s26, $0x1;
	_ =	strace $0x80000046;
	[dreg:$0x1] =	wrdreg $0xFFFFFFFF  }
0xaa: {  	s28 =	simm.s32 $_size_execute0_lowered;
	s6 =	sadd.s32 s6, s7;
	[dreg:$0x0] =	wrdreg $0x0  }
0xab: {  	s7 =	sshll.u32 s28, $0x1;
	[dreg:$0x2] =	wrdreg s6  }
0xac: {  	[dreg:$0x3] =	wrdreg s7  }
0xad: {  	[dreg:$0x4] =	wrdreg $0xC0  }
0xae: {  	_ =	task [dreg:s10], $0x5FFFF  }
0xaf: {  	[dreg:$0x1] =	wrdreg $0xFFFFFFFF  }
0xb0: {  	[dreg:$0x0] =	wrdreg $0x60  }
0xb1: {  	[dreg:$0x2] =	wrdreg s2  }
0xb2: {  	[dreg:$0x3] =	wrdreg s19  }
0xb3: {  	[dreg:$0x4] =	wrdreg s4  }
0xb4: {  	[dreg:$0x5] =	wrdreg s5  }
0xb5: {  	[dreg:$0x6] =	wrdreg $0x9  }
0xb6: {  	_ =	task.clear_ibuf [dreg:s10], $0x7FFFF;
	_ =	strace $0x90000046  }
0xb7: {  	s29 =	simm.s32 $0x9;
	_ =	strace $0x80000048  }
0xb8: {  	_ =	swait.ge [sflag:s29], $0x1  }
0xb9: {  	[sflag:s29] =	ssyncadd.s32 $0xFFFFFFFF  }
0xba: {  	_ =	strace $0x90000048  }
0xbb: {  	_ =	sfence  }
0xbc: {  	s30 =	sld [smem:$0x0];
	_ =	sdelay $0x2  }
0xbd: {  	s31 =	sshll.u32 s1, $0xD;
	s1 =	sshrl.u32 s1, $0x2  }
0xbe: {  	s3 =	sand.u32 $0x4000, s31;
	s1 =	sadd.s32 s1, s30  }
0xbf: {  	s0 =	sor.u32 s3, s0;
	s1 =	sshll.u32 s1, $0x11  }
0xc0: {  	s0 =	sor.u32 s1, s0  }
0xc1: {  	s0 =	sadd.s32 $0x8F2B, s0  }
0xc2: {  	[sflag:s0] =	ssyncadd.remote.s32 $0x1  }
0xc3: {  	_ =	sfence.sel $0xFFFF  }
0xc4: {  	[dreg:$0x0] =	wrdreg $0xFFFFFFFF;
	(pc) =	sbr.abs _section_cstart, $3  }
0xc5: {  	[dreg:$0x1] =	wrdreg $0xFFFFFFFF  }
0xc6: {  	_ =	task.clear_ibuf [dreg:s10], $0x2FFFF;
	_ =	strace $0x9FFFFFFF  }
0xc7: {  	(tm) =	ssettm $0x7FFFFFFF  }
tec
execute0_lowered:
.L_overlay_start_1:
0x0: {  	(tag) =	ssettag $0x1  }
0x1: {  	s0 =	rddreg [dreg:$0x0]  }
0x2: {  	s4 =	rddreg [dreg:$0x1]  }
0x3: {  	s5 =	rddreg [dreg:$0x2]  }
0x4: {  	s6 =	rddreg [dreg:$0x3];
	s3 =	simm.s32 $0x0  }
0x5: {  	s19 =	simm.s32 $0x80;
	[smem:$0x7FF] =	sst s3  }
0x6: {  	s20 =	simm.s32 $0x100;
	_ =	strace $0x80000047;
	[dreg:$0x8] =	wrdreg s19  }
0x7: {  	s21 =	simm.s32 $0x500;
	[dreg:$0x9] =	wrdreg s20  }
0x8: {  	s22 =	simm.s32 $0x900;
	[dreg:$0xa] =	wrdreg s21  }
0x9: {  	s23 =	simm.s32 $0xD00;
	[dreg:$0xb] =	wrdreg s22  }
0xa: {  	s24 =	simm.s32 $0x1100;
	[dreg:$0xc] =	wrdreg s23  }
0xb: {  	s25 =	simm.s32 $0x1500;
	[dreg:$0xd] =	wrdreg s24  }
0xc: {  	s26 =	simm.s32 $0x1900;
	[dreg:$0xe] =	wrdreg s25  }
0xd: {  	s28 =	simm.s32 $0x1D00;
	[dreg:$0xf] =	wrdreg s26  }
0xe: {  	s29 =	simm.s32 $0x2100;
	[dreg:$0x10] =	wrdreg s28  }
0xf: {  	s30 =	simm.s32 $0x2500;
	[dreg:$0x11] =	wrdreg s29  }
0x10: {  	s31 =	simm.s32 $0x2900;
	[dreg:$0x12] =	wrdreg s30  }
0x11: {  	s8 =	simm.s32 $0x3900;
	[dreg:$0x13] =	wrdreg s31  }
0x12: {  	s9 =	simm.s32 $0x3D00;
	[dreg:$0x17] =	wrdreg s8  }
0x13: {  	s10 =	simm.s32 $0x4100;
	[dreg:$0x18] =	wrdreg s9  }
0x14: {  	s11 =	simm.s32 $0x4500;
	[dreg:$0x19] =	wrdreg s10  }
0x15: {  	s12 =	simm.s32 $0x4900;
	[dreg:$0x1a] =	wrdreg s11  }
0x16: {  	s13 =	simm.s32 $0x4D00;
	[dreg:$0x1b] =	wrdreg s12  }
0x17: {  	s14 =	simm.s32 $0x5100;
	[dreg:$0x1c] =	wrdreg s13  }
0x18: {  	s15 =	simm.s32 $0x5500;
	[dreg:$0x1d] =	wrdreg s14  }
0x19: {  	[dreg:$0x1e] =	wrdreg s15;
	s19 =	simm.s32 $0x6500  }
0x1a: {  	s21 =	simm.s32 $0x6900;
	[smem:$0x7F2] =	sst s19  }
0x1b: {  	s1 =	srdreg.scid;
	s23 =	simm.s32 $0x6D00;
	[smem:$0x7F3] =	sst s21  }
0x1c: {  	s7 =	stileid.u32;
	s24 =	simm.s32 $0x7100;
	[smem:$0x7F4] =	sst s23  }
0x1d: {  	s1 =	sand.u32 $0x1, s1;
	s26 =	simm.s32 $0x7500;
	[smem:$0x7F6] =	sst s24  }
0x1e: {  	s2 =	sshll.u32 s1, $0x4;
	s29 =	simm.s32 $0x7900;
	[smem:$0x7F8] =	sst s26  }
0x1f: {  	s30 =	simm.s32 $0x7D00;
	s2 =	sor.u32 s7, s2;
	[smem:$0x7FB] =	sst s29  }
0x20: {  	s31 =	simm.s32 $0x8100;
	[smem:$0x7FC] =	sst s30;
	s7 =	sshll.u32 s2, $0x2  }
0x21: {  	[smem:$0x7FD] =	sst s31;
	s4 =	sadd.s32 s4, s7  }
0x22: {  	s17 =	sshll.u32 s2, $0x1;
	s16 =	sadd.s32 s5, s7;
	[dreg:$0x5] =	wrdreg s4  }
0x23: {  	s18 =	sadd.s32 s6, s17;
	[dreg:$0x6] =	wrdreg s16  }
0x24: {  	s5 =	simm.s32 $0x2D00;
	[dreg:$0x7] =	wrdreg s18  }
0x25: {  	s6 =	simm.s32 $0x3100;
	[dreg:$0x14] =	wrdreg s5  }
0x26: {  	s7 =	simm.s32 $0x3500;
	[dreg:$0x15] =	wrdreg s6  }
0x27: {  	s22 =	smul.u32 $0x30E000, s2;
	s17 =	simm.s32 $0x5D00;
	[dreg:$0x16] =	wrdreg s7  }
0x28: {  	[smem:$0x7F0] =	sst s17  }
0x29: {  	s16 =	simm.s32 $0x5900;
	[smem:$0x7F9] =	sst s22  }
0x2a: {  	s18 =	simm.s32 $0x6100;
	[dreg:$0x1f] =	wrdreg s16  }
0x2b: {  	s1 =	ssub.s32 $0x2, s1;
	s25 =	sadd.s32 $0xC3800, s22;
	[smem:$0x7F1] =	sst s18  }
0x2c: {  	s20 =	sshrl.u32 s1, $0x1;
	s28 =	sadd.s32 $0x187000, s22;
	[smem:$0x7F5] =	sst s25  }
0x2d: {  	s1 =	ssub.s32 s1, s20;
	s4 =	sadd.s32 $0x24A800, s22;
	[smem:$0x7F7] =	sst s28  }
0x2e: {  	v0 =	vlaneseq.u32;
	s9 =	simm.s32 $0x1;
	s5 =	smax.u32 s1, $0x1;
	[smem:$0x7FA] =	sst s4  }
.LBB2_1:
0x2f: {  	[smem:$0x7EE] =	sst s5  }
0x30: {  	s1 =	rddreg [dreg:$0x5]  }
0x31: {  	s2 =	rddreg [dreg:$0x6]  }
0x32: {  	[tilespmem:s3], [sflag:$0x1] =	stream.linear.gather [hbm4b:s1+s3], $0x20, $0x38;
	[tilespmem:$0x8180] =	vst v63  }
0x33: {  	s8 =	rddreg [dreg:$0x8]  }
0x34: {  	[tilespmem:s8], [sflag:$0x1] =	stream.linear.gather [hbm4b:s2+s3], $0x20, $0x38;
	[tilespmem:$0x8180] =	vst v63  }
0x35: {  	_ =	swait.ge [sflag:s9], $0x20  }
0x36: {  	[sflag:s9] =	ssyncset.done $0x0  }
0x37: {  	[sflag:s9] =	ssyncadd.s32 $0xFFFFFFE0  }
0x38: {  	_ =	swait.ge [sflag:s9], $0x20  }
0x39: {  	[sflag:s9] =	ssyncset.done $0x0  }
0x3a: {  	[sflag:s9] =	ssyncadd.s32 $0xFFFFFFE0  }
0x3b: {  	v1 =	vld [tilespmem:$0x0];
	_ =	sdelay $0x4  }
0x3c: {  	(v2sf) =	vpush v1, $0x0;
	_ =	sdelay $0x3  }
0x3d: {  	(v2sf) =	vpush v1, $0x1;
	_ =	sdelay $0x4  }
0x3e: {  	(v2sf) =	vpush v1, $0x2;
	_ =	sdelay $0x5  }
0x3f: {  	s4 =	sld [smem:$0x7F9];
	s7 =	spop (v2sf)  }
0x40: {  	s23 =	sshll.u32 s7, $0x3  }
0x41: {  	(v2sf) =	vpush v1, $0x3;
	s1 =	sand.u32 $0x7FFFFC00, s23  }
0x42: {  	s1 =	sadd.s32 s4, s1  }
0x43: {  	s20 =	spop (v2sf);
	s1 =	sshrl.u32 s1, $0x3  }
0x44: {  	s24 =	rddreg [dreg:$0x9];
	s25 =	sshll.u32 s20, $0x3;
	s1 =	sadd.s32 s0, s1  }
0x45: {  	(v2sf) =	vpush v1, $0x4;
	[tilespmem:s24], [sflag:$0x1] =	stream.linear.gather [hbm4b:s1+s3], $0x400, $0x38;
	[tilespmem:$0x8180] =	vst v63  }
0x46: {  	s1 =	sand.u32 $0x7FFFFC00, s25  }
0x47: {  	s1 =	sadd.s32 s4, s1  }
0x48: {  	s21 =	spop (v2sf);
	s1 =	sshrl.u32 s1, $0x3  }
0x49: {  	s26 =	rddreg [dreg:$0xa];
	s28 =	sshll.u32 s21, $0x3;
	s1 =	sadd.s32 s0, s1  }
0x4a: {  	(v2sf) =	vpush v1, $0x5;
	[tilespmem:s26], [sflag:$0x1] =	stream.linear.gather [hbm4b:s1+s3], $0x400, $0x38;
	[tilespmem:$0x8180] =	vst v63  }
0x4b: {  	s1 =	sand.u32 $0x7FFFFC00, s28  }
0x4c: {  	s1 =	sadd.s32 s4, s1  }
0x4d: {  	s1 =	sshrl.u32 s1, $0x3  }
0x4e: {  	s29 =	rddreg [dreg:$0xb];
	s1 =	sadd.s32 s0, s1  }
0x4f: {  	[tilespmem:s29], [sflag:$0x1] =	stream.linear.gather [hbm4b:s1+s3], $0x400, $0x38;
	[tilespmem:$0x8180] =	vst v63  }
0x50: {  	s6 =	spop (v2sf)  }
0x51: {  	s30 =	sshll.u32 s6, $0x3  }
0x52: {  	(v2sf) =	vpush v1, $0x6;
	s1 =	sand.u32 $0x7FFFFC00, s30  }
0x53: {  	s1 =	sadd.s32 s4, s1  }
0x54: {  	s23 =	spop (v2sf);
	s1 =	sshrl.u32 s1, $0x3  }
0x55: {  	s31 =	rddreg [dreg:$0xc];
	s5 =	sshll.u32 s23, $0x3;
	s1 =	sadd.s32 s0, s1  }
0x56: {  	(v2sf) =	vpush v1, $0x7;
	[tilespmem:s31], [sflag:$0x1] =	stream.linear.gather [hbm4b:s1+s3], $0x400, $0x38;
	[tilespmem:$0x8180] =	vst v63  }
0x57: {  	s1 =	sand.u32 $0x7FFFFC00, s5  }
0x58: {  	s1 =	sadd.s32 s4, s1  }
0x59: {  	s24 =	spop (v2sf);
	s1 =	sshrl.u32 s1, $0x3  }
0x5a: {  	s8 =	rddreg [dreg:$0xd];
	s10 =	sshll.u32 s24, $0x3;
	s1 =	sadd.s32 s0, s1  }
0x5b: {  	(v2sf) =	vpush v1, $0x8;
	[tilespmem:s8], [sflag:$0x1] =	stream.linear.gather [hbm4b:s1+s3], $0x400, $0x38;
	[tilespmem:$0x8180] =	vst v63  }
0x5c: {  	s1 =	sand.u32 $0x7FFFFC00, s10  }
0x5d: {  	s1 =	sadd.s32 s4, s1  }
0x5e: {  	s1 =	sshrl.u32 s1, $0x3  }
0x5f: {  	s11 =	rddreg [dreg:$0xe];
	s1 =	sadd.s32 s0, s1  }
0x60: {  	[tilespmem:s11], [sflag:$0x1] =	stream.linear.gather [hbm4b:s1+s3], $0x400, $0x38;
	[tilespmem:$0x8180] =	vst v63  }
0x61: {  	s25 =	spop (v2sf)  }
0x62: {  	s12 =	sshll.u32 s25, $0x3  }
0x63: {  	(v2sf) =	vpush v1, $0x9;
	s1 =	sand.u32 $0x7FFFFC00, s12  }
0x64: {  	s1 =	sadd.s32 s4, s1  }
0x65: {  	s26 =	spop (v2sf);
	s1 =	sshrl.u32 s1, $0x3  }
0x66: {  	s13 =	rddreg [dreg:$0xf];
	s14 =	sshll.u32 s26, $0x3;
	s1 =	sadd.s32 s0, s1  }
0x67: {  	(v2sf) =	vpush v1, $0xA;
	[tilespmem:s13], [sflag:$0x1] =	stream.linear.gather [hbm4b:s1+s3], $0x400, $0x38;
	[tilespmem:$0x8180] =	vst v63  }
0x68: {  	s1 =	sand.u32 $0x7FFFFC00, s14  }
0x69: {  	s1 =	sadd.s32 s4, s1  }
0x6a: {  	s15 =	rddreg [dreg:$0x10];
	s28 =	spop (v2sf);
	s1 =	sshrl.u32 s1, $0x3  }
0x6b: {  	s5 =	sld [smem:$0x7F5];
	s16 =	sshll.u32 s28, $0x3;
	s1 =	sadd.s32 s0, s1  }
0x6c: {  	[tilespmem:s15], [sflag:$0x1] =	stream.linear.gather [hbm4b:s1+s3], $0x400, $0x38;
	[tilespmem:$0x8180] =	vst v63  }
0x6d: {  	s1 =	sand.u32 $0x7FFFFC00, s16  }
0x6e: {  	s1 =	sadd.s32 s1, s5  }
0x6f: {  	(v2sf) =	vpush v1, $0xB;
	s1 =	sshrl.u32 s1, $0x3  }
0x70: {  	s17 =	rddreg [dreg:$0x11];
	s1 =	sadd.s32 s0, s1  }
0x71: {  	[tilespmem:s17], [sflag:$0x1] =	stream.linear.gather [hbm4b:s1+s3], $0x400, $0x38;
	[tilespmem:$0x8180] =	vst v63  }
0x72: {  	s22 =	spop (v2sf)  }
0x73: {  	s18 =	sshll.u32 s22, $0x3  }
0x74: {  	(v2sf) =	vpush v1, $0xC;
	s1 =	sand.u32 $0x7FFFFC00, s18  }
0x75: {  	s1 =	sadd.s32 s1, s5  }
0x76: {  	s30 =	spop (v2sf);
	s1 =	sshrl.u32 s1, $0x3  }
0x77: {  	s19 =	rddreg [dreg:$0x12];
	s29 =	sshll.u32 s30, $0x3;
	s1 =	sadd.s32 s0, s1  }
0x78: {  	[tilespmem:s19], [sflag:$0x1] =	stream.linear.gather [hbm4b:s1+s3], $0x400, $0x38;
	[tilespmem:$0x8180] =	vst v63  }
0x79: {  	s1 =	sand.u32 $0x7FFFFC00, s29  }
0x7a: {  	(v2sf) =	vpush v1, $0xD;
	s1 =	sadd.s32 s1, s5  }
0x7b: {  	s1 =	sshrl.u32 s1, $0x3  }
0x7c: {  	s31 =	rddreg [dreg:$0x13];
	s1 =	sadd.s32 s0, s1  }
0x7d: {  	[tilespmem:s31], [sflag:$0x1] =	stream.linear.gather [hbm4b:s1+s3], $0x400, $0x38;
	[tilespmem:$0x8180] =	vst v63  }
0x7e: {  	s31 =	spop (v2sf)  }
0x7f: {  	s4 =	sshll.u32 s31, $0x3  }
0x80: {  	(v2sf) =	vpush v1, $0xE;
	s1 =	sand.u32 $0x7FFFFC00, s4  }
0x81: {  	s1 =	sadd.s32 s1, s5  }
0x82: {  	s1 =	sshrl.u32 s1, $0x3  }
0x83: {  	s8 =	rddreg [dreg:$0x14];
	s1 =	sadd.s32 s0, s1;
	s10 =	spop (v2sf)  }
0x84: {  	[tilespmem:s8], [sflag:$0x1] =	stream.linear.gather [hbm4b:s1+s3], $0x400, $0x38;
	[tilespmem:$0x8180] =	vst v63  }
0x85: {  	s1 =	sshll.u32 s10, $0x3  }
0x86: {  	(v2sf) =	vpush v1, $0xF;
	s1 =	sand.u32 $0x7FFFFC00, s1  }
0x87: {  	s1 =	sadd.s32 s1, s5  }
0x88: {  	s1 =	sshrl.u32 s1, $0x3  }
0x89: {  	s11 =	rddreg [dreg:$0x15];
	s12 =	spop (v2sf);
	s1 =	sadd.s32 s0, s1  }
0x8a: {  	[tilespmem:s11], [sflag:$0x1] =	stream.linear.gather [hbm4b:s1+s3], $0x400, $0x38;
	[tilespmem:$0x8180] =	vst v63  }
0x8b: {  	s1 =	sshll.u32 s12, $0x3  }
0x8c: {  	s1 =	sand.u32 $0x7FFFFC00, s1  }
0x8d: {  	s1 =	sadd.s32 s1, s5  }
0x8e: {  	s1 =	sshrl.u32 s1, $0x3  }
0x8f: {  	s13 =	rddreg [dreg:$0x16];
	s1 =	sadd.s32 s0, s1;
	s14 =	spop (v2sf)  }
0x90: {  	[tilespmem:s13], [sflag:$0x1] =	stream.linear.gather [hbm4b:s1+s3], $0x400, $0x38;
	[tilespmem:$0x8180] =	vst v63  }
0x91: {  	s1 =	sshll.u32 s14, $0x3  }
0x92: {  	s1 =	sand.u32 $0x7FFFFC00, s1  }
0x93: {  	s1 =	sadd.s32 s1, s5  }
0x94: {  	s1 =	sshrl.u32 s1, $0x3  }
0x95: {  	s15 =	rddreg [dreg:$0x17];
	s1 =	sadd.s32 s0, s1;
	s16 =	spop (v2sf)  }
0x96: {  	[tilespmem:s15], [sflag:$0x1] =	stream.linear.gather [hbm4b:s1+s3], $0x400, $0x38;
	[tilespmem:$0x8180] =	vst v63  }
0x97: {  	s1 =	sshll.u32 s16, $0x3  }
0x98: {  	s1 =	sand.u32 $0x7FFFFC00, s1  }
0x99: {  	s1 =	sadd.s32 s1, s5  }
0x9a: {  	s1 =	sshrl.u32 s1, $0x3  }
0x9b: {  	s17 =	rddreg [dreg:$0x18];
	s1 =	sadd.s32 s0, s1  }
0x9c: {  	[tilespmem:s17], [sflag:$0x1] =	stream.linear.gather [hbm4b:s1+s3], $0x400, $0x38;
	[tilespmem:$0x8180] =	vst v63  }
0x9d: {  	v1 =	vld [tilespmem:$0x10];
	_ =	sdelay $0x4  }
0x9e: {  	(v2sf) =	vpush v1, $0x0;
	_ =	sdelay $0x4  }
0x9f: {  	(v2sf) =	vpush v1, $0x1;
	_ =	sdelay $0x1  }
0xa0: {  	(v2sf) =	vpush v1, $0x2;
	_ =	sdelay $0x7  }
0xa1: {  	s19 =	sld [smem:$0x7F7];
	s18 =	spop (v2sf);
	(v2sf) =	vpush v1, $0x3  }
0xa2: {  	s1 =	sshll.u32 s18, $0x3  }
0xa3: {  	s1 =	sand.u32 $0x7FFFFC00, s1  }
0xa4: {  	s1 =	sadd.s32 s1, s19  }
0xa5: {  	s1 =	sshrl.u32 s1, $0x3  }
0xa6: {  	s29 =	rddreg [dreg:$0x19];
	s5 =	spop (v2sf);
	s1 =	sadd.s32 s0, s1  }
0xa7: {  	[tilespmem:s29], [sflag:$0x1] =	stream.linear.gather [hbm4b:s1+s3], $0x400, $0x38;
	[tilespmem:$0x8180] =	vst v63  }
0xa8: {  	[smem:$0x7E6] =	sst s10;
	(v2sf) =	vpush v1, $0x4;
	s10 =	spop (v2sf);
	s1 =	sshll.u32 s5, $0x3  }
0xa9: {  	s11 =	sshll.u32 s10, $0x3;
	s1 =	sand.u32 $0x7FFFFC00, s1  }
0xaa: {  	s2 =	sand.u32 $0x7FFFFC00, s11;
	s1 =	sadd.s32 s1, s19  }
0xab: {  	s8 =	rddreg [dreg:$0x1a];
	s2 =	sadd.s32 s2, s19;
	s1 =	sshrl.u32 s1, $0x3  }
0xac: {  	[smem:$0x7E7] =	sst s12;
	s2 =	sshrl.u32 s2, $0x3;
	s1 =	sadd.s32 s0, s1  }
0xad: {  	[tilespmem:s8], [sflag:$0x1] =	stream.linear.gather [hbm4b:s1+s3], $0x400, $0x38;
	[tilespmem:$0x8180] =	vst v63  }
0xae: {  	s12 =	rddreg [dreg:$0x1b];
	s2 =	sadd.s32 s0, s2  }
0xaf: {  	(v2sf) =	vpush v1, $0x5;
	[tilespmem:s12], [sflag:$0x1] =	stream.linear.gather [hbm4b:s2+s3], $0x400, $0x38;
	[tilespmem:$0x8180] =	vst v63  }
0xb0: {  	s13 =	spop (v2sf)  }
0xb1: {  	[smem:$0x7E8] =	sst s14;
	s14 =	sshll.u32 s13, $0x3  }
0xb2: {  	s8 =	sand.u32 $0x7FFFFC00, s14  }
0xb3: {  	s8 =	sadd.s32 s8, s19  }
0xb4: {  	[smem:$0x7EC] =	sst s10;
	s8 =	sshrl.u32 s8, $0x3  }
0xb5: {  	s10 =	rddreg [dreg:$0x1c];
	s8 =	sadd.s32 s0, s8  }
0xb6: {  	(v2sf) =	vpush v1, $0x6;
	[tilespmem:s10], [sflag:$0x1] =	stream.linear.gather [hbm4b:s8+s3], $0x400, $0x38;
	[tilespmem:$0x8180] =	vst v63  }
0xb7: {  	s10 =	spop (v2sf)  }
0xb8: {  	s15 =	sshll.u32 s10, $0x3  }
0xb9: {  	s8 =	sand.u32 $0x7FFFFC00, s15  }
0xba: {  	s8 =	sadd.s32 s8, s19  }
0xbb: {  	s8 =	sshrl.u32 s8, $0x3  }
0xbc: {  	s11 =	rddreg [dreg:$0x1d];
	s8 =	sadd.s32 s0, s8  }
0xbd: {  	(v2sf) =	vpush v1, $0x7;
	[tilespmem:s11], [sflag:$0x1] =	stream.linear.gather [hbm4b:s8+s3], $0x400, $0x38;
	[tilespmem:$0x8180] =	vst v63  }
0xbe: {  	s8 =	spop (v2sf)  }
0xbf: {  	[smem:$0x7E9] =	sst s16;
	s16 =	sshll.u32 s8, $0x3  }
0xc0: {  	s11 =	sand.u32 $0x7FFFFC00, s16  }
0xc1: {  	s11 =	sadd.s32 s11, s19  }
0xc2: {  	s11 =	sshrl.u32 s11, $0x3  }
0xc3: {  	s12 =	rddreg [dreg:$0x1e];
	s11 =	sadd.s32 s0, s11  }
0xc4: {  	(v2sf) =	vpush v1, $0x8;
	[tilespmem:s12], [sflag:$0x1] =	stream.linear.gather [hbm4b:s11+s3], $0x400, $0x38;
	[tilespmem:$0x8180] =	vst v63  }
0xc5: {  	s11 =	spop (v2sf)  }
0xc6: {  	s17 =	sshll.u32 s11, $0x3  }
0xc7: {  	s12 =	sand.u32 $0x7FFFFC00, s17  }
0xc8: {  	s12 =	sadd.s32 s12, s19  }
0xc9: {  	[smem:$0x7ED] =	sst s13;
	s12 =	sshrl.u32 s12, $0x3  }
0xca: {  	s13 =	rddreg [dreg:$0x1f];
	s12 =	sadd.s32 s0, s12  }
0xcb: {  	(v2sf) =	vpush v1, $0x9;
	[tilespmem:s13], [sflag:$0x1] =	stream.linear.gather [hbm4b:s12+s3], $0x400, $0x38;
	[tilespmem:$0x8180] =	vst v63  }
0xcc: {  	s12 =	spop (v2sf)  }
0xcd: {  	[smem:$0x7EA] =	sst s18;
	s18 =	sshll.u32 s12, $0x3  }
0xce: {  	s13 =	sand.u32 $0x7FFFFC00, s18  }
0xcf: {  	s14 =	sld [smem:$0x7F0];
	s13 =	sadd.s32 s13, s19  }
0xd0: {  	s13 =	sshrl.u32 s13, $0x3  }
0xd1: {  	s13 =	sadd.s32 s0, s13  }
0xd2: {  	(v2sf) =	vpush v1, $0xA;
	[tilespmem:s14], [sflag:$0x1] =	stream.linear.gather [hbm4b:s13+s3], $0x400, $0x38;
	[tilespmem:$0x8180] =	vst v63  }
0xd3: {  	s1 =	sld [smem:$0x7FA];
	s13 =	spop (v2sf)  }
0xd4: {  	s19 =	sshll.u32 s13, $0x3  }
0xd5: {  	s14 =	sand.u32 $0x7FFFFC00, s19  }
0xd6: {  	s15 =	sld [smem:$0x7F1];
	s14 =	sadd.s32 s14, s1  }
0xd7: {  	s14 =	sshrl.u32 s14, $0x3  }
0xd8: {  	s14 =	sadd.s32 s0, s14  }
0xd9: {  	(v2sf) =	vpush v1, $0xB;
	[tilespmem:s15], [sflag:$0x1] =	stream.linear.gather [hbm4b:s14+s3], $0x400, $0x38;
	[tilespmem:$0x8180] =	vst v63  }
0xda: {  	s14 =	spop (v2sf)  }
0xdb: {  	s29 =	sshll.u32 s14, $0x3  }
0xdc: {  	s15 =	sand.u32 $0x7FFFFC00, s29  }
0xdd: {  	s16 =	sld [smem:$0x7F2];
	s15 =	sadd.s32 s15, s1  }
0xde: {  	s15 =	sshrl.u32 s15, $0x3  }
0xdf: {  	s15 =	sadd.s32 s0, s15  }
0xe0: {  	(v2sf) =	vpush v1, $0xC;
	[tilespmem:s16], [sflag:$0x1] =	stream.linear.gather [hbm4b:s15+s3], $0x400, $0x38;
	[tilespmem:$0x8180] =	vst v63  }
0xe1: {  	s15 =	spop (v2sf)  }
0xe2: {  	s2 =	sshll.u32 s15, $0x3  }
0xe3: {  	s16 =	sand.u32 $0x7FFFFC00, s2  }
0xe4: {  	s17 =	sld [smem:$0x7F3];
	s16 =	sadd.s32 s16, s1  }
0xe5: {  	s16 =	sshrl.u32 s16, $0x3  }
0xe6: {  	s16 =	sadd.s32 s0, s16  }
0xe7: {  	(v2sf) =	vpush v1, $0xD;
	[tilespmem:s17], [sflag:$0x1] =	stream.linear.gather [hbm4b:s16+s3], $0x400, $0x38;
	[tilespmem:$0x8180] =	vst v63  }
0xe8: {  	s16 =	spop (v2sf)  }
0xe9: {  	s4 =	sshll.u32 s16, $0x3  }
0xea: {  	s17 =	sand.u32 $0x7FFFFC00, s4  }
0xeb: {  	s18 =	sld [smem:$0x7F4];
	s17 =	sadd.s32 s17, s1  }
0xec: {  	s17 =	sshrl.u32 s17, $0x3  }
0xed: {  	s17 =	sadd.s32 s0, s17  }
0xee: {  	(v2sf) =	vpush v1, $0xE;
	[tilespmem:s18], [sflag:$0x1] =	stream.linear.gather [hbm4b:s17+s3], $0x400, $0x38;
	[tilespmem:$0x8180] =	vst v63  }
0xef: {  	s17 =	spop (v2sf)  }
0xf0: {  	[smem:$0x7EB] =	sst s5;
	s5 =	sshll.u32 s17, $0x3  }
0xf1: {  	s18 =	sand.u32 $0x7FFFFC00, s5  }
0xf2: {  	s29 =	sld [smem:$0x7F6];
	s18 =	sadd.s32 s18, s1  }
0xf3: {  	s18 =	sshrl.u32 s18, $0x3  }
0xf4: {  	s18 =	sadd.s32 s0, s18  }
0xf5: {  	(v2sf) =	vpush v1, $0xF;
	[tilespmem:s29], [sflag:$0x1] =	stream.linear.gather [hbm4b:s18+s3], $0x400, $0x38;
	[tilespmem:$0x8180] =	vst v63  }
0xf6: {  	s18 =	spop (v2sf)  }
0xf7: {  	s19 =	sshll.u32 s18, $0x3  }
0xf8: {  	s29 =	sand.u32 $0x7FFFFC00, s19  }
0xf9: {  	s2 =	sld [smem:$0x7F8];
	s29 =	sadd.s32 s29, s1  }
0xfa: {  	s29 =	sshrl.u32 s29, $0x3  }
0xfb: {  	s29 =	sadd.s32 s0, s29  }
0xfc: {  	[tilespmem:s2], [sflag:$0x1] =	stream.linear.gather [hbm4b:s29+s3], $0x400, $0x38;
	[tilespmem:$0x8180] =	vst v63  }
0xfd: {  	s29 =	spop (v2sf)  }
0xfe: {  	s4 =	sshll.u32 s29, $0x3  }
0xff: {  	s5 =	sand.u32 $0x7FFFFC00, s4  }
0x100: {  	s19 =	sld [smem:$0x7FB];
	s5 =	sadd.s32 s5, s1  }
0x101: {  	s5 =	sshrl.u32 s5, $0x3  }
0x102: {  	s5 =	sadd.s32 s0, s5  }
0x103: {  	[tilespmem:s19], [sflag:$0x1] =	stream.linear.gather [hbm4b:s5+s3], $0x400, $0x38;
	[tilespmem:$0x8180] =	vst v63  }
0x104: {  	s5 =	spop (v2sf)  }
0x105: {  	s19 =	sshll.u32 s5, $0x3  }
0x106: {  	[smem:$0x7EF] =	sst s5;
	s5 =	sand.u32 $0x7FFFFC00, s19  }
0x107: {  	s5 =	sadd.s32 s5, s1;
	s1 =	sld [smem:$0x7FC]  }
0x108: {  	s5 =	sshrl.u32 s5, $0x3  }
0x109: {  	s5 =	sadd.s32 s0, s5  }
0x10a: {  	[tilespmem:s1], [sflag:$0x1] =	stream.linear.gather [hbm4b:s5+s3], $0x400, $0x38;
	[tilespmem:$0x8180] =	vst v63  }
0x10b: {  	_ =	swait.ge [sflag:s9], $0x400  }
0x10c: {  	[sflag:s9] =	ssyncset.done $0x0  }
0x10d: {  	[sflag:s9] =	ssyncadd.s32 $0xFFFFFC00  }
0x10e: {  	_ =	swait.ge [sflag:s9], $0x400  }
0x10f: {  	[sflag:s9] =	ssyncset.done $0x0  }
0x110: {  	[sflag:s9] =	ssyncadd.s32 $0xFFFFFC00  }
0x111: {  	_ =	swait.ge [sflag:s9], $0x400  }
0x112: {  	[sflag:s9] =	ssyncset.done $0x0  }
0x113: {  	[sflag:s9] =	ssyncadd.s32 $0xFFFFFC00  }
0x114: {  	_ =	swait.ge [sflag:s9], $0x400  }
0x115: {  	[sflag:s9] =	ssyncset.done $0x0  }
0x116: {  	[sflag:s9] =	ssyncadd.s32 $0xFFFFFC00  }
0x117: {  	_ =	swait.ge [sflag:s9], $0x400  }
0x118: {  	[sflag:s9] =	ssyncset.done $0x0  }
0x119: {  	[sflag:s9] =	ssyncadd.s32 $0xFFFFFC00  }
0x11a: {  	_ =	swait.ge [sflag:s9], $0x400  }
0x11b: {  	[sflag:s9] =	ssyncset.done $0x0  }
0x11c: {  	[sflag:s9] =	ssyncadd.s32 $0xFFFFFC00  }
0x11d: {  	_ =	swait.ge [sflag:s9], $0x400  }
0x11e: {  	[sflag:s9] =	ssyncset.done $0x0  }
0x11f: {  	[sflag:s9] =	ssyncadd.s32 $0xFFFFFC00  }
0x120: {  	_ =	swait.ge [sflag:s9], $0x400  }
0x121: {  	[sflag:s9] =	ssyncset.done $0x0  }
0x122: {  	[sflag:s9] =	ssyncadd.s32 $0xFFFFFC00  }
0x123: {  	_ =	swait.ge [sflag:s9], $0x400  }
0x124: {  	[sflag:s9] =	ssyncset.done $0x0  }
0x125: {  	[sflag:s9] =	ssyncadd.s32 $0xFFFFFC00  }
0x126: {  	_ =	swait.ge [sflag:s9], $0x400  }
0x127: {  	[sflag:s9] =	ssyncset.done $0x0  }
0x128: {  	[sflag:s9] =	ssyncadd.s32 $0xFFFFFC00  }
0x129: {  	_ =	swait.ge [sflag:s9], $0x400  }
0x12a: {  	[sflag:s9] =	ssyncset.done $0x0  }
0x12b: {  	[sflag:s9] =	ssyncadd.s32 $0xFFFFFC00  }
0x12c: {  	_ =	swait.ge [sflag:s9], $0x400  }
0x12d: {  	[sflag:s9] =	ssyncset.done $0x0  }
0x12e: {  	[sflag:s9] =	ssyncadd.s32 $0xFFFFFC00  }
0x12f: {  	_ =	swait.ge [sflag:s9], $0x400  }
0x130: {  	[sflag:s9] =	ssyncset.done $0x0  }
0x131: {  	[sflag:s9] =	ssyncadd.s32 $0xFFFFFC00  }
0x132: {  	_ =	swait.ge [sflag:s9], $0x400  }
0x133: {  	[sflag:s9] =	ssyncset.done $0x0  }
0x134: {  	[sflag:s9] =	ssyncadd.s32 $0xFFFFFC00  }
0x135: {  	_ =	swait.ge [sflag:s9], $0x400  }
0x136: {  	[sflag:s9] =	ssyncset.done $0x0  }
0x137: {  	[sflag:s9] =	ssyncadd.s32 $0xFFFFFC00  }
0x138: {  	_ =	swait.ge [sflag:s9], $0x400  }
0x139: {  	[sflag:s9] =	ssyncset.done $0x0  }
0x13a: {  	s2 =	sand.u32 $0x70, s7;
	[sflag:s9] =	ssyncadd.s32 $0xFFFFFC00  }
0x13b: {  	s4 =	sand.u32 $0x70, s20;
	v8 =	vld [tilespmem:s2+$0x100]  }
0x13c: {  	s19 =	smov.u32 s7;
	s7 =	sand.u32 $0x70, s21;
	v9 =	vld [tilespmem:s4+$0x580]  }
0x13d: {  	s1 =	sand.u32 $0x70, s6;
	v10 =	vld [tilespmem:s7+$0xA00]  }
0x13e: {  	v11 =	vld [tilespmem:s1+$0xE80];
	s4 =	sand.u32 $0x70, s24  }
0x13f: {  	s1 =	sand.u32 $0x70, s26;
	v13 =	vld [tilespmem:s4+$0x1780]  }
0x140: {  	v15 =	vld [tilespmem:s1+$0x2080];
	s1 =	sand.u32 $0x70, s31  }
0x141: {  	s7 =	sand.u32 $0x70, s25;
	v6 =	vld [tilespmem:s1+$0x2E80];
	s1 =	sld [smem:$0x7E7]  }
0x142: {  	v14 =	vld [tilespmem:s7+$0x1C00];
	s4 =	sand.u32 $0x70, s22  }
0x143: {  	s7 =	sand.u32 $0x70, s30;
	v17 =	vld [tilespmem:s4+$0x2580]  }
0x144: {  	v7 =	vld [tilespmem:s7+$0x2A00];
	s4 =	sld [smem:$0x7E6];
	s7 =	sand.u32 $0x70, s1  }
0x145: {  	s2 =	sand.u32 $0x70, s23;
	v3 =	vld [tilespmem:s7+$0x3780];
	s7 =	sld [smem:$0x7E8]  }
0x146: {  	v12 =	vld [tilespmem:s2+$0x1300];
	s2 =	sand.u32 $0x70, s28  }
0x147: {  	v16 =	vld [tilespmem:s2+$0x2100];
	s2 =	sand.u32 $0x70, s4  }
0x148: {  	v5 =	vld [tilespmem:s2+$0x3300];
	s2 =	sand.u32 $0x70, s7  }
0x149: {  	v2 =	vld [tilespmem:s2+$0x3C00];
	s2 =	sld [smem:$0x7E9];
	_ =	sdelay $0x2  }
0x14a: {  	v4 =	vld [tilespmem:$0x80];
	s5 =	sand.u32 $0x70, s2  }
0x14b: {  	v1 =	vld [tilespmem:s5+$0x4080];
	_ =	swait.ge [sflag:s9], $0x400  }
0x14c: {  	[sflag:s9] =	ssyncset.done $0x0  }
0x14d: {  	[sflag:s9] =	ssyncadd.s32 $0xFFFFFC00  }
0x14e: {  	_ =	swait.ge [sflag:s9], $0x400  }
0x14f: {  	[sflag:s9] =	ssyncset.done $0x0  }
0x150: {  	[sflag:s9] =	ssyncadd.s32 $0xFFFFFC00  }
0x151: {  	_ =	swait.ge [sflag:s9], $0x400  }
0x152: {  	[sflag:s9] =	ssyncset.done $0x0  }
0x153: {  	[sflag:s9] =	ssyncadd.s32 $0xFFFFFC00  }
0x154: {  	_ =	swait.ge [sflag:s9], $0x400  }
0x155: {  	[sflag:s9] =	ssyncset.done $0x0  }
0x156: {  	[sflag:s9] =	ssyncadd.s32 $0xFFFFFC00  }
0x157: {  	_ =	swait.ge [sflag:s9], $0x400  }
0x158: {  	[sflag:s9] =	ssyncset.done $0x0  }
0x159: {  	[sflag:s9] =	ssyncadd.s32 $0xFFFFFC00  }
0x15a: {  	_ =	swait.ge [sflag:s9], $0x400  }
0x15b: {  	[sflag:s9] =	ssyncset.done $0x0  }
0x15c: {  	[sflag:s9] =	ssyncadd.s32 $0xFFFFFC00  }
0x15d: {  	_ =	swait.ge [sflag:s9], $0x400  }
0x15e: {  	[sflag:s9] =	ssyncset.done $0x0  }
0x15f: {  	s19 =	sand.u32 $0xF, s19;
	[sflag:s9] =	ssyncadd.s32 $0xFFFFFC00  }
0x160: {  	v18 =	vmov s19;
	v19 =	vbroadcast v4, $0x0;
	_ =	swait.ge [sflag:s9], $0x400  }
0x161: {  	s19 =	sand.u32 $0xF, s20;
	vm0 =	veq.s32 v18, v0;
	[sflag:s9] =	ssyncset.done $0x0  }
0x162: {  	v61 =	vmov s19;
	v20 =	vbroadcast v4, $0x1;
	v19 =	vnsel vm0, $0x0, v19;
	[sflag:s9] =	ssyncadd.s32 $0xFFFFFC00  }
0x163: {  	s20 =	sand.u32 $0xF, s21;
	vm9 =	veq.s32 v61, v0;
	v8 =	vmul.f32 v19, v8;
	_ =	swait.ge [sflag:s9], $0x400  }
0x164: {  	v62 =	vmov s20;
	v24 =	vbroadcast v4, $0x2;
	v63 =	vnsel vm9, $0x0, v20;
	[sflag:s9] =	ssyncset.done $0x0  }
0x165: {  	s21 =	sand.u32 $0xF, s6;
	vm10 =	veq.s32 v62, v0;
	v9 =	vmul.f32 v9, v63;
	v8 =	vadd.f32 $0.0e+00, v8;
	[sflag:s9] =	ssyncadd.s32 $0xFFFFFC00  }
0x166: {  	v25 =	vmov s21;
	v27 =	vbroadcast v4, $0x3;
	v26 =	vnsel vm10, $0x0, v24;
	_ =	swait.ge [sflag:s9], $0x400  }
0x167: {  	vm11 =	veq.s32 v25, v0;
	s23 =	sand.u32 $0xF, s23;
	v28 =	vmul.f32 v10, v26;
	v8 =	vadd.f32 v8, v9;
	[sflag:s9] =	ssyncset.done $0x0  }
0x168: {  	v29 =	vmov s23;
	v30 =	vbroadcast v4, $0x4;
	v18 =	vnsel vm11, $0x0, v27;
	[sflag:s9] =	ssyncadd.s32 $0xFFFFFC00  }
0x169: {  	s6 =	sand.u32 $0xF, s24;
	vm12 =	veq.s32 v29, v0;
	v31 =	vmul.f32 v11, v18;
	v8 =	vadd.f32 v8, v28;
	_ =	swait.ge [sflag:s9], $0x400  }
0x16a: {  	v32 =	vmov s6;
	v34 =	vbroadcast v4, $0x5;
	v33 =	vnsel vm12, $0x0, v30;
	[sflag:s9] =	ssyncset.done $0x0  }
0x16b: {  	s19 =	sand.u32 $0xF, s25;
	vm13 =	veq.s32 v32, v0;
	v35 =	vmul.f32 v12, v33;
	v8 =	vadd.f32 v8, v31;
	[sflag:s9] =	ssyncadd.s32 $0xFFFFFC00  }
0x16c: {  	v36 =	vmov s19;
	v38 =	vbroadcast v4, $0x6;
	v37 =	vnsel vm13, $0x0, v34;
	_ =	swait.ge [sflag:s9], $0x400  }
0x16d: {  	s20 =	sand.u32 $0xF, s26;
	vm14 =	veq.s32 v36, v0;
	v39 =	vmul.f32 v13, v37;
	v8 =	vadd.f32 v8, v35;
	[sflag:s9] =	ssyncset.done $0x0  }
0x16e: {  	v40 =	vmov s20;
	v42 =	vbroadcast v4, $0x7;
	v41 =	vnsel vm14, $0x0, v38;
	[sflag:s9] =	ssyncadd.s32 $0xFFFFFC00  }
0x16f: {  	s21 =	sand.u32 $0xF, s28;
	vm15 =	veq.s32 v40, v0;
	v43 =	vmul.f32 v14, v41;
	v8 =	vadd.f32 v8, v39;
	_ =	swait.ge [sflag:s9], $0x400  }
0x170: {  	v44 =	vmov s21;
	v46 =	vbroadcast v4, $0x8;
	v45 =	vnsel vm15, $0x0, v42;
	[sflag:s9] =	ssyncset.done $0x0  }
0x171: {  	vm4 =	veq.s32 v44, v0;
	s22 =	sand.u32 $0xF, s22;
	v47 =	vmul.f32 v15, v45;
	v8 =	vadd.f32 v8, v43;
	[sflag:s9] =	ssyncadd.s32 $0xFFFFFC00  }
0x172: {  	v48 =	vmov s22;
	v50 =	vbroadcast v4, $0x9;
	v49 =	vnsel vm4, $0x0, v46;
	_ =	swait.ge [sflag:s9], $0x400  }
0x173: {  	s23 =	sand.u32 $0xF, s30;
	vm5 =	veq.s32 v48, v0;
	v51 =	vmul.f32 v16, v49;
	v8 =	vadd.f32 v8, v47;
	[sflag:s9] =	ssyncset.done $0x0  }
0x174: {  	v52 =	vmov s23;
	v54 =	vbroadcast v4, $0xA;
	v53 =	vnsel vm5, $0x0, v50;
	[sflag:s9] =	ssyncadd.s32 $0xFFFFFC00  }
0x175: {  	s24 =	sand.u32 $0xF, s31;
	vm6 =	veq.s32 v52, v0;
	v55 =	vmul.f32 v17, v53;
	v8 =	vadd.f32 v8, v51;
	_ =	swait.ge [sflag:s9], $0x400  }
0x176: {  	v56 =	vmov s24;
	v58 =	vbroadcast v4, $0xB;
	v57 =	vnsel vm6, $0x0, v54;
	[sflag:s9] =	ssyncset.done $0x0  }
0x177: {  	vm7 =	veq.s32 v56, v0;
	s25 =	sand.u32 $0xF, s4;
	v7 =	vmul.f32 v7, v57;
	v8 =	vadd.f32 v8, v55;
	[sflag:s9] =	ssyncadd.s32 $0xFFFFFC00  }
0x178: {  	v60 =	vbroadcast v4, $0xC;
	v59 =	vmov s25;
	v10 =	vnsel vm7, $0x0, v58;
	_ =	swait.ge [sflag:s9], $0x400  }
0x179: {  	s26 =	sand.u32 $0xF, s1;
	vm8 =	veq.s32 v59, v0;
	v6 =	vmul.f32 v6, v10;
	v7 =	vadd.f32 v8, v7;
	[sflag:s9] =	ssyncset.done $0x0  }
0x17a: {  	v62 =	vbroadcast v4, $0xD;
	v61 =	vmov s26;
	v9 =	vnsel vm8, $0x0, v60;
	s31 =	sld [smem:$0x7EA];
	[sflag:s9] =	ssyncadd.s32 $0xFFFFFC00  }
0x17b: {  	vm9 =	veq.s32 v61, v0;
	s28 =	sand.u32 $0xF, s7;
	v63 =	vmul.f32 v5, v9;
	v6 =	vadd.f32 v7, v6;
	v12 =	vld [tilespmem:$0x90]  }
0x17c: {  	v14 =	vbroadcast v4, $0xE;
	v13 =	vmov s28;
	v8 =	vnsel vm9, $0x0, v62;
	s6 =	sld [smem:$0x7EB]  }
0x17d: {  	vm10 =	veq.s32 v13, v0;
	s30 =	sand.u32 $0xF, s2;
	v3 =	vmul.f32 v3, v8;
	v6 =	vadd.f32 v6, v63;
	s2 =	sand.u32 $0x70, s31  }
0x17e: {  	v4 =	vbroadcast v4, $0xF;
	v16 =	vnsel vm10, $0x0, v14;
	v15 =	vmov s30;
	s20 =	sld [smem:$0x7EC];
	v17 =	vld [tilespmem:s2+$0x4100]  }
0x17f: {  	v2 =	vmul.f32 v2, v16;
	vm11 =	veq.s32 v15, v0;
	v3 =	vadd.f32 v6, v3;
	s4 =	sand.u32 $0xF, s31;
	s7 =	sand.u32 $0x70, s6  }
0x180: {  	v4 =	vnsel vm11, $0x0, v4;
	s22 =	sld [smem:$0x7ED];
	v18 =	vmov s4;
	v20 =	vld [tilespmem:s7+$0x4580];
	v19 =	vbroadcast v12, $0x0  }
0x181: {  	v1 =	vmul.f32 v1, v4;
	v2 =	vadd.f32 v3, v2;
	s19 =	sand.u32 $0xF, s6;
	s21 =	sand.u32 $0x70, s20;
	vm12 =	veq.s32 v18, v0  }
0x182: {  	v3 =	vmov s19;
	v23 =	vld [tilespmem:s21+$0x4A00];
	v22 =	vbroadcast v12, $0x1;
	v21 =	vnsel vm12, $0x0, v19  }
0x183: {  	v1 =	vadd.f32 v2, v1;
	s1 =	sand.u32 $0xF, s20;
	s23 =	sand.u32 $0x70, s22;
	vm13 =	veq.s32 v3, v0;
	v2 =	vmul.f32 v21, v17  }
0x184: {  	v26 =	vld [tilespmem:s23+$0x4E80];
	v3 =	vmov s1;
	v25 =	vbroadcast v12, $0x2;
	v24 =	vnsel vm13, $0x0, v22  }
0x185: {  	s25 =	sand.u32 $0x70, s10;
	s24 =	sand.u32 $0xF, s22;
	vm14 =	veq.s32 v3, v0;
	v1 =	vadd.f32 v2, v1;
	v2 =	vmul.f32 v20, v24  }
0x186: {  	v29 =	vld [tilespmem:s25+$0x5300];
	v3 =	vmov s24;
	v28 =	vbroadcast v12, $0x3;
	v27 =	vnsel vm14, $0x0, v25  }
0x187: {  	s26 =	sand.u32 $0xF, s10;
	s28 =	sand.u32 $0x70, s8;
	vm15 =	veq.s32 v3, v0;
	v1 =	vadd.f32 v1, v2;
	v2 =	vmul.f32 v23, v27  }
0x188: {  	v32 =	vld [tilespmem:s28+$0x5780];
	v3 =	vmov s26;
	v31 =	vbroadcast v12, $0x4;
	v30 =	vnsel vm15, $0x0, v28  }
0x189: {  	s30 =	sand.u32 $0xF, s8;
	s31 =	sand.u32 $0x70, s11;
	vm4 =	veq.s32 v3, v0;
	v1 =	vadd.f32 v1, v2;
	v2 =	vmul.f32 v26, v30  }
0x18a: {  	v35 =	vld [tilespmem:s31+$0x5C00];
	v34 =	vbroadcast v12, $0x5;
	v3 =	vmov s30;
	v33 =	vnsel vm4, $0x0, v31  }
0x18b: {  	s6 =	sand.u32 $0x70, s12;
	s4 =	sand.u32 $0xF, s11;
	vm5 =	veq.s32 v3, v0;
	v1 =	vadd.f32 v1, v2;
	v2 =	vmul.f32 v29, v33  }
0x18c: {  	v38 =	vld [tilespmem:s6+$0x6080];
	v37 =	vbroadcast v12, $0x6;
	v3 =	vmov s4;
	v36 =	vnsel vm5, $0x0, v34  }
0x18d: {  	s8 =	sand.u32 $0x70, s13;
	s7 =	sand.u32 $0xF, s12;
	vm6 =	veq.s32 v3, v0;
	v1 =	vadd.f32 v1, v2;
	v2 =	vmul.f32 v32, v36  }
0x18e: {  	v41 =	vld [tilespmem:s8+$0x6100];
	v40 =	vbroadcast v12, $0x7;
	v3 =	vmov s7;
	v39 =	vnsel vm6, $0x0, v37  }
0x18f: {  	s10 =	sand.u32 $0xF, s13;
	s11 =	sand.u32 $0x70, s14;
	vm7 =	veq.s32 v3, v0;
	v1 =	vadd.f32 v1, v2;
	v2 =	vmul.f32 v35, v39  }
0x190: {  	v44 =	vld [tilespmem:s11+$0x6580];
	v43 =	vbroadcast v12, $0x8;
	v3 =	vmov s10;
	v42 =	vnsel vm7, $0x0, v40  }
0x191: {  	s13 =	sand.u32 $0x70, s15;
	s12 =	sand.u32 $0xF, s14;
	vm8 =	veq.s32 v3, v0;
	v1 =	vadd.f32 v1, v2;
	v2 =	vmul.f32 v38, v42  }
0x192: {  	v47 =	vld [tilespmem:s13+$0x6A00];
	v46 =	vbroadcast v12, $0x9;
	v3 =	vmov s12;
	v45 =	vnsel vm8, $0x0, v43  }
0x193: {  	s14 =	sand.u32 $0xF, s15;
	s15 =	sand.u32 $0x70, s16;
	vm9 =	veq.s32 v3, v0;
	v1 =	vadd.f32 v1, v2;
	v2 =	vmul.f32 v41, v45  }
0x194: {  	v50 =	vld [tilespmem:s15+$0x6E80];
	v49 =	vbroadcast v12, $0xA;
	v3 =	vmov s14;
	v48 =	vnsel vm9, $0x0, v46  }
0x195: {  	s16 =	sand.u32 $0xF, s16;
	s19 =	sand.u32 $0x70, s17;
	vm10 =	veq.s32 v3, v0;
	v1 =	vadd.f32 v1, v2;
	v2 =	vmul.f32 v44, v48  }
0x196: {  	v53 =	vld [tilespmem:s19+$0x7300];
	v52 =	vbroadcast v12, $0xB;
	v3 =	vmov s16;
	v51 =	vnsel vm10, $0x0, v49  }
0x197: {  	s20 =	sand.u32 $0xF, s17;
	s21 =	sand.u32 $0x70, s18;
	vm11 =	veq.s32 v3, v0;
	v1 =	vadd.f32 v1, v2;
	v2 =	vmul.f32 v47, v51  }
0x198: {  	s25 =	sld [smem:$0x7EF];
	v56 =	vld [tilespmem:s21+$0x7780];
	v55 =	vbroadcast v12, $0xC;
	v3 =	vmov s20;
	v54 =	vnsel vm11, $0x0, v52  }
0x199: {  	s22 =	sand.u32 $0xF, s18;
	s23 =	sand.u32 $0x70, s29;
	vm12 =	veq.s32 v3, v0;
	v1 =	vadd.f32 v1, v2;
	v2 =	vmul.f32 v50, v54  }
0x19a: {  	v59 =	vld [tilespmem:s23+$0x7C00];
	v58 =	vbroadcast v12, $0xD;
	v3 =	vmov s22;
	v57 =	vnsel vm12, $0x0, v55  }
0x19b: {  	s24 =	sand.u32 $0xF, s29;
	s26 =	sand.u32 $0x70, s25;
	vm13 =	veq.s32 v3, v0;
	v1 =	vadd.f32 v1, v2;
	v2 =	vmul.f32 v53, v57  }
0x19c: {  	v61 =	vbroadcast v12, $0xE;
	v62 =	vld [tilespmem:s26+$0x8080];
	v3 =	vmov s24;
	v60 =	vnsel vm13, $0x0, v58  }
0x19d: {  	s28 =	sand.u32 $0xF, s25;
	vm14 =	veq.s32 v3, v0;
	v1 =	vadd.f32 v1, v2;
	v2 =	vmul.f32 v56, v60  }
0x19e: {  	v63 =	vmov s28;
	v5 =	vbroadcast v12, $0xF;
	v3 =	vnsel vm14, $0x0, v61  }
0x19f: {  	vm15 =	veq.s32 v63, v0;
	v1 =	vadd.f32 v1, v2;
	v2 =	vmul.f32 v59, v3  }
0x1a0: {  	v3 =	vnsel vm15, $0x0, v5  }
0x1a1: {  	s5 =	sld [smem:$0x7EE];
	v1 =	vadd.f32 v1, v2;
	v2 =	vmul.f32 v62, v3;
	_ =	sdelay $0x1  }
0x1a2: {  	s30 =	sld [smem:$0x7FD];
	v1 =	vadd.f32 v1, v2  }
0x1a3: {  	p0 =	sne.s32 s5, $0x1  }
.Ltmp0:
0x1a4: {  	s31 =	simm.s32 $0x2;
	s29 =	rddreg [dreg:$0x7];
	[tilespmem:$0x8100] =	vst v1;
	(pc) =	sbr.rel @p0 .LBB2_1-.Ltmp0, $4  }
0x1a5: {  	[hbm4b:s29+s3] =	stream.linear.scatter [tilespmem:s30], [sflag:$0x2], $0x10, $0x38;
	[tilespmem:$0x8180] =	vst v63  }
0x1a6: {  	_ =	swait.ge [sflag:s31], $0x10  }
0x1a7: {  	[sflag:s31] =	ssyncset.done $0x0  }
0x1a8: {  	s5 =	sadd.s32 $0xFFFFFFFF, s5;
	[sflag:s31] =	ssyncadd.s32 $0xFFFFFFF0  }
0x1a9: {  	_ =	sfence.sel $0x180000  }
0x1aa: {  	[bflag:$0x0] =	sbarrier.arrive $0xFFFF  }
0x1ab: {  	_ =	strace $0x90000047  }
0x1ac: {  	s0 =	stileid.u32;
	[bflag:$0x2] =	sbarrier.arrive $0xFFFF  }
0x1ad: {  	p0 =	sne.s32 s0, $0x0;
	s0 =	rddreg [dreg:$0x4]  }
0x1ae: {  	s0 =	sadd.s32 @!p0 $0x100000, s0  }
0x1af: {  	[sflag:s0] =	ssyncadd.tile.s32 @!p0 $0x1;
	_ =	shalt  }
.Lfunc_end2:
_tile_overlayer_lowered:
.L_overlay_start_2:
0x1b0: {  	(tag) =	ssettag $0x2  }
0x1b1: {  	s0 =	rddreg [dreg:$0x0];
	s2 =	stileid.u32  }
0x1b2: {  	s1 =	rddreg [dreg:$0x1];
	p0 =	sne.s32 s2, $0x0  }
0x1b3: {  	s3 =	rddreg [dreg:$0x2];
	[bflag:$0x3] =	sbarrier.arrive $0xFFFF;
	s2 =	simm.s32 @!p0 $0x1C02  }
0x1b4: {  	[timem:s3], [sflag:s2] =	dma.local @!p0 [hbm:s0], s1  }
0x1b5: {  	s0 =	simm.s32 @!p0 $0x2  }
0x1b6: {  	_ =	swait.ge @!p0 [sflag:s0], s1  }
0x1b7: {  	s1 =	ssub.s32 @!p0 $0x0, s1;
	[sflag:s0] =	ssyncset.done @!p0 $0x0  }
0x1b8: {  	[sflag:s0] =	ssyncadd.s32 @!p0 s1  }
0x1b9: {  	[bflag:$0x3] =	sbarrier.arrive $0xFFFF  }
0x1ba: {  	_ =	shalt  }

</sc_bundles>
